<compile_context>
chip_gen: v7x
topology: tpu7x:2x2x1
jax: 0.10.2.dev20260603
libtpu: 0.0.44.dev20260713+nightly
codegen_flags: <defaults>
</compile_context>

<pallas_src>
import functools

import jax
import jax.numpy as jnp
from jax import lax
from jax.experimental import pallas as pl
from jax.experimental.pallas import tpu as pltpu
from jax.experimental.pallas import tpu_sc as plsc

N_NODES = 100000
K_VOL = 27
C_CH = 16

NW = 32
G = 448
CPK = (N_NODES + G - 1) // G
NUM_CHUNKS = K_VOL * CPK
LAST_NODE = N_NODES - G


def _chunk_coords(c):
    k = c // CPK
    node = jnp.minimum((c % CPK) * G, LAST_NODE)
    return k, pl.multiple_of(node, 8)


def _make_sc_gather():
    mesh = plsc.VectorSubcoreMesh(core_axis_name="c", subcore_axis_name="s")

    @functools.partial(
        pl.kernel,
        mesh=mesh,
        out_type=jax.ShapeDtypeStruct((K_VOL, C_CH, N_NODES), jnp.float32),
        scratch_types=[
            pltpu.VMEM((G,), jnp.int32),
            pltpu.VMEM((G,), jnp.int32),
            pltpu.VMEM((G, C_CH), jnp.float32),
            pltpu.VMEM((G, C_CH), jnp.float32),
            pltpu.VMEM((C_CH, G), jnp.float32),
            pltpu.VMEM((C_CH, G), jnp.float32),
            pltpu.VMEM_SHARED((N_NODES + 8, C_CH), jnp.float32),
            pltpu.SemaphoreType.DMA,
            pltpu.SemaphoreType.DMA,
            pltpu.SemaphoreType.DMA,
            pltpu.SemaphoreType.DMA,
            pltpu.SemaphoreType.DMA,
            pltpu.SemaphoreType.DMA,
        ],
        compiler_params=pltpu.CompilerParams(
            use_tc_tiling_on_sc=False, needs_layout_passes=False
        ),
    )
    def sc_gather(
        data_hbm, idxt_hbm, out_hbm,
        idx0, idx1, rows0, rows1, tr0, tr1, table_sp,
        sg0, sg1, sw0, sw1, si0, si1,
    ):
        idx = (idx0, idx1)
        rows = (rows0, rows1)
        tr = (tr0, tr1)
        sg = (sg0, sg1)
        sw = (sw0, sw1)
        si = (si0, si1)

        wid = lax.axis_index("s") * 2 + lax.axis_index("c")
        n_mine = (NUM_CHUNKS + NW - 1 - wid) // NW
        lane = jax.lax.broadcasted_iota(jnp.int32, (16,), 0)

        @pl.when(lax.axis_index("s") == 0)
        def _():
            zero = jnp.zeros((16,), jnp.float32)
            for r in range(8):
                rows0[r, :] = zero
            pltpu.sync_copy(
                rows0.at[pl.ds(0, 8), :], table_sp.at[pl.ds(N_NODES, 8), :]
            )
            pltpu.sync_copy(data_hbm, table_sp.at[pl.ds(0, N_NODES), :])

        plsc.subcore_barrier()

        def idx_load(t, b):
            k, node = _chunk_coords(wid + t * NW)
            pltpu.async_copy(idxt_hbm.at[k, pl.ds(node, G)], idx[b], si[b])

        def stage_wait_prev(t, b):
            bu = b ^ 1
            w = t - 3

            @pl.when(w >= 0)
            def _():
                kw, nodew = _chunk_coords(wid + w * NW)
                pltpu.make_async_copy(
                    tr[bu], out_hbm.at[kw, :, pl.ds(nodew, G)], sw[bu]
                ).wait()

            pltpu.make_async_copy(
                table_sp.at[idx[bu]], rows[bu], sg[bu]
            ).wait()

        def stage_issue(t, b):
            k, node = _chunk_coords(wid + t * NW)
            pltpu.make_async_copy(
                idxt_hbm.at[k, pl.ds(node, G)], idx[b], si[b]
            ).wait()

            def remap(i, carry2):
                sl = pl.ds(i * 16, 16)
                v = idx[b][sl]
                idx[b][sl] = jnp.where(v < 0, N_NODES, v)
                return carry2

            lax.fori_loop(0, G // 16, remap, 0, unroll=8)
            pltpu.async_copy(table_sp.at[idx[b]], rows[b], sg[b])

            @pl.when(t + 1 < n_mine)
            def _():
                idx_load(t + 1, b ^ 1)

        def stage_retire(t, b):
            u = t - 1
            bu = b ^ 1

            @plsc.parallel_loop(0, G // 16, unroll=4)
            def _(blk):
                row0 = blk * 16
                ridx = row0 + lane
                for ch in range(C_CH):
                    col = plsc.load_gather(
                        rows[bu], [ridx, jnp.full((16,), ch, jnp.int32)]
                    )
                    tr[bu][ch, pl.ds(row0, 16)] = col
            ku, nodeu = _chunk_coords(wid + u * NW)
            pltpu.async_copy(tr[bu], out_hbm.at[ku, :, pl.ds(nodeu, G)], sw[bu])

        def pair_body(tt, carry):
            for b in (0, 1):
                t = 2 * tt + b

                @pl.when((t >= 1) & (t <= n_mine))
                def _():
                    stage_wait_prev(t, b)

                @pl.when(t < n_mine)
                def _():
                    stage_issue(t, b)

                @pl.when((t >= 1) & (t <= n_mine))
                def _():
                    stage_retire(t, b)

            return carry

        idx_load(0, 0)
        lax.fori_loop(0, (n_mine + 2) // 2, pair_body, 0)

        for b in (0, 1):
            wb = n_mine - 1 - ((n_mine - 1 + b) % 2)
            kb, nodeb = _chunk_coords(wid + wb * NW)
            pltpu.make_async_copy(
                tr[b], out_hbm.at[kb, :, pl.ds(nodeb, G)], sw[b]
            ).wait()

    return sc_gather


_sc_gather = _make_sc_gather()


@jax.jit
def kernel(data_in, octree):
    out_t = _sc_gather(data_in, octree.T)
    return out_t.transpose(2, 0, 1)

# --- scband reference (transcript-rebuilt; emitter-appended) ---
"""Pipeline reference for scband-octree2-col-12824772345910 (READ-ONLY COPY).

The authoritative reference and input builder live on the scoring server;
editing this copy changes nothing except your own understanding.
"""

import jax, jax.numpy as jnp
import numpy as np

N = 100000  # non-empty octree nodes at depth
C = 16      # channels
K = 27      # kernel volume for kernel_size '333'


def setup_inputs(seed: int = 0) -> dict:
    key = jax.random.key(seed)
    k1, k2, k3 = jax.random.split(key, 3)
    data_in = jax.random.normal(k1, (N, C), dtype=jnp.float32)
    # 'octree' is represented by its precomputed neighbor index table
    # neigh[i, j] = index of j-th kernel neighbor of output node i, or -1 if
    # the neighbor is empty / out of bounds (octree boundary padding).
    neigh = jax.random.randint(k2, (N, K), 0, N, dtype=jnp.int32)
    empty = jax.random.uniform(k3, (N, K)) < 0.1  # ~10% empty neighbors
    neigh = jnp.where(empty, -1, neigh)
    return {"data_in": data_in, "octree": neigh}


def reference(data_in, octree):
    # Faithful ocnn.nn.octree2col: gather neighbor features into column
    # layout [M, K, C]; entries with neigh == -1 are zero-padded.
    neigh = octree
    valid = neigh >= 0                      # [M, K]
    safe_idx = jnp.where(valid, neigh, 0)   # clamp -1 to 0 for safe gather
    out = jnp.take(data_in, safe_idx, axis=0)   # [M, K, C]
    out = jnp.where(valid[..., None], out, jnp.zeros((), dtype=data_in.dtype))
    return out

if __name__ == "__main__":
    import jax
    _d = setup_inputs()
    print(jax.jit(kernel)(*tuple(_d.values())))

</pallas_src>

<mosaic_0001>
#map = affine_map<(d0, d1) -> (0, 0)>
#map1 = affine_map<(d0, d1) -> (0, 0, 0)>
module attributes {stable_mosaic.version = 14 : i64} {
  func.func @sc_gather(%arg0: i32, %arg1: i32, %arg2: memref<100000x16xf32, #tpu.memory_space<hbm>>, %arg3: memref<27x100000xi32, #tpu.memory_space<hbm>>, %arg4: memref<27x16x100000xf32, #tpu.memory_space<hbm>>, %arg5: memref<448xi32, #tpu.memory_space<vmem>>, %arg6: memref<448xi32, #tpu.memory_space<vmem>>, %arg7: memref<448x16xf32, #tpu.memory_space<vmem>>, %arg8: memref<448x16xf32, #tpu.memory_space<vmem>>, %arg9: memref<16x448xf32, #tpu.memory_space<vmem>>, %arg10: memref<16x448xf32, #tpu.memory_space<vmem>>, %arg11: memref<100008x16xf32, #tpu.memory_space<vmem_shared>>, %arg12: memref<!tpu.dma_semaphore, #tpu.memory_space<semaphore_mem>>, %arg13: memref<!tpu.dma_semaphore, #tpu.memory_space<semaphore_mem>>, %arg14: memref<!tpu.dma_semaphore, #tpu.memory_space<semaphore_mem>>, %arg15: memref<!tpu.dma_semaphore, #tpu.memory_space<semaphore_mem>>, %arg16: memref<!tpu.dma_semaphore, #tpu.memory_space<semaphore_mem>>, %arg17: memref<!tpu.dma_semaphore, #tpu.memory_space<semaphore_mem>>) attributes {dimension_semantics = [#tpu.dimension_semantics<core_parallel>, #tpu.dimension_semantics<subcore_parallel>], iteration_bounds = array<i64: 2, 16>, scalar_prefetch = 0 : i64, scratch_operands = 13 : i64, tpu.core_type = #tpu.core_type<sc_vector_subcore>, window_params = [{transform_indices = #map}, {transform_indices = #map}, {transform_indices = #map1}]} {
    %mul3A = arith.constant 2 : i32
    %mul3A_0 = arith.muli %arg1, %mul3A : i32
    %add3A = arith.addi %mul3A_0, %arg0 : i32
    %sub3A = arith.constant 6079 : i32
    %sub3A_1 = arith.subi %sub3A, %add3A : i32
    %jit3A = arith.constant 32 : i32
    %div3A = arith.divsi %sub3A_1, %jit3A : i32
    %sign3A = arith.constant 0 : i32
    %sign3A_2 = arith.cmpi sgt, %sub3A_1, %sign3A : i32
    %sign3A_3 = arith.extui %sign3A_2 : i1 to i32
    %sign3A_4 = arith.constant 0 : i32
    %sign3A_5 = arith.cmpi slt, %sub3A_1, %sign3A_4 : i32
    %sign3A_6 = arith.extui %sign3A_5 : i1 to i32
    %sign3A_7 = arith.subi %sign3A_3, %sign3A_6 : i32
    %sign3A_8 = arith.constant 0 : i32
    %sign3A_9 = arith.cmpi sgt, %jit3A, %sign3A_8 : i32
    %sign3A_10 = arith.extui %sign3A_9 : i1 to i32
    %sign3A_11 = arith.constant 0 : i32
    %sign3A_12 = arith.cmpi slt, %jit3A, %sign3A_11 : i32
    %sign3A_13 = arith.extui %sign3A_12 : i1 to i32
    %sign3A_14 = arith.subi %sign3A_10, %sign3A_13 : i32
    %ne3A = arith.cmpi ne, %sign3A_7, %sign3A_14 : i32
    %rem3A = arith.remsi %sub3A_1, %jit3A : i32
    %ne3A_15 = arith.constant 0 : i32
    %ne3A_16 = arith.cmpi ne, %rem3A, %ne3A_15 : i32
    %and3A = arith.andi %ne3A, %ne3A_16 : i1
    %sub3A_17 = arith.constant 1 : i32
    %sub3A_18 = arith.subi %div3A, %sub3A_17 : i32
    %select_n3A = arith.select %and3A, %sub3A_18, %div3A : i32
    %iota3A = tpu.iota {dimensions = array<i32: 0>} : vector<16xi32>
    %eq3A = arith.constant 0 : i32
    %eq3A_19 = arith.cmpi eq, %arg1, %eq3A : i32
    %convert_element_type3A = arith.extui %eq3A_19 : i1 to i32
    %cond3A = arith.constant 0 : i32
    %cond3A_20 = arith.cmpi ne, %convert_element_type3A, %cond3A : i32
    scf.if %cond3A_20 {
      %broadcast_in_dim3A = arith.constant 0.000000e+00 : f32
      %broadcast_in_dim3A_256 = vector.broadcast %broadcast_in_dim3A : f32 to vector<16xf32>
      %swap3A = arith.constant 0 : i32
      %swap3A_257 = arith.index_cast %swap3A : i32 to index
      %swap3A_258 = arith.constant 0 : index
      %swap3A_259 = tpu.vector_load %arg7[%swap3A_257, %swap3A_258] {strides = array<i32>} : memref<448x16xf32, #tpu.memory_space<vmem>>, vector<16xf32>,
      tpu.vector_store %arg7[%swap3A_257, %swap3A_258], %broadcast_in_dim3A_256 {strides = array<i32>} : memref<448x16xf32, #tpu.memory_space<vmem>>, vector<16xf32>,
      %swap3A_260 = arith.constant 1 : i32
      %swap3A_261 = arith.index_cast %swap3A_260 : i32 to index
      %swap3A_262 = arith.constant 0 : index
      %swap3A_263 = tpu.vector_load %arg7[%swap3A_261, %swap3A_262] {strides = array<i32>} : memref<448x16xf32, #tpu.memory_space<vmem>>, vector<16xf32>,
      tpu.vector_store %arg7[%swap3A_261, %swap3A_262], %broadcast_in_dim3A_256 {strides = array<i32>} : memref<448x16xf32, #tpu.memory_space<vmem>>, vector<16xf32>,
      %swap3A_264 = arith.constant 2 : i32
      %swap3A_265 = arith.index_cast %swap3A_264 : i32 to index
      %swap3A_266 = arith.constant 0 : index
      %swap3A_267 = tpu.vector_load %arg7[%swap3A_265, %swap3A_266] {strides = array<i32>} : memref<448x16xf32, #tpu.memory_space<vmem>>, vector<16xf32>,
      tpu.vector_store %arg7[%swap3A_265, %swap3A_266], %broadcast_in_dim3A_256 {strides = array<i32>} : memref<448x16xf32, #tpu.memory_space<vmem>>, vector<16xf32>,
      %swap3A_268 = arith.constant 3 : i32
      %swap3A_269 = arith.index_cast %swap3A_268 : i32 to index
      %swap3A_270 = arith.constant 0 : index
      %swap3A_271 = tpu.vector_load %arg7[%swap3A_269, %swap3A_270] {strides = array<i32>} : memref<448x16xf32, #tpu.memory_space<vmem>>, vector<16xf32>,
      tpu.vector_store %arg7[%swap3A_269, %swap3A_270], %broadcast_in_dim3A_256 {strides = array<i32>} : memref<448x16xf32, #tpu.memory_space<vmem>>, vector<16xf32>,
      %swap3A_272 = arith.constant 4 : i32
      %swap3A_273 = arith.index_cast %swap3A_272 : i32 to index
      %swap3A_274 = arith.constant 0 : index
      %swap3A_275 = tpu.vector_load %arg7[%swap3A_273, %swap3A_274] {strides = array<i32>} : memref<448x16xf32, #tpu.memory_space<vmem>>, vector<16xf32>,
      tpu.vector_store %arg7[%swap3A_273, %swap3A_274], %broadcast_in_dim3A_256 {strides = array<i32>} : memref<448x16xf32, #tpu.memory_space<vmem>>, vector<16xf32>,
      %swap3A_276 = arith.constant 5 : i32
      %swap3A_277 = arith.index_cast %swap3A_276 : i32 to index
      %swap3A_278 = arith.constant 0 : index
      %swap3A_279 = tpu.vector_load %arg7[%swap3A_277, %swap3A_278] {strides = array<i32>} : memref<448x16xf32, #tpu.memory_space<vmem>>, vector<16xf32>,
      tpu.vector_store %arg7[%swap3A_277, %swap3A_278], %broadcast_in_dim3A_256 {strides = array<i32>} : memref<448x16xf32, #tpu.memory_space<vmem>>, vector<16xf32>,
      %swap3A_280 = arith.constant 6 : i32
      %swap3A_281 = arith.index_cast %swap3A_280 : i32 to index
      %swap3A_282 = arith.constant 0 : index
      %swap3A_283 = tpu.vector_load %arg7[%swap3A_281, %swap3A_282] {strides = array<i32>} : memref<448x16xf32, #tpu.memory_space<vmem>>, vector<16xf32>,
      tpu.vector_store %arg7[%swap3A_281, %swap3A_282], %broadcast_in_dim3A_256 {strides = array<i32>} : memref<448x16xf32, #tpu.memory_space<vmem>>, vector<16xf32>,
      %swap3A_284 = arith.constant 7 : i32
      %swap3A_285 = arith.index_cast %swap3A_284 : i32 to index
      %swap3A_286 = arith.constant 0 : index
      %swap3A_287 = tpu.vector_load %arg7[%swap3A_285, %swap3A_286] {strides = array<i32>} : memref<448x16xf32, #tpu.memory_space<vmem>>, vector<16xf32>,
      tpu.vector_store %arg7[%swap3A_285, %swap3A_286], %broadcast_in_dim3A_256 {strides = array<i32>} : memref<448x16xf32, #tpu.memory_space<vmem>>, vector<16xf32>,
      "tpu.region"() ({
        %run_scoped3A = tpu.sem_alloc : memref<!tpu.dma_semaphore, #tpu.memory_space<semaphore_mem>>
        %dma_start3A_288 = arith.constant 0 : i32
        %dma_start3A_289 = arith.constant 0 : i32
        %dma_start3A_290 = tpu.memref_slice %arg7[%dma_start3A_288, %dma_start3A_289] : memref<448x16xf32, #tpu.memory_space<vmem>> -> memref<8x16xf32, #tpu.memory_space<vmem>>
        %dma_start3A_291 = arith.constant 100000 : i32
        %dma_start3A_292 = arith.constant 0 : i32
        %dma_start3A_293 = tpu.memref_slice %arg11[%dma_start3A_291, %dma_start3A_292] : memref<100008x16xf32, #tpu.memory_space<vmem_shared>> -> memref<8x16xf32, #tpu.memory_space<vmem_shared>>
        %dma_start3A_294 = arith.constant 100000 : i32
        %dma_start3A_295 = arith.constant 0 : i32
        %dma_start3A_296 = tpu.memref_slice %arg11[%dma_start3A_294, %dma_start3A_295] : memref<100008x16xf32, #tpu.memory_space<vmem_shared>> -> memref<8x16xf32, #tpu.memory_space<vmem_shared>>
        %dma_start3A_297 = arith.constant 0 : i32
        %dma_start3A_298 = arith.constant 0 : i32
        %dma_start3A_299 = tpu.memref_slice %arg7[%dma_start3A_297, %dma_start3A_298] : memref<448x16xf32, #tpu.memory_space<vmem>> -> memref<8x16xf32, #tpu.memory_space<vmem>>
        tpu.enqueue_dma source(%dma_start3A_299 : memref<8x16xf32, #tpu.memory_space<vmem>>) target(%dma_start3A_296 : memref<8x16xf32, #tpu.memory_space<vmem_shared>>) target_semaphore(%run_scoped3A : memref<!tpu.dma_semaphore, #tpu.memory_space<semaphore_mem>>)
        %dma_wait3A_300 = arith.constant 0 : i32
        %dma_wait3A_301 = arith.constant 0 : i32
        %dma_wait3A_302 = tpu.memref_slice %arg7[%dma_wait3A_300, %dma_wait3A_301] : memref<448x16xf32, #tpu.memory_space<vmem>> -> memref<8x16xf32, #tpu.memory_space<vmem>>
        %dma_wait3A_303 = arith.constant 100000 : i32
        %dma_wait3A_304 = arith.constant 0 : i32
        %dma_wait3A_305 = tpu.memref_slice %arg11[%dma_wait3A_303, %dma_wait3A_304] : memref<100008x16xf32, #tpu.memory_space<vmem_shared>> -> memref<8x16xf32, #tpu.memory_space<vmem_shared>>
        %dma_wait3A_306 = arith.constant 100000 : i32
        %dma_wait3A_307 = arith.constant 0 : i32
        %dma_wait3A_308 = tpu.memref_slice %arg11[%dma_wait3A_306, %dma_wait3A_307] : memref<100008x16xf32, #tpu.memory_space<vmem_shared>> -> memref<8x16xf32, #tpu.memory_space<vmem_shared>>
        %dma_wait3A_309 = arith.constant 0 : i32
        %dma_wait3A_310 = arith.constant 0 : i32
        %dma_wait3A_311 = tpu.memref_slice %arg7[%dma_wait3A_309, %dma_wait3A_310] : memref<448x16xf32, #tpu.memory_space<vmem>> -> memref<8x16xf32, #tpu.memory_space<vmem>>
        tpu.wait_dma2 semaphore(%run_scoped3A : memref<!tpu.dma_semaphore, #tpu.memory_space<semaphore_mem>>) src(%dma_wait3A_311 : memref<8x16xf32, #tpu.memory_space<vmem>>) dst(%dma_wait3A_308 : memref<8x16xf32, #tpu.memory_space<vmem_shared>>)
        tpu.yield
      }) : () -> ()
      "tpu.region"() ({
        %run_scoped3A = tpu.sem_alloc : memref<!tpu.dma_semaphore, #tpu.memory_space<semaphore_mem>>
        %dma_start3A_288 = arith.constant 0 : i32
        %dma_start3A_289 = arith.constant 0 : i32
        %dma_start3A_290 = tpu.memref_slice %arg11[%dma_start3A_288, %dma_start3A_289] : memref<100008x16xf32, #tpu.memory_space<vmem_shared>> -> memref<100000x16xf32, #tpu.memory_space<vmem_shared>>
        tpu.enqueue_dma source(%arg2 : memref<100000x16xf32, #tpu.memory_space<hbm>>) target(%dma_start3A_290 : memref<100000x16xf32, #tpu.memory_space<vmem_shared>>) target_semaphore(%run_scoped3A : memref<!tpu.dma_semaphore, #tpu.memory_space<semaphore_mem>>)
        %dma_wait3A_291 = arith.constant 0 : i32
        %dma_wait3A_292 = arith.constant 0 : i32
        %dma_wait3A_293 = tpu.memref_slice %arg11[%dma_wait3A_291, %dma_wait3A_292] : memref<100008x16xf32, #tpu.memory_space<vmem_shared>> -> memref<100000x16xf32, #tpu.memory_space<vmem_shared>>
        tpu.wait_dma2 semaphore(%run_scoped3A : memref<!tpu.dma_semaphore, #tpu.memory_space<semaphore_mem>>) src(%arg2 : memref<100000x16xf32, #tpu.memory_space<hbm>>) dst(%dma_wait3A_293 : memref<100000x16xf32, #tpu.memory_space<vmem_shared>>)
        tpu.yield
      }) : () -> ()
    } else {
    }
    %barrier3A = arith.constant 0 : index
    tpu.barrier barrier_id(%barrier3A)
    %add3A_21 = arith.constant 0 : i32
    %add3A_22 = arith.addi %add3A, %add3A_21 : i32
    %jit3A_23 = arith.constant 224 : i32
    %div3A_24 = arith.divsi %add3A_22, %jit3A_23 : i32
    %sign3A_25 = arith.constant 0 : i32
    %sign3A_26 = arith.cmpi sgt, %add3A_22, %sign3A_25 : i32
    %sign3A_27 = arith.extui %sign3A_26 : i1 to i32
    %sign3A_28 = arith.constant 0 : i32
    %sign3A_29 = arith.cmpi slt, %add3A_22, %sign3A_28 : i32
    %sign3A_30 = arith.extui %sign3A_29 : i1 to i32
    %sign3A_31 = arith.subi %sign3A_27, %sign3A_30 : i32
    %sign3A_32 = arith.constant 0 : i32
    %sign3A_33 = arith.cmpi sgt, %jit3A_23, %sign3A_32 : i32
    %sign3A_34 = arith.extui %sign3A_33 : i1 to i32
    %sign3A_35 = arith.constant 0 : i32
    %sign3A_36 = arith.cmpi slt, %jit3A_23, %sign3A_35 : i32
    %sign3A_37 = arith.extui %sign3A_36 : i1 to i32
    %sign3A_38 = arith.subi %sign3A_34, %sign3A_37 : i32
    %ne3A_39 = arith.cmpi ne, %sign3A_31, %sign3A_38 : i32
    %rem3A_40 = arith.remsi %add3A_22, %jit3A_23 : i32
    %ne3A_41 = arith.constant 0 : i32
    %ne3A_42 = arith.cmpi ne, %rem3A_40, %ne3A_41 : i32
    %and3A_43 = arith.andi %ne3A_39, %ne3A_42 : i1
    %sub3A_44 = arith.constant 1 : i32
    %sub3A_45 = arith.subi %div3A_24, %sub3A_44 : i32
    %select_n3A_46 = arith.select %and3A_43, %sub3A_45, %div3A_24 : i32
    %jit3A_47 = arith.constant 224 : i32
    %eq3A_48 = arith.constant 0 : i32
    %eq3A_49 = arith.cmpi eq, %jit3A_47, %eq3A_48 : i32
    %jit3A_50 = arith.constant 1 : i32
    %select_n3A_51 = arith.select %eq3A_49, %jit3A_50, %jit3A_47 : i32
    %rem3A_52 = arith.remsi %add3A_22, %select_n3A_51 : i32
    %ne3A_53 = arith.constant 0 : i32
    %ne3A_54 = arith.cmpi ne, %rem3A_52, %ne3A_53 : i32
    %lt3A = arith.constant 0 : i32
    %lt3A_55 = arith.cmpi slt, %rem3A_52, %lt3A : i32
    %lt3A_56 = arith.constant 0 : i32
    %lt3A_57 = arith.cmpi slt, %select_n3A_51, %lt3A_56 : i32
    %ne3A_58 = arith.xori %lt3A_55, %lt3A_57 : i1
    %and3A_59 = arith.andi %ne3A_58, %ne3A_54 : i1
    %add3A_60 = arith.addi %rem3A_52, %select_n3A_51 : i32
    %select_n3A_61 = arith.select %and3A_59, %add3A_60, %rem3A_52 : i32
    %mul3A_62 = arith.constant 448 : i32
    %mul3A_63 = arith.muli %select_n3A_61, %mul3A_62 : i32
    %min3A = arith.constant 99552 : i32
    %min3A_64 = arith.minsi %mul3A_63, %min3A : i32
    %multiple_of3A = tpu.assume_multiple %min3A_64, 8 : i32
    %dma_start3A = tpu.memref_slice %arg3[%select_n3A_46, %multiple_of3A] : memref<27x100000xi32, #tpu.memory_space<hbm>> -> memref<1x448xi32, #tpu.memory_space<hbm>>
    %dma_start3A_65 = tpu.memref_squeeze %dma_start3A : memref<1x448xi32, #tpu.memory_space<hbm>> -> memref<448xi32, #tpu.memory_space<hbm>>
    %dma_start3A_66 = tpu.memref_slice %arg3[%select_n3A_46, %multiple_of3A] : memref<27x100000xi32, #tpu.memory_space<hbm>> -> memref<1x448xi32, #tpu.memory_space<hbm>>
    %dma_start3A_67 = tpu.memref_squeeze %dma_start3A_66 : memref<1x448xi32, #tpu.memory_space<hbm>> -> memref<448xi32, #tpu.memory_space<hbm>>
    tpu.enqueue_dma source(%dma_start3A_67 : memref<448xi32, #tpu.memory_space<hbm>>) target(%arg5 : memref<448xi32, #tpu.memory_space<vmem>>) target_semaphore(%arg16 : memref<!tpu.dma_semaphore, #tpu.memory_space<semaphore_mem>>)
    %add3A_68 = arith.constant 2 : i32
    %add3A_69 = arith.addi %select_n3A, %add3A_68 : i32
    %jit3A_70 = arith.constant 2 : i32
    %div3A_71 = arith.divsi %add3A_69, %jit3A_70 : i32
    %sign3A_72 = arith.constant 0 : i32
    %sign3A_73 = arith.cmpi sgt, %add3A_69, %sign3A_72 : i32
    %sign3A_74 = arith.extui %sign3A_73 : i1 to i32
    %sign3A_75 = arith.constant 0 : i32
    %sign3A_76 = arith.cmpi slt, %add3A_69, %sign3A_75 : i32
    %sign3A_77 = arith.extui %sign3A_76 : i1 to i32
    %sign3A_78 = arith.subi %sign3A_74, %sign3A_77 : i32
    %sign3A_79 = arith.constant 0 : i32
    %sign3A_80 = arith.cmpi sgt, %jit3A_70, %sign3A_79 : i32
    %sign3A_81 = arith.extui %sign3A_80 : i1 to i32
    %sign3A_82 = arith.constant 0 : i32
    %sign3A_83 = arith.cmpi slt, %jit3A_70, %sign3A_82 : i32
    %sign3A_84 = arith.extui %sign3A_83 : i1 to i32
    %sign3A_85 = arith.subi %sign3A_81, %sign3A_84 : i32
    %ne3A_86 = arith.cmpi ne, %sign3A_78, %sign3A_85 : i32
    %rem3A_87 = arith.remsi %add3A_69, %jit3A_70 : i32
    %ne3A_88 = arith.constant 0 : i32
    %ne3A_89 = arith.cmpi ne, %rem3A_87, %ne3A_88 : i32
    %and3A_90 = arith.andi %ne3A_86, %ne3A_89 : i1
    %sub3A_91 = arith.constant 1 : i32
    %sub3A_92 = arith.subi %div3A_71, %sub3A_91 : i32
    %select_n3A_93 = arith.select %and3A_90, %sub3A_92, %div3A_71 : i32
    %while3A = arith.constant 0 : i32
    %while3A_94 = arith.constant 0 : i32
    %while3A_95 = arith.subi %select_n3A_93, %while3A_94 : i32
    %while3A_96 = arith.addi %while3A_94, %while3A_95 : i32
    %while3A_97 = arith.constant 1 : i32
    %while3A_98 = arith.divsi %while3A_95, %while3A_97 : i32
    %while3A_99 = arith.muli %while3A_98, %while3A_97 : i32
    %while3A_100 = arith.addi %while3A_94, %while3A_99 : i32
    %while3A_101 = arith.constant 1 : i32
    scf.for %while3A_256 = %while3A_94 to %while3A_100 step %while3A_101  : i32 {
      %mul3A_257 = arith.constant 2 : i32
      %mul3A_258 = arith.muli %mul3A_257, %while3A_256 : i32
      %add3A_259 = arith.constant 0 : i32
      %add3A_260 = arith.addi %mul3A_258, %add3A_259 : i32
      %ge3A = arith.constant 1 : i32
      %ge3A_261 = arith.cmpi sge, %add3A_260, %ge3A : i32
      %le3A = arith.cmpi sle, %add3A_260, %select_n3A : i32
      %and3A_262 = arith.andi %ge3A_261, %le3A : i1
      %convert_element_type3A_263 = arith.extui %and3A_262 : i1 to i32
      %cond3A_264 = arith.constant 0 : i32
      %cond3A_265 = arith.cmpi ne, %convert_element_type3A_263, %cond3A_264 : i32
      scf.if %cond3A_265 {
        %sub3A_299 = arith.constant 3 : i32
        %sub3A_300 = arith.subi %add3A_260, %sub3A_299 : i32
        %ge3A_301 = arith.constant 0 : i32
        %ge3A_302 = arith.cmpi sge, %sub3A_300, %ge3A_301 : i32
        %convert_element_type3A_303 = arith.extui %ge3A_302 : i1 to i32
        %cond3A_304 = arith.constant 0 : i32
        %cond3A_305 = arith.cmpi ne, %convert_element_type3A_303, %cond3A_304 : i32
        scf.if %cond3A_305 {
          %mul3A_309 = arith.constant 32 : i32
          %mul3A_310 = arith.muli %sub3A_300, %mul3A_309 : i32
          %add3A_311 = arith.addi %add3A, %mul3A_310 : i32
          %jit3A_312 = arith.constant 224 : i32
          %div3A_313 = arith.divsi %add3A_311, %jit3A_312 : i32
          %sign3A_314 = arith.constant 0 : i32
          %sign3A_315 = arith.cmpi sgt, %add3A_311, %sign3A_314 : i32
          %sign3A_316 = arith.extui %sign3A_315 : i1 to i32
          %sign3A_317 = arith.constant 0 : i32
          %sign3A_318 = arith.cmpi slt, %add3A_311, %sign3A_317 : i32
          %sign3A_319 = arith.extui %sign3A_318 : i1 to i32
          %sign3A_320 = arith.subi %sign3A_316, %sign3A_319 : i32
          %sign3A_321 = arith.constant 0 : i32
          %sign3A_322 = arith.cmpi sgt, %jit3A_312, %sign3A_321 : i32
          %sign3A_323 = arith.extui %sign3A_322 : i1 to i32
          %sign3A_324 = arith.constant 0 : i32
          %sign3A_325 = arith.cmpi slt, %jit3A_312, %sign3A_324 : i32
          %sign3A_326 = arith.extui %sign3A_325 : i1 to i32
          %sign3A_327 = arith.subi %sign3A_323, %sign3A_326 : i32
          %ne3A_328 = arith.cmpi ne, %sign3A_320, %sign3A_327 : i32
          %rem3A_329 = arith.remsi %add3A_311, %jit3A_312 : i32
          %ne3A_330 = arith.constant 0 : i32
          %ne3A_331 = arith.cmpi ne, %rem3A_329, %ne3A_330 : i32
          %and3A_332 = arith.andi %ne3A_328, %ne3A_331 : i1
          %sub3A_333 = arith.constant 1 : i32
          %sub3A_334 = arith.subi %div3A_313, %sub3A_333 : i32
          %select_n3A_335 = arith.select %and3A_332, %sub3A_334, %div3A_313 : i32
          %jit3A_336 = arith.constant 224 : i32
          %eq3A_337 = arith.constant 0 : i32
          %eq3A_338 = arith.cmpi eq, %jit3A_336, %eq3A_337 : i32
          %jit3A_339 = arith.constant 1 : i32
          %select_n3A_340 = arith.select %eq3A_338, %jit3A_339, %jit3A_336 : i32
          %rem3A_341 = arith.remsi %add3A_311, %select_n3A_340 : i32
          %ne3A_342 = arith.constant 0 : i32
          %ne3A_343 = arith.cmpi ne, %rem3A_341, %ne3A_342 : i32
          %lt3A_344 = arith.constant 0 : i32
          %lt3A_345 = arith.cmpi slt, %rem3A_341, %lt3A_344 : i32
          %lt3A_346 = arith.constant 0 : i32
          %lt3A_347 = arith.cmpi slt, %select_n3A_340, %lt3A_346 : i32
          %ne3A_348 = arith.xori %lt3A_345, %lt3A_347 : i1
          %and3A_349 = arith.andi %ne3A_348, %ne3A_343 : i1
          %add3A_350 = arith.addi %rem3A_341, %select_n3A_340 : i32
          %select_n3A_351 = arith.select %and3A_349, %add3A_350, %rem3A_341 : i32
          %mul3A_352 = arith.constant 448 : i32
          %mul3A_353 = arith.muli %select_n3A_351, %mul3A_352 : i32
          %min3A_354 = arith.constant 99552 : i32
          %min3A_355 = arith.minsi %mul3A_353, %min3A_354 : i32
          %multiple_of3A_356 = tpu.assume_multiple %min3A_355, 8 : i32
          %dma_wait3A_357 = arith.constant 0 : i32
          %dma_wait3A_358 = tpu.memref_slice %arg4[%select_n3A_335, %dma_wait3A_357, %multiple_of3A_356] : memref<27x16x100000xf32, #tpu.memory_space<hbm>> -> memref<1x16x448xf32, #tpu.memory_space<hbm>>
          %dma_wait3A_359 = tpu.memref_squeeze %dma_wait3A_358 : memref<1x16x448xf32, #tpu.memory_space<hbm>> -> memref<16x448xf32, #tpu.memory_space<hbm>>
          %dma_wait3A_360 = arith.constant 0 : i32
          %dma_wait3A_361 = tpu.memref_slice %arg4[%select_n3A_335, %dma_wait3A_360, %multiple_of3A_356] : memref<27x16x100000xf32, #tpu.memory_space<hbm>> -> memref<1x16x448xf32, #tpu.memory_space<hbm>>
          %dma_wait3A_362 = tpu.memref_squeeze %dma_wait3A_361 : memref<1x16x448xf32, #tpu.memory_space<hbm>> -> memref<16x448xf32, #tpu.memory_space<hbm>>
          tpu.wait_dma2 semaphore(%arg15 : memref<!tpu.dma_semaphore, #tpu.memory_space<semaphore_mem>>) src(%arg10 : memref<16x448xf32, #tpu.memory_space<vmem>>) dst(%dma_wait3A_362 : memref<16x448xf32, #tpu.memory_space<hbm>>)
        } else {
        }
        %dma_wait3A_306 = arith.constant 0 : i32
        %dma_wait3A_307 = arith.constant 0 : i32
        %dma_wait3A_308 = tpu.memref_slice %arg11[%dma_wait3A_306, %dma_wait3A_307] : memref<100008x16xf32, #tpu.memory_space<vmem_shared>> -> memref<100008x16xf32, #tpu.memory_space<vmem_shared>>
        tpu.wait_indirect_dma semaphore(%arg13 : memref<!tpu.dma_semaphore, #tpu.memory_space<semaphore_mem>>) src(%dma_wait3A_308 : memref<100008x16xf32, #tpu.memory_space<vmem_shared>>) dst(%arg8 : memref<448x16xf32, #tpu.memory_space<vmem>>)
      } else {
      }
      %lt3A_266 = arith.cmpi slt, %add3A_260, %select_n3A : i32
      %convert_element_type3A_267 = arith.extui %lt3A_266 : i1 to i32
      %cond3A_268 = arith.constant 0 : i32
      %cond3A_269 = arith.cmpi ne, %convert_element_type3A_267, %cond3A_268 : i32
      scf.if %cond3A_269 {
        %mul3A_299 = arith.constant 32 : i32
        %mul3A_300 = arith.muli %add3A_260, %mul3A_299 : i32
        %add3A_301 = arith.addi %add3A, %mul3A_300 : i32
        %jit3A_302 = arith.constant 224 : i32
        %div3A_303 = arith.divsi %add3A_301, %jit3A_302 : i32
        %sign3A_304 = arith.constant 0 : i32
        %sign3A_305 = arith.cmpi sgt, %add3A_301, %sign3A_304 : i32
        %sign3A_306 = arith.extui %sign3A_305 : i1 to i32
        %sign3A_307 = arith.constant 0 : i32
        %sign3A_308 = arith.cmpi slt, %add3A_301, %sign3A_307 : i32
        %sign3A_309 = arith.extui %sign3A_308 : i1 to i32
        %sign3A_310 = arith.subi %sign3A_306, %sign3A_309 : i32
        %sign3A_311 = arith.constant 0 : i32
        %sign3A_312 = arith.cmpi sgt, %jit3A_302, %sign3A_311 : i32
        %sign3A_313 = arith.extui %sign3A_312 : i1 to i32
        %sign3A_314 = arith.constant 0 : i32
        %sign3A_315 = arith.cmpi slt, %jit3A_302, %sign3A_314 : i32
        %sign3A_316 = arith.extui %sign3A_315 : i1 to i32
        %sign3A_317 = arith.subi %sign3A_313, %sign3A_316 : i32
        %ne3A_318 = arith.cmpi ne, %sign3A_310, %sign3A_317 : i32
        %rem3A_319 = arith.remsi %add3A_301, %jit3A_302 : i32
        %ne3A_320 = arith.constant 0 : i32
        %ne3A_321 = arith.cmpi ne, %rem3A_319, %ne3A_320 : i32
        %and3A_322 = arith.andi %ne3A_318, %ne3A_321 : i1
        %sub3A_323 = arith.constant 1 : i32
        %sub3A_324 = arith.subi %div3A_303, %sub3A_323 : i32
        %select_n3A_325 = arith.select %and3A_322, %sub3A_324, %div3A_303 : i32
        %jit3A_326 = arith.constant 224 : i32
        %eq3A_327 = arith.constant 0 : i32
        %eq3A_328 = arith.cmpi eq, %jit3A_326, %eq3A_327 : i32
        %jit3A_329 = arith.constant 1 : i32
        %select_n3A_330 = arith.select %eq3A_328, %jit3A_329, %jit3A_326 : i32
        %rem3A_331 = arith.remsi %add3A_301, %select_n3A_330 : i32
        %ne3A_332 = arith.constant 0 : i32
        %ne3A_333 = arith.cmpi ne, %rem3A_331, %ne3A_332 : i32
        %lt3A_334 = arith.constant 0 : i32
        %lt3A_335 = arith.cmpi slt, %rem3A_331, %lt3A_334 : i32
        %lt3A_336 = arith.constant 0 : i32
        %lt3A_337 = arith.cmpi slt, %select_n3A_330, %lt3A_336 : i32
        %ne3A_338 = arith.xori %lt3A_335, %lt3A_337 : i1
        %and3A_339 = arith.andi %ne3A_338, %ne3A_333 : i1
        %add3A_340 = arith.addi %rem3A_331, %select_n3A_330 : i32
        %select_n3A_341 = arith.select %and3A_339, %add3A_340, %rem3A_331 : i32
        %mul3A_342 = arith.constant 448 : i32
        %mul3A_343 = arith.muli %select_n3A_341, %mul3A_342 : i32
        %min3A_344 = arith.constant 99552 : i32
        %min3A_345 = arith.minsi %mul3A_343, %min3A_344 : i32
        %multiple_of3A_346 = tpu.assume_multiple %min3A_345, 8 : i32
        %dma_wait3A_347 = tpu.memref_slice %arg3[%select_n3A_325, %multiple_of3A_346] : memref<27x100000xi32, #tpu.memory_space<hbm>> -> memref<1x448xi32, #tpu.memory_space<hbm>>
        %dma_wait3A_348 = tpu.memref_squeeze %dma_wait3A_347 : memref<1x448xi32, #tpu.memory_space<hbm>> -> memref<448xi32, #tpu.memory_space<hbm>>
        %dma_wait3A_349 = tpu.memref_slice %arg3[%select_n3A_325, %multiple_of3A_346] : memref<27x100000xi32, #tpu.memory_space<hbm>> -> memref<1x448xi32, #tpu.memory_space<hbm>>
        %dma_wait3A_350 = tpu.memref_squeeze %dma_wait3A_349 : memref<1x448xi32, #tpu.memory_space<hbm>> -> memref<448xi32, #tpu.memory_space<hbm>>
        tpu.wait_dma2 semaphore(%arg16 : memref<!tpu.dma_semaphore, #tpu.memory_space<semaphore_mem>>) src(%dma_wait3A_350 : memref<448xi32, #tpu.memory_space<hbm>>) dst(%arg5 : memref<448xi32, #tpu.memory_space<vmem>>)
        %scan3A = arith.constant 0 : i32
        %scan3A_351 = arith.constant 0 : i32
        %scan3A_352 = arith.constant 24 : i32
        %scan3A_353 = arith.addi %scan3A_351, %scan3A_352 : i32
        %scan3A_354 = arith.constant 8 : i32
        scf.for %scan3A_418 = %scan3A_351 to %scan3A_353 step %scan3A_354  : i32 {
          %mul3A_419 = arith.constant 16 : i32
          %mul3A_420 = arith.muli %scan3A_418, %mul3A_419 : i32
          %get3A_421 = arith.index_cast %mul3A_420 : i32 to index
          %get3A_422 = tpu.vector_load %arg5[%get3A_421] {strides = array<i32>} : memref<448xi32, #tpu.memory_space<vmem>>, vector<16xi32>,
          %lt3A_423 = arith.constant 0 : i32
          %lt3A_424 = vector.broadcast %lt3A_423 : i32 to vector<16xi32>
          %lt3A_425 = arith.cmpi slt, %get3A_422, %lt3A_424 : vector<16xi32>
          %jit3A_426 = arith.constant 100000 : i32
          %broadcast_in_dim3A_427 = vector.broadcast %jit3A_426 : i32 to vector<16xi32>
          %select_n3A_428 = arith.select %lt3A_425, %broadcast_in_dim3A_427, %get3A_422 : vector<16xi1>, vector<16xi32>
          %swap3A_429 = arith.index_cast %mul3A_420 : i32 to index
          %swap3A_430 = tpu.vector_load %arg5[%swap3A_429] {strides = array<i32>} : memref<448xi32, #tpu.memory_space<vmem>>, vector<16xi32>,
          tpu.vector_store %arg5[%swap3A_429], %select_n3A_428 {strides = array<i32>} : memref<448xi32, #tpu.memory_space<vmem>>, vector<16xi32>,
          %scan3A_431 = arith.constant 1 : i32
          %scan3A_432 = arith.addi %scan3A_418, %scan3A_431 : i32
          %mul3A_433 = arith.constant 16 : i32
          %mul3A_434 = arith.muli %scan3A_432, %mul3A_433 : i32
          %get3A_435 = arith.index_cast %mul3A_434 : i32 to index
          %get3A_436 = tpu.vector_load %arg5[%get3A_435] {strides = array<i32>} : memref<448xi32, #tpu.memory_space<vmem>>, vector<16xi32>,
          %lt3A_437 = arith.constant 0 : i32
          %lt3A_438 = vector.broadcast %lt3A_437 : i32 to vector<16xi32>
          %lt3A_439 = arith.cmpi slt, %get3A_436, %lt3A_438 : vector<16xi32>
          %jit3A_440 = arith.constant 100000 : i32
          %broadcast_in_dim3A_441 = vector.broadcast %jit3A_440 : i32 to vector<16xi32>
          %select_n3A_442 = arith.select %lt3A_439, %broadcast_in_dim3A_441, %get3A_436 : vector<16xi1>, vector<16xi32>
          %swap3A_443 = arith.index_cast %mul3A_434 : i32 to index
          %swap3A_444 = tpu.vector_load %arg5[%swap3A_443] {strides = array<i32>} : memref<448xi32, #tpu.memory_space<vmem>>, vector<16xi32>,
          tpu.vector_store %arg5[%swap3A_443], %select_n3A_442 {strides = array<i32>} : memref<448xi32, #tpu.memory_space<vmem>>, vector<16xi32>,
          %scan3A_445 = arith.constant 2 : i32
          %scan3A_446 = arith.addi %scan3A_418, %scan3A_445 : i32
          %mul3A_447 = arith.constant 16 : i32
          %mul3A_448 = arith.muli %scan3A_446, %mul3A_447 : i32
          %get3A_449 = arith.index_cast %mul3A_448 : i32 to index
          %get3A_450 = tpu.vector_load %arg5[%get3A_449] {strides = array<i32>} : memref<448xi32, #tpu.memory_space<vmem>>, vector<16xi32>,
          %lt3A_451 = arith.constant 0 : i32
          %lt3A_452 = vector.broadcast %lt3A_451 : i32 to vector<16xi32>
          %lt3A_453 = arith.cmpi slt, %get3A_450, %lt3A_452 : vector<16xi32>
          %jit3A_454 = arith.constant 100000 : i32
          %broadcast_in_dim3A_455 = vector.broadcast %jit3A_454 : i32 to vector<16xi32>
          %select_n3A_456 = arith.select %lt3A_453, %broadcast_in_dim3A_455, %get3A_450 : vector<16xi1>, vector<16xi32>
          %swap3A_457 = arith.index_cast %mul3A_448 : i32 to index
          %swap3A_458 = tpu.vector_load %arg5[%swap3A_457] {strides = array<i32>} : memref<448xi32, #tpu.memory_space<vmem>>, vector<16xi32>,
          tpu.vector_store %arg5[%swap3A_457], %select_n3A_456 {strides = array<i32>} : memref<448xi32, #tpu.memory_space<vmem>>, vector<16xi32>,
          %scan3A_459 = arith.constant 3 : i32
          %scan3A_460 = arith.addi %scan3A_418, %scan3A_459 : i32
          %mul3A_461 = arith.constant 16 : i32
          %mul3A_462 = arith.muli %scan3A_460, %mul3A_461 : i32
          %get3A_463 = arith.index_cast %mul3A_462 : i32 to index
          %get3A_464 = tpu.vector_load %arg5[%get3A_463] {strides = array<i32>} : memref<448xi32, #tpu.memory_space<vmem>>, vector<16xi32>,
          %lt3A_465 = arith.constant 0 : i32
          %lt3A_466 = vector.broadcast %lt3A_465 : i32 to vector<16xi32>
          %lt3A_467 = arith.cmpi slt, %get3A_464, %lt3A_466 : vector<16xi32>
          %jit3A_468 = arith.constant 100000 : i32
          %broadcast_in_dim3A_469 = vector.broadcast %jit3A_468 : i32 to vector<16xi32>
          %select_n3A_470 = arith.select %lt3A_467, %broadcast_in_dim3A_469, %get3A_464 : vector<16xi1>, vector<16xi32>
          %swap3A_471 = arith.index_cast %mul3A_462 : i32 to index
          %swap3A_472 = tpu.vector_load %arg5[%swap3A_471] {strides = array<i32>} : memref<448xi32, #tpu.memory_space<vmem>>, vector<16xi32>,
          tpu.vector_store %arg5[%swap3A_471], %select_n3A_470 {strides = array<i32>} : memref<448xi32, #tpu.memory_space<vmem>>, vector<16xi32>,
          %scan3A_473 = arith.constant 4 : i32
          %scan3A_474 = arith.addi %scan3A_418, %scan3A_473 : i32
          %mul3A_475 = arith.constant 16 : i32
          %mul3A_476 = arith.muli %scan3A_474, %mul3A_475 : i32
          %get3A_477 = arith.index_cast %mul3A_476 : i32 to index
          %get3A_478 = tpu.vector_load %arg5[%get3A_477] {strides = array<i32>} : memref<448xi32, #tpu.memory_space<vmem>>, vector<16xi32>,
          %lt3A_479 = arith.constant 0 : i32
          %lt3A_480 = vector.broadcast %lt3A_479 : i32 to vector<16xi32>
          %lt3A_481 = arith.cmpi slt, %get3A_478, %lt3A_480 : vector<16xi32>
          %jit3A_482 = arith.constant 100000 : i32
          %broadcast_in_dim3A_483 = vector.broadcast %jit3A_482 : i32 to vector<16xi32>
          %select_n3A_484 = arith.select %lt3A_481, %broadcast_in_dim3A_483, %get3A_478 : vector<16xi1>, vector<16xi32>
          %swap3A_485 = arith.index_cast %mul3A_476 : i32 to index
          %swap3A_486 = tpu.vector_load %arg5[%swap3A_485] {strides = array<i32>} : memref<448xi32, #tpu.memory_space<vmem>>, vector<16xi32>,
          tpu.vector_store %arg5[%swap3A_485], %select_n3A_484 {strides = array<i32>} : memref<448xi32, #tpu.memory_space<vmem>>, vector<16xi32>,
          %scan3A_487 = arith.constant 5 : i32
          %scan3A_488 = arith.addi %scan3A_418, %scan3A_487 : i32
          %mul3A_489 = arith.constant 16 : i32
          %mul3A_490 = arith.muli %scan3A_488, %mul3A_489 : i32
          %get3A_491 = arith.index_cast %mul3A_490 : i32 to index
          %get3A_492 = tpu.vector_load %arg5[%get3A_491] {strides = array<i32>} : memref<448xi32, #tpu.memory_space<vmem>>, vector<16xi32>,
          %lt3A_493 = arith.constant 0 : i32
          %lt3A_494 = vector.broadcast %lt3A_493 : i32 to vector<16xi32>
          %lt3A_495 = arith.cmpi slt, %get3A_492, %lt3A_494 : vector<16xi32>
          %jit3A_496 = arith.constant 100000 : i32
          %broadcast_in_dim3A_497 = vector.broadcast %jit3A_496 : i32 to vector<16xi32>
          %select_n3A_498 = arith.select %lt3A_495, %broadcast_in_dim3A_497, %get3A_492 : vector<16xi1>, vector<16xi32>
          %swap3A_499 = arith.index_cast %mul3A_490 : i32 to index
          %swap3A_500 = tpu.vector_load %arg5[%swap3A_499] {strides = array<i32>} : memref<448xi32, #tpu.memory_space<vmem>>, vector<16xi32>,
          tpu.vector_store %arg5[%swap3A_499], %select_n3A_498 {strides = array<i32>} : memref<448xi32, #tpu.memory_space<vmem>>, vector<16xi32>,
          %scan3A_501 = arith.constant 6 : i32
          %scan3A_502 = arith.addi %scan3A_418, %scan3A_501 : i32
          %mul3A_503 = arith.constant 16 : i32
          %mul3A_504 = arith.muli %scan3A_502, %mul3A_503 : i32
          %get3A_505 = arith.index_cast %mul3A_504 : i32 to index
          %get3A_506 = tpu.vector_load %arg5[%get3A_505] {strides = array<i32>} : memref<448xi32, #tpu.memory_space<vmem>>, vector<16xi32>,
          %lt3A_507 = arith.constant 0 : i32
          %lt3A_508 = vector.broadcast %lt3A_507 : i32 to vector<16xi32>
          %lt3A_509 = arith.cmpi slt, %get3A_506, %lt3A_508 : vector<16xi32>
          %jit3A_510 = arith.constant 100000 : i32
          %broadcast_in_dim3A_511 = vector.broadcast %jit3A_510 : i32 to vector<16xi32>
          %select_n3A_512 = arith.select %lt3A_509, %broadcast_in_dim3A_511, %get3A_506 : vector<16xi1>, vector<16xi32>
          %swap3A_513 = arith.index_cast %mul3A_504 : i32 to index
          %swap3A_514 = tpu.vector_load %arg5[%swap3A_513] {strides = array<i32>} : memref<448xi32, #tpu.memory_space<vmem>>, vector<16xi32>,
          tpu.vector_store %arg5[%swap3A_513], %select_n3A_512 {strides = array<i32>} : memref<448xi32, #tpu.memory_space<vmem>>, vector<16xi32>,
          %scan3A_515 = arith.constant 7 : i32
          %scan3A_516 = arith.addi %scan3A_418, %scan3A_515 : i32
          %mul3A_517 = arith.constant 16 : i32
          %mul3A_518 = arith.muli %scan3A_516, %mul3A_517 : i32
          %get3A_519 = arith.index_cast %mul3A_518 : i32 to index
          %get3A_520 = tpu.vector_load %arg5[%get3A_519] {strides = array<i32>} : memref<448xi32, #tpu.memory_space<vmem>>, vector<16xi32>,
          %lt3A_521 = arith.constant 0 : i32
          %lt3A_522 = vector.broadcast %lt3A_521 : i32 to vector<16xi32>
          %lt3A_523 = arith.cmpi slt, %get3A_520, %lt3A_522 : vector<16xi32>
          %jit3A_524 = arith.constant 100000 : i32
          %broadcast_in_dim3A_525 = vector.broadcast %jit3A_524 : i32 to vector<16xi32>
          %select_n3A_526 = arith.select %lt3A_523, %broadcast_in_dim3A_525, %get3A_520 : vector<16xi1>, vector<16xi32>
          %swap3A_527 = arith.index_cast %mul3A_518 : i32 to index
          %swap3A_528 = tpu.vector_load %arg5[%swap3A_527] {strides = array<i32>} : memref<448xi32, #tpu.memory_space<vmem>>, vector<16xi32>,
          tpu.vector_store %arg5[%swap3A_527], %select_n3A_526 {strides = array<i32>} : memref<448xi32, #tpu.memory_space<vmem>>, vector<16xi32>,
        }
        %scan3A_355 = arith.constant 24 : i32
        %scan3A_356 = arith.addi %scan3A_351, %scan3A_355 : i32
        %mul3A_357 = arith.constant 16 : i32
        %mul3A_358 = arith.muli %scan3A_356, %mul3A_357 : i32
        %get3A = arith.index_cast %mul3A_358 : i32 to index
        %get3A_359 = tpu.vector_load %arg5[%get3A] {strides = array<i32>} : memref<448xi32, #tpu.memory_space<vmem>>, vector<16xi32>,
        %lt3A_360 = arith.constant 0 : i32
        %lt3A_361 = vector.broadcast %lt3A_360 : i32 to vector<16xi32>
        %lt3A_362 = arith.cmpi slt, %get3A_359, %lt3A_361 : vector<16xi32>
        %jit3A_363 = arith.constant 100000 : i32
        %broadcast_in_dim3A = vector.broadcast %jit3A_363 : i32 to vector<16xi32>
        %select_n3A_364 = arith.select %lt3A_362, %broadcast_in_dim3A, %get3A_359 : vector<16xi1>, vector<16xi32>
        %swap3A = arith.index_cast %mul3A_358 : i32 to index
        %swap3A_365 = tpu.vector_load %arg5[%swap3A] {strides = array<i32>} : memref<448xi32, #tpu.memory_space<vmem>>, vector<16xi32>,
        tpu.vector_store %arg5[%swap3A], %select_n3A_364 {strides = array<i32>} : memref<448xi32, #tpu.memory_space<vmem>>, vector<16xi32>,
        %scan3A_366 = arith.constant 25 : i32
        %scan3A_367 = arith.addi %scan3A_351, %scan3A_366 : i32
        %mul3A_368 = arith.constant 16 : i32
        %mul3A_369 = arith.muli %scan3A_367, %mul3A_368 : i32
        %get3A_370 = arith.index_cast %mul3A_369 : i32 to index
        %get3A_371 = tpu.vector_load %arg5[%get3A_370] {strides = array<i32>} : memref<448xi32, #tpu.memory_space<vmem>>, vector<16xi32>,
        %lt3A_372 = arith.constant 0 : i32
        %lt3A_373 = vector.broadcast %lt3A_372 : i32 to vector<16xi32>
        %lt3A_374 = arith.cmpi slt, %get3A_371, %lt3A_373 : vector<16xi32>
        %jit3A_375 = arith.constant 100000 : i32
        %broadcast_in_dim3A_376 = vector.broadcast %jit3A_375 : i32 to vector<16xi32>
        %select_n3A_377 = arith.select %lt3A_374, %broadcast_in_dim3A_376, %get3A_371 : vector<16xi1>, vector<16xi32>
        %swap3A_378 = arith.index_cast %mul3A_369 : i32 to index
        %swap3A_379 = tpu.vector_load %arg5[%swap3A_378] {strides = array<i32>} : memref<448xi32, #tpu.memory_space<vmem>>, vector<16xi32>,
        tpu.vector_store %arg5[%swap3A_378], %select_n3A_377 {strides = array<i32>} : memref<448xi32, #tpu.memory_space<vmem>>, vector<16xi32>,
        %scan3A_380 = arith.constant 26 : i32
        %scan3A_381 = arith.addi %scan3A_351, %scan3A_380 : i32
        %mul3A_382 = arith.constant 16 : i32
        %mul3A_383 = arith.muli %scan3A_381, %mul3A_382 : i32
        %get3A_384 = arith.index_cast %mul3A_383 : i32 to index
        %get3A_385 = tpu.vector_load %arg5[%get3A_384] {strides = array<i32>} : memref<448xi32, #tpu.memory_space<vmem>>, vector<16xi32>,
        %lt3A_386 = arith.constant 0 : i32
        %lt3A_387 = vector.broadcast %lt3A_386 : i32 to vector<16xi32>
        %lt3A_388 = arith.cmpi slt, %get3A_385, %lt3A_387 : vector<16xi32>
        %jit3A_389 = arith.constant 100000 : i32
        %broadcast_in_dim3A_390 = vector.broadcast %jit3A_389 : i32 to vector<16xi32>
        %select_n3A_391 = arith.select %lt3A_388, %broadcast_in_dim3A_390, %get3A_385 : vector<16xi1>, vector<16xi32>
        %swap3A_392 = arith.index_cast %mul3A_383 : i32 to index
        %swap3A_393 = tpu.vector_load %arg5[%swap3A_392] {strides = array<i32>} : memref<448xi32, #tpu.memory_space<vmem>>, vector<16xi32>,
        tpu.vector_store %arg5[%swap3A_392], %select_n3A_391 {strides = array<i32>} : memref<448xi32, #tpu.memory_space<vmem>>, vector<16xi32>,
        %scan3A_394 = arith.constant 27 : i32
        %scan3A_395 = arith.addi %scan3A_351, %scan3A_394 : i32
        %mul3A_396 = arith.constant 16 : i32
        %mul3A_397 = arith.muli %scan3A_395, %mul3A_396 : i32
        %get3A_398 = arith.index_cast %mul3A_397 : i32 to index
        %get3A_399 = tpu.vector_load %arg5[%get3A_398] {strides = array<i32>} : memref<448xi32, #tpu.memory_space<vmem>>, vector<16xi32>,
        %lt3A_400 = arith.constant 0 : i32
        %lt3A_401 = vector.broadcast %lt3A_400 : i32 to vector<16xi32>
        %lt3A_402 = arith.cmpi slt, %get3A_399, %lt3A_401 : vector<16xi32>
        %jit3A_403 = arith.constant 100000 : i32
        %broadcast_in_dim3A_404 = vector.broadcast %jit3A_403 : i32 to vector<16xi32>
        %select_n3A_405 = arith.select %lt3A_402, %broadcast_in_dim3A_404, %get3A_399 : vector<16xi1>, vector<16xi32>
        %swap3A_406 = arith.index_cast %mul3A_397 : i32 to index
        %swap3A_407 = tpu.vector_load %arg5[%swap3A_406] {strides = array<i32>} : memref<448xi32, #tpu.memory_space<vmem>>, vector<16xi32>,
        tpu.vector_store %arg5[%swap3A_406], %select_n3A_405 {strides = array<i32>} : memref<448xi32, #tpu.memory_space<vmem>>, vector<16xi32>,
        %scan3A_408 = arith.constant 28 : i32
        %dma_start3A_409 = arith.constant 0 : i32
        %dma_start3A_410 = arith.constant 0 : i32
        %dma_start3A_411 = tpu.memref_slice %arg11[%dma_start3A_409, %dma_start3A_410] : memref<100008x16xf32, #tpu.memory_space<vmem_shared>> -> memref<100008x16xf32, #tpu.memory_space<vmem_shared>>
        tpu.enqueue_indirect_dma source(%dma_start3A_411 : memref<100008x16xf32, #tpu.memory_space<vmem_shared>>) target(%arg7 : memref<448x16xf32, #tpu.memory_space<vmem>>) offsets(%arg5 : memref<448xi32, #tpu.memory_space<vmem>>) semaphore(%arg12 : memref<!tpu.dma_semaphore, #tpu.memory_space<semaphore_mem>>)
        %add3A_412 = arith.constant 1 : i32
        %add3A_413 = arith.addi %add3A_260, %add3A_412 : i32
        %lt3A_414 = arith.cmpi slt, %add3A_413, %select_n3A : i32
        %convert_element_type3A_415 = arith.extui %lt3A_414 : i1 to i32
        %cond3A_416 = arith.constant 0 : i32
        %cond3A_417 = arith.cmpi ne, %convert_element_type3A_415, %cond3A_416 : i32
        scf.if %cond3A_417 {
          %add3A_418 = arith.constant 1 : i32
          %add3A_419 = arith.addi %add3A_260, %add3A_418 : i32
          %mul3A_420 = arith.constant 32 : i32
          %mul3A_421 = arith.muli %add3A_419, %mul3A_420 : i32
          %add3A_422 = arith.addi %add3A, %mul3A_421 : i32
          %jit3A_423 = arith.constant 224 : i32
          %div3A_424 = arith.divsi %add3A_422, %jit3A_423 : i32
          %sign3A_425 = arith.constant 0 : i32
          %sign3A_426 = arith.cmpi sgt, %add3A_422, %sign3A_425 : i32
          %sign3A_427 = arith.extui %sign3A_426 : i1 to i32
          %sign3A_428 = arith.constant 0 : i32
          %sign3A_429 = arith.cmpi slt, %add3A_422, %sign3A_428 : i32
          %sign3A_430 = arith.extui %sign3A_429 : i1 to i32
          %sign3A_431 = arith.subi %sign3A_427, %sign3A_430 : i32
          %sign3A_432 = arith.constant 0 : i32
          %sign3A_433 = arith.cmpi sgt, %jit3A_423, %sign3A_432 : i32
          %sign3A_434 = arith.extui %sign3A_433 : i1 to i32
          %sign3A_435 = arith.constant 0 : i32
          %sign3A_436 = arith.cmpi slt, %jit3A_423, %sign3A_435 : i32
          %sign3A_437 = arith.extui %sign3A_436 : i1 to i32
          %sign3A_438 = arith.subi %sign3A_434, %sign3A_437 : i32
          %ne3A_439 = arith.cmpi ne, %sign3A_431, %sign3A_438 : i32
          %rem3A_440 = arith.remsi %add3A_422, %jit3A_423 : i32
          %ne3A_441 = arith.constant 0 : i32
          %ne3A_442 = arith.cmpi ne, %rem3A_440, %ne3A_441 : i32
          %and3A_443 = arith.andi %ne3A_439, %ne3A_442 : i1
          %sub3A_444 = arith.constant 1 : i32
          %sub3A_445 = arith.subi %div3A_424, %sub3A_444 : i32
          %select_n3A_446 = arith.select %and3A_443, %sub3A_445, %div3A_424 : i32
          %jit3A_447 = arith.constant 224 : i32
          %eq3A_448 = arith.constant 0 : i32
          %eq3A_449 = arith.cmpi eq, %jit3A_447, %eq3A_448 : i32
          %jit3A_450 = arith.constant 1 : i32
          %select_n3A_451 = arith.select %eq3A_449, %jit3A_450, %jit3A_447 : i32
          %rem3A_452 = arith.remsi %add3A_422, %select_n3A_451 : i32
          %ne3A_453 = arith.constant 0 : i32
          %ne3A_454 = arith.cmpi ne, %rem3A_452, %ne3A_453 : i32
          %lt3A_455 = arith.constant 0 : i32
          %lt3A_456 = arith.cmpi slt, %rem3A_452, %lt3A_455 : i32
          %lt3A_457 = arith.constant 0 : i32
          %lt3A_458 = arith.cmpi slt, %select_n3A_451, %lt3A_457 : i32
          %ne3A_459 = arith.xori %lt3A_456, %lt3A_458 : i1
          %and3A_460 = arith.andi %ne3A_459, %ne3A_454 : i1
          %add3A_461 = arith.addi %rem3A_452, %select_n3A_451 : i32
          %select_n3A_462 = arith.select %and3A_460, %add3A_461, %rem3A_452 : i32
          %mul3A_463 = arith.constant 448 : i32
          %mul3A_464 = arith.muli %select_n3A_462, %mul3A_463 : i32
          %min3A_465 = arith.constant 99552 : i32
          %min3A_466 = arith.minsi %mul3A_464, %min3A_465 : i32
          %multiple_of3A_467 = tpu.assume_multiple %min3A_466, 8 : i32
          %dma_start3A_468 = tpu.memref_slice %arg3[%select_n3A_446, %multiple_of3A_467] : memref<27x100000xi32, #tpu.memory_space<hbm>> -> memref<1x448xi32, #tpu.memory_space<hbm>>
          %dma_start3A_469 = tpu.memref_squeeze %dma_start3A_468 : memref<1x448xi32, #tpu.memory_space<hbm>> -> memref<448xi32, #tpu.memory_space<hbm>>
          %dma_start3A_470 = tpu.memref_slice %arg3[%select_n3A_446, %multiple_of3A_467] : memref<27x100000xi32, #tpu.memory_space<hbm>> -> memref<1x448xi32, #tpu.memory_space<hbm>>
          %dma_start3A_471 = tpu.memref_squeeze %dma_start3A_470 : memref<1x448xi32, #tpu.memory_space<hbm>> -> memref<448xi32, #tpu.memory_space<hbm>>
          tpu.enqueue_dma source(%dma_start3A_471 : memref<448xi32, #tpu.memory_space<hbm>>) target(%arg6 : memref<448xi32, #tpu.memory_space<vmem>>) target_semaphore(%arg17 : memref<!tpu.dma_semaphore, #tpu.memory_space<semaphore_mem>>)
        } else {
        }
      } else {
      }
      %ge3A_270 = arith.constant 1 : i32
      %ge3A_271 = arith.cmpi sge, %add3A_260, %ge3A_270 : i32
      %le3A_272 = arith.cmpi sle, %add3A_260, %select_n3A : i32
      %and3A_273 = arith.andi %ge3A_271, %le3A_272 : i1
      %convert_element_type3A_274 = arith.extui %and3A_273 : i1 to i32
      %cond3A_275 = arith.constant 0 : i32
      %cond3A_276 = arith.cmpi ne, %convert_element_type3A_274, %cond3A_275 : i32
      scf.if %cond3A_276 {
        %sub3A_299 = arith.constant 1 : i32
        %sub3A_300 = arith.subi %add3A_260, %sub3A_299 : i32
        %parallel_loop3A = arith.constant 0 : i32
        %parallel_loop3A_301 = arith.constant 28 : i32
        %parallel_loop3A_302 = arith.constant 1 : i32
        scf.for %parallel_loop3A_357 = %parallel_loop3A to %parallel_loop3A_301 step %parallel_loop3A_302  : i32 {
          %parallel_loop3A_358 = arith.constant 16 : i32
          %parallel_loop3A_359 = arith.muli %parallel_loop3A_357, %parallel_loop3A_358 : i32
          %parallel_loop3A_360 = vector.broadcast %parallel_loop3A_359 : i32 to vector<16xi32>
          %parallel_loop3A_361 = arith.addi %parallel_loop3A_360, %iota3A : vector<16xi32>
          %parallel_loop3A_362 = arith.constant 0 : i32
          %parallel_loop3A_363 = vector.broadcast %parallel_loop3A_362 : i32 to vector<16xi32>
          %parallel_loop3A_364 = tpu.vector_load_idx %arg8[%parallel_loop3A_361, %parallel_loop3A_363] : memref<448x16xf32, #tpu.memory_space<vmem>>[vector<16xi32>, vector<16xi32>], vector<16xf32>,
          %parallel_loop3A_365 = arith.constant 0 : i32
          %parallel_loop3A_366 = arith.index_cast %parallel_loop3A_365 : i32 to index
          %parallel_loop3A_367 = arith.index_cast %parallel_loop3A_359 : i32 to index
          %parallel_loop3A_368 = tpu.vector_load %arg10[%parallel_loop3A_366, %parallel_loop3A_367] {strides = array<i32>} : memref<16x448xf32, #tpu.memory_space<vmem>>, vector<16xf32>,
          tpu.vector_store %arg10[%parallel_loop3A_366, %parallel_loop3A_367], %parallel_loop3A_364 {strides = array<i32>} : memref<16x448xf32, #tpu.memory_space<vmem>>, vector<16xf32>,
          %parallel_loop3A_369 = arith.constant 1 : i32
          %parallel_loop3A_370 = vector.broadcast %parallel_loop3A_369 : i32 to vector<16xi32>
          %parallel_loop3A_371 = tpu.vector_load_idx %arg8[%parallel_loop3A_361, %parallel_loop3A_370] : memref<448x16xf32, #tpu.memory_space<vmem>>[vector<16xi32>, vector<16xi32>], vector<16xf32>,
          %parallel_loop3A_372 = arith.constant 1 : i32
          %parallel_loop3A_373 = arith.index_cast %parallel_loop3A_372 : i32 to index
          %parallel_loop3A_374 = arith.index_cast %parallel_loop3A_359 : i32 to index
          %parallel_loop3A_375 = tpu.vector_load %arg10[%parallel_loop3A_373, %parallel_loop3A_374] {strides = array<i32>} : memref<16x448xf32, #tpu.memory_space<vmem>>, vector<16xf32>,
          tpu.vector_store %arg10[%parallel_loop3A_373, %parallel_loop3A_374], %parallel_loop3A_371 {strides = array<i32>} : memref<16x448xf32, #tpu.memory_space<vmem>>, vector<16xf32>,
          %parallel_loop3A_376 = arith.constant 2 : i32
          %parallel_loop3A_377 = vector.broadcast %parallel_loop3A_376 : i32 to vector<16xi32>
          %parallel_loop3A_378 = tpu.vector_load_idx %arg8[%parallel_loop3A_361, %parallel_loop3A_377] : memref<448x16xf32, #tpu.memory_space<vmem>>[vector<16xi32>, vector<16xi32>], vector<16xf32>,
          %parallel_loop3A_379 = arith.constant 2 : i32
          %parallel_loop3A_380 = arith.index_cast %parallel_loop3A_379 : i32 to index
          %parallel_loop3A_381 = arith.index_cast %parallel_loop3A_359 : i32 to index
          %parallel_loop3A_382 = tpu.vector_load %arg10[%parallel_loop3A_380, %parallel_loop3A_381] {strides = array<i32>} : memref<16x448xf32, #tpu.memory_space<vmem>>, vector<16xf32>,
          tpu.vector_store %arg10[%parallel_loop3A_380, %parallel_loop3A_381], %parallel_loop3A_378 {strides = array<i32>} : memref<16x448xf32, #tpu.memory_space<vmem>>, vector<16xf32>,
          %parallel_loop3A_383 = arith.constant 3 : i32
          %parallel_loop3A_384 = vector.broadcast %parallel_loop3A_383 : i32 to vector<16xi32>
          %parallel_loop3A_385 = tpu.vector_load_idx %arg8[%parallel_loop3A_361, %parallel_loop3A_384] : memref<448x16xf32, #tpu.memory_space<vmem>>[vector<16xi32>, vector<16xi32>], vector<16xf32>,
          %parallel_loop3A_386 = arith.constant 3 : i32
          %parallel_loop3A_387 = arith.index_cast %parallel_loop3A_386 : i32 to index
          %parallel_loop3A_388 = arith.index_cast %parallel_loop3A_359 : i32 to index
          %parallel_loop3A_389 = tpu.vector_load %arg10[%parallel_loop3A_387, %parallel_loop3A_388] {strides = array<i32>} : memref<16x448xf32, #tpu.memory_space<vmem>>, vector<16xf32>,
          tpu.vector_store %arg10[%parallel_loop3A_387, %parallel_loop3A_388], %parallel_loop3A_385 {strides = array<i32>} : memref<16x448xf32, #tpu.memory_space<vmem>>, vector<16xf32>,
          %parallel_loop3A_390 = arith.constant 4 : i32
          %parallel_loop3A_391 = vector.broadcast %parallel_loop3A_390 : i32 to vector<16xi32>
          %parallel_loop3A_392 = tpu.vector_load_idx %arg8[%parallel_loop3A_361, %parallel_loop3A_391] : memref<448x16xf32, #tpu.memory_space<vmem>>[vector<16xi32>, vector<16xi32>], vector<16xf32>,
          %parallel_loop3A_393 = arith.constant 4 : i32
          %parallel_loop3A_394 = arith.index_cast %parallel_loop3A_393 : i32 to index
          %parallel_loop3A_395 = arith.index_cast %parallel_loop3A_359 : i32 to index
          %parallel_loop3A_396 = tpu.vector_load %arg10[%parallel_loop3A_394, %parallel_loop3A_395] {strides = array<i32>} : memref<16x448xf32, #tpu.memory_space<vmem>>, vector<16xf32>,
          tpu.vector_store %arg10[%parallel_loop3A_394, %parallel_loop3A_395], %parallel_loop3A_392 {strides = array<i32>} : memref<16x448xf32, #tpu.memory_space<vmem>>, vector<16xf32>,
          %parallel_loop3A_397 = arith.constant 5 : i32
          %parallel_loop3A_398 = vector.broadcast %parallel_loop3A_397 : i32 to vector<16xi32>
          %parallel_loop3A_399 = tpu.vector_load_idx %arg8[%parallel_loop3A_361, %parallel_loop3A_398] : memref<448x16xf32, #tpu.memory_space<vmem>>[vector<16xi32>, vector<16xi32>], vector<16xf32>,
          %parallel_loop3A_400 = arith.constant 5 : i32
          %parallel_loop3A_401 = arith.index_cast %parallel_loop3A_400 : i32 to index
          %parallel_loop3A_402 = arith.index_cast %parallel_loop3A_359 : i32 to index
          %parallel_loop3A_403 = tpu.vector_load %arg10[%parallel_loop3A_401, %parallel_loop3A_402] {strides = array<i32>} : memref<16x448xf32, #tpu.memory_space<vmem>>, vector<16xf32>,
          tpu.vector_store %arg10[%parallel_loop3A_401, %parallel_loop3A_402], %parallel_loop3A_399 {strides = array<i32>} : memref<16x448xf32, #tpu.memory_space<vmem>>, vector<16xf32>,
          %parallel_loop3A_404 = arith.constant 6 : i32
          %parallel_loop3A_405 = vector.broadcast %parallel_loop3A_404 : i32 to vector<16xi32>
          %parallel_loop3A_406 = tpu.vector_load_idx %arg8[%parallel_loop3A_361, %parallel_loop3A_405] : memref<448x16xf32, #tpu.memory_space<vmem>>[vector<16xi32>, vector<16xi32>], vector<16xf32>,
          %parallel_loop3A_407 = arith.constant 6 : i32
          %parallel_loop3A_408 = arith.index_cast %parallel_loop3A_407 : i32 to index
          %parallel_loop3A_409 = arith.index_cast %parallel_loop3A_359 : i32 to index
          %parallel_loop3A_410 = tpu.vector_load %arg10[%parallel_loop3A_408, %parallel_loop3A_409] {strides = array<i32>} : memref<16x448xf32, #tpu.memory_space<vmem>>, vector<16xf32>,
          tpu.vector_store %arg10[%parallel_loop3A_408, %parallel_loop3A_409], %parallel_loop3A_406 {strides = array<i32>} : memref<16x448xf32, #tpu.memory_space<vmem>>, vector<16xf32>,
          %parallel_loop3A_411 = arith.constant 7 : i32
          %parallel_loop3A_412 = vector.broadcast %parallel_loop3A_411 : i32 to vector<16xi32>
          %parallel_loop3A_413 = tpu.vector_load_idx %arg8[%parallel_loop3A_361, %parallel_loop3A_412] : memref<448x16xf32, #tpu.memory_space<vmem>>[vector<16xi32>, vector<16xi32>], vector<16xf32>,
          %parallel_loop3A_414 = arith.constant 7 : i32
          %parallel_loop3A_415 = arith.index_cast %parallel_loop3A_414 : i32 to index
          %parallel_loop3A_416 = arith.index_cast %parallel_loop3A_359 : i32 to index
          %parallel_loop3A_417 = tpu.vector_load %arg10[%parallel_loop3A_415, %parallel_loop3A_416] {strides = array<i32>} : memref<16x448xf32, #tpu.memory_space<vmem>>, vector<16xf32>,
          tpu.vector_store %arg10[%parallel_loop3A_415, %parallel_loop3A_416], %parallel_loop3A_413 {strides = array<i32>} : memref<16x448xf32, #tpu.memory_space<vmem>>, vector<16xf32>,
          %parallel_loop3A_418 = arith.constant 8 : i32
          %parallel_loop3A_419 = vector.broadcast %parallel_loop3A_418 : i32 to vector<16xi32>
          %parallel_loop3A_420 = tpu.vector_load_idx %arg8[%parallel_loop3A_361, %parallel_loop3A_419] : memref<448x16xf32, #tpu.memory_space<vmem>>[vector<16xi32>, vector<16xi32>], vector<16xf32>,
          %parallel_loop3A_421 = arith.constant 8 : i32
          %parallel_loop3A_422 = arith.index_cast %parallel_loop3A_421 : i32 to index
          %parallel_loop3A_423 = arith.index_cast %parallel_loop3A_359 : i32 to index
          %parallel_loop3A_424 = tpu.vector_load %arg10[%parallel_loop3A_422, %parallel_loop3A_423] {strides = array<i32>} : memref<16x448xf32, #tpu.memory_space<vmem>>, vector<16xf32>,
          tpu.vector_store %arg10[%parallel_loop3A_422, %parallel_loop3A_423], %parallel_loop3A_420 {strides = array<i32>} : memref<16x448xf32, #tpu.memory_space<vmem>>, vector<16xf32>,
          %parallel_loop3A_425 = arith.constant 9 : i32
          %parallel_loop3A_426 = vector.broadcast %parallel_loop3A_425 : i32 to vector<16xi32>
          %parallel_loop3A_427 = tpu.vector_load_idx %arg8[%parallel_loop3A_361, %parallel_loop3A_426] : memref<448x16xf32, #tpu.memory_space<vmem>>[vector<16xi32>, vector<16xi32>], vector<16xf32>,
          %parallel_loop3A_428 = arith.constant 9 : i32
          %parallel_loop3A_429 = arith.index_cast %parallel_loop3A_428 : i32 to index
          %parallel_loop3A_430 = arith.index_cast %parallel_loop3A_359 : i32 to index
          %parallel_loop3A_431 = tpu.vector_load %arg10[%parallel_loop3A_429, %parallel_loop3A_430] {strides = array<i32>} : memref<16x448xf32, #tpu.memory_space<vmem>>, vector<16xf32>,
          tpu.vector_store %arg10[%parallel_loop3A_429, %parallel_loop3A_430], %parallel_loop3A_427 {strides = array<i32>} : memref<16x448xf32, #tpu.memory_space<vmem>>, vector<16xf32>,
          %parallel_loop3A_432 = arith.constant 10 : i32
          %parallel_loop3A_433 = vector.broadcast %parallel_loop3A_432 : i32 to vector<16xi32>
          %parallel_loop3A_434 = tpu.vector_load_idx %arg8[%parallel_loop3A_361, %parallel_loop3A_433] : memref<448x16xf32, #tpu.memory_space<vmem>>[vector<16xi32>, vector<16xi32>], vector<16xf32>,
          %parallel_loop3A_435 = arith.constant 10 : i32
          %parallel_loop3A_436 = arith.index_cast %parallel_loop3A_435 : i32 to index
          %parallel_loop3A_437 = arith.index_cast %parallel_loop3A_359 : i32 to index
          %parallel_loop3A_438 = tpu.vector_load %arg10[%parallel_loop3A_436, %parallel_loop3A_437] {strides = array<i32>} : memref<16x448xf32, #tpu.memory_space<vmem>>, vector<16xf32>,
          tpu.vector_store %arg10[%parallel_loop3A_436, %parallel_loop3A_437], %parallel_loop3A_434 {strides = array<i32>} : memref<16x448xf32, #tpu.memory_space<vmem>>, vector<16xf32>,
          %parallel_loop3A_439 = arith.constant 11 : i32
          %parallel_loop3A_440 = vector.broadcast %parallel_loop3A_439 : i32 to vector<16xi32>
          %parallel_loop3A_441 = tpu.vector_load_idx %arg8[%parallel_loop3A_361, %parallel_loop3A_440] : memref<448x16xf32, #tpu.memory_space<vmem>>[vector<16xi32>, vector<16xi32>], vector<16xf32>,
          %parallel_loop3A_442 = arith.constant 11 : i32
          %parallel_loop3A_443 = arith.index_cast %parallel_loop3A_442 : i32 to index
          %parallel_loop3A_444 = arith.index_cast %parallel_loop3A_359 : i32 to index
          %parallel_loop3A_445 = tpu.vector_load %arg10[%parallel_loop3A_443, %parallel_loop3A_444] {strides = array<i32>} : memref<16x448xf32, #tpu.memory_space<vmem>>, vector<16xf32>,
          tpu.vector_store %arg10[%parallel_loop3A_443, %parallel_loop3A_444], %parallel_loop3A_441 {strides = array<i32>} : memref<16x448xf32, #tpu.memory_space<vmem>>, vector<16xf32>,
          %parallel_loop3A_446 = arith.constant 12 : i32
          %parallel_loop3A_447 = vector.broadcast %parallel_loop3A_446 : i32 to vector<16xi32>
          %parallel_loop3A_448 = tpu.vector_load_idx %arg8[%parallel_loop3A_361, %parallel_loop3A_447] : memref<448x16xf32, #tpu.memory_space<vmem>>[vector<16xi32>, vector<16xi32>], vector<16xf32>,
          %parallel_loop3A_449 = arith.constant 12 : i32
          %parallel_loop3A_450 = arith.index_cast %parallel_loop3A_449 : i32 to index
          %parallel_loop3A_451 = arith.index_cast %parallel_loop3A_359 : i32 to index
          %parallel_loop3A_452 = tpu.vector_load %arg10[%parallel_loop3A_450, %parallel_loop3A_451] {strides = array<i32>} : memref<16x448xf32, #tpu.memory_space<vmem>>, vector<16xf32>,
          tpu.vector_store %arg10[%parallel_loop3A_450, %parallel_loop3A_451], %parallel_loop3A_448 {strides = array<i32>} : memref<16x448xf32, #tpu.memory_space<vmem>>, vector<16xf32>,
          %parallel_loop3A_453 = arith.constant 13 : i32
          %parallel_loop3A_454 = vector.broadcast %parallel_loop3A_453 : i32 to vector<16xi32>
          %parallel_loop3A_455 = tpu.vector_load_idx %arg8[%parallel_loop3A_361, %parallel_loop3A_454] : memref<448x16xf32, #tpu.memory_space<vmem>>[vector<16xi32>, vector<16xi32>], vector<16xf32>,
          %parallel_loop3A_456 = arith.constant 13 : i32
          %parallel_loop3A_457 = arith.index_cast %parallel_loop3A_456 : i32 to index
          %parallel_loop3A_458 = arith.index_cast %parallel_loop3A_359 : i32 to index
          %parallel_loop3A_459 = tpu.vector_load %arg10[%parallel_loop3A_457, %parallel_loop3A_458] {strides = array<i32>} : memref<16x448xf32, #tpu.memory_space<vmem>>, vector<16xf32>,
          tpu.vector_store %arg10[%parallel_loop3A_457, %parallel_loop3A_458], %parallel_loop3A_455 {strides = array<i32>} : memref<16x448xf32, #tpu.memory_space<vmem>>, vector<16xf32>,
          %parallel_loop3A_460 = arith.constant 14 : i32
          %parallel_loop3A_461 = vector.broadcast %parallel_loop3A_460 : i32 to vector<16xi32>
          %parallel_loop3A_462 = tpu.vector_load_idx %arg8[%parallel_loop3A_361, %parallel_loop3A_461] : memref<448x16xf32, #tpu.memory_space<vmem>>[vector<16xi32>, vector<16xi32>], vector<16xf32>,
          %parallel_loop3A_463 = arith.constant 14 : i32
          %parallel_loop3A_464 = arith.index_cast %parallel_loop3A_463 : i32 to index
          %parallel_loop3A_465 = arith.index_cast %parallel_loop3A_359 : i32 to index
          %parallel_loop3A_466 = tpu.vector_load %arg10[%parallel_loop3A_464, %parallel_loop3A_465] {strides = array<i32>} : memref<16x448xf32, #tpu.memory_space<vmem>>, vector<16xf32>,
          tpu.vector_store %arg10[%parallel_loop3A_464, %parallel_loop3A_465], %parallel_loop3A_462 {strides = array<i32>} : memref<16x448xf32, #tpu.memory_space<vmem>>, vector<16xf32>,
          %parallel_loop3A_467 = arith.constant 15 : i32
          %parallel_loop3A_468 = vector.broadcast %parallel_loop3A_467 : i32 to vector<16xi32>
          %parallel_loop3A_469 = tpu.vector_load_idx %arg8[%parallel_loop3A_361, %parallel_loop3A_468] : memref<448x16xf32, #tpu.memory_space<vmem>>[vector<16xi32>, vector<16xi32>], vector<16xf32>,
          %parallel_loop3A_470 = arith.constant 15 : i32
          %parallel_loop3A_471 = arith.index_cast %parallel_loop3A_470 : i32 to index
          %parallel_loop3A_472 = arith.index_cast %parallel_loop3A_359 : i32 to index
          %parallel_loop3A_473 = tpu.vector_load %arg10[%parallel_loop3A_471, %parallel_loop3A_472] {strides = array<i32>} : memref<16x448xf32, #tpu.memory_space<vmem>>, vector<16xf32>,
          tpu.vector_store %arg10[%parallel_loop3A_471, %parallel_loop3A_472], %parallel_loop3A_469 {strides = array<i32>} : memref<16x448xf32, #tpu.memory_space<vmem>>, vector<16xf32>,
        } {sc.loop_unroll_factor = 4 : i64, sc.parallel_access}
        %mul3A_303 = arith.constant 32 : i32
        %mul3A_304 = arith.muli %sub3A_300, %mul3A_303 : i32
        %add3A_305 = arith.addi %add3A, %mul3A_304 : i32
        %jit3A_306 = arith.constant 224 : i32
        %div3A_307 = arith.divsi %add3A_305, %jit3A_306 : i32
        %sign3A_308 = arith.constant 0 : i32
        %sign3A_309 = arith.cmpi sgt, %add3A_305, %sign3A_308 : i32
        %sign3A_310 = arith.extui %sign3A_309 : i1 to i32
        %sign3A_311 = arith.constant 0 : i32
        %sign3A_312 = arith.cmpi slt, %add3A_305, %sign3A_311 : i32
        %sign3A_313 = arith.extui %sign3A_312 : i1 to i32
        %sign3A_314 = arith.subi %sign3A_310, %sign3A_313 : i32
        %sign3A_315 = arith.constant 0 : i32
        %sign3A_316 = arith.cmpi sgt, %jit3A_306, %sign3A_315 : i32
        %sign3A_317 = arith.extui %sign3A_316 : i1 to i32
        %sign3A_318 = arith.constant 0 : i32
        %sign3A_319 = arith.cmpi slt, %jit3A_306, %sign3A_318 : i32
        %sign3A_320 = arith.extui %sign3A_319 : i1 to i32
        %sign3A_321 = arith.subi %sign3A_317, %sign3A_320 : i32
        %ne3A_322 = arith.cmpi ne, %sign3A_314, %sign3A_321 : i32
        %rem3A_323 = arith.remsi %add3A_305, %jit3A_306 : i32
        %ne3A_324 = arith.constant 0 : i32
        %ne3A_325 = arith.cmpi ne, %rem3A_323, %ne3A_324 : i32
        %and3A_326 = arith.andi %ne3A_322, %ne3A_325 : i1
        %sub3A_327 = arith.constant 1 : i32
        %sub3A_328 = arith.subi %div3A_307, %sub3A_327 : i32
        %select_n3A_329 = arith.select %and3A_326, %sub3A_328, %div3A_307 : i32
        %jit3A_330 = arith.constant 224 : i32
        %eq3A_331 = arith.constant 0 : i32
        %eq3A_332 = arith.cmpi eq, %jit3A_330, %eq3A_331 : i32
        %jit3A_333 = arith.constant 1 : i32
        %select_n3A_334 = arith.select %eq3A_332, %jit3A_333, %jit3A_330 : i32
        %rem3A_335 = arith.remsi %add3A_305, %select_n3A_334 : i32
        %ne3A_336 = arith.constant 0 : i32
        %ne3A_337 = arith.cmpi ne, %rem3A_335, %ne3A_336 : i32
        %lt3A_338 = arith.constant 0 : i32
        %lt3A_339 = arith.cmpi slt, %rem3A_335, %lt3A_338 : i32
        %lt3A_340 = arith.constant 0 : i32
        %lt3A_341 = arith.cmpi slt, %select_n3A_334, %lt3A_340 : i32
        %ne3A_342 = arith.xori %lt3A_339, %lt3A_341 : i1
        %and3A_343 = arith.andi %ne3A_342, %ne3A_337 : i1
        %add3A_344 = arith.addi %rem3A_335, %select_n3A_334 : i32
        %select_n3A_345 = arith.select %and3A_343, %add3A_344, %rem3A_335 : i32
        %mul3A_346 = arith.constant 448 : i32
        %mul3A_347 = arith.muli %select_n3A_345, %mul3A_346 : i32
        %min3A_348 = arith.constant 99552 : i32
        %min3A_349 = arith.minsi %mul3A_347, %min3A_348 : i32
        %multiple_of3A_350 = tpu.assume_multiple %min3A_349, 8 : i32
        %dma_start3A_351 = arith.constant 0 : i32
        %dma_start3A_352 = tpu.memref_slice %arg4[%select_n3A_329, %dma_start3A_351, %multiple_of3A_350] : memref<27x16x100000xf32, #tpu.memory_space<hbm>> -> memref<1x16x448xf32, #tpu.memory_space<hbm>>
        %dma_start3A_353 = tpu.memref_squeeze %dma_start3A_352 : memref<1x16x448xf32, #tpu.memory_space<hbm>> -> memref<16x448xf32, #tpu.memory_space<hbm>>
        %dma_start3A_354 = arith.constant 0 : i32
        %dma_start3A_355 = tpu.memref_slice %arg4[%select_n3A_329, %dma_start3A_354, %multiple_of3A_350] : memref<27x16x100000xf32, #tpu.memory_space<hbm>> -> memref<1x16x448xf32, #tpu.memory_space<hbm>>
        %dma_start3A_356 = tpu.memref_squeeze %dma_start3A_355 : memref<1x16x448xf32, #tpu.memory_space<hbm>> -> memref<16x448xf32, #tpu.memory_space<hbm>>
        tpu.enqueue_dma source(%arg10 : memref<16x448xf32, #tpu.memory_space<vmem>>) target(%dma_start3A_356 : memref<16x448xf32, #tpu.memory_space<hbm>>) target_semaphore(%arg15 : memref<!tpu.dma_semaphore, #tpu.memory_space<semaphore_mem>>)
      } else {
      }
      %mul3A_277 = arith.constant 2 : i32
      %mul3A_278 = arith.muli %mul3A_277, %while3A_256 : i32
      %add3A_279 = arith.constant 1 : i32
      %add3A_280 = arith.addi %mul3A_278, %add3A_279 : i32
      %ge3A_281 = arith.constant 1 : i32
      %ge3A_282 = arith.cmpi sge, %add3A_280, %ge3A_281 : i32
      %le3A_283 = arith.cmpi sle, %add3A_280, %select_n3A : i32
      %and3A_284 = arith.andi %ge3A_282, %le3A_283 : i1
      %convert_element_type3A_285 = arith.extui %and3A_284 : i1 to i32
      %cond3A_286 = arith.constant 0 : i32
      %cond3A_287 = arith.cmpi ne, %convert_element_type3A_285, %cond3A_286 : i32
      scf.if %cond3A_287 {
        %sub3A_299 = arith.constant 3 : i32
        %sub3A_300 = arith.subi %add3A_280, %sub3A_299 : i32
        %ge3A_301 = arith.constant 0 : i32
        %ge3A_302 = arith.cmpi sge, %sub3A_300, %ge3A_301 : i32
        %convert_element_type3A_303 = arith.extui %ge3A_302 : i1 to i32
        %cond3A_304 = arith.constant 0 : i32
        %cond3A_305 = arith.cmpi ne, %convert_element_type3A_303, %cond3A_304 : i32
        scf.if %cond3A_305 {
          %mul3A_309 = arith.constant 32 : i32
          %mul3A_310 = arith.muli %sub3A_300, %mul3A_309 : i32
          %add3A_311 = arith.addi %add3A, %mul3A_310 : i32
          %jit3A_312 = arith.constant 224 : i32
          %div3A_313 = arith.divsi %add3A_311, %jit3A_312 : i32
          %sign3A_314 = arith.constant 0 : i32
          %sign3A_315 = arith.cmpi sgt, %add3A_311, %sign3A_314 : i32
          %sign3A_316 = arith.extui %sign3A_315 : i1 to i32
          %sign3A_317 = arith.constant 0 : i32
          %sign3A_318 = arith.cmpi slt, %add3A_311, %sign3A_317 : i32
          %sign3A_319 = arith.extui %sign3A_318 : i1 to i32
          %sign3A_320 = arith.subi %sign3A_316, %sign3A_319 : i32
          %sign3A_321 = arith.constant 0 : i32
          %sign3A_322 = arith.cmpi sgt, %jit3A_312, %sign3A_321 : i32
          %sign3A_323 = arith.extui %sign3A_322 : i1 to i32
          %sign3A_324 = arith.constant 0 : i32
          %sign3A_325 = arith.cmpi slt, %jit3A_312, %sign3A_324 : i32
          %sign3A_326 = arith.extui %sign3A_325 : i1 to i32
          %sign3A_327 = arith.subi %sign3A_323, %sign3A_326 : i32
          %ne3A_328 = arith.cmpi ne, %sign3A_320, %sign3A_327 : i32
          %rem3A_329 = arith.remsi %add3A_311, %jit3A_312 : i32
          %ne3A_330 = arith.constant 0 : i32
          %ne3A_331 = arith.cmpi ne, %rem3A_329, %ne3A_330 : i32
          %and3A_332 = arith.andi %ne3A_328, %ne3A_331 : i1
          %sub3A_333 = arith.constant 1 : i32
          %sub3A_334 = arith.subi %div3A_313, %sub3A_333 : i32
          %select_n3A_335 = arith.select %and3A_332, %sub3A_334, %div3A_313 : i32
          %jit3A_336 = arith.constant 224 : i32
          %eq3A_337 = arith.constant 0 : i32
          %eq3A_338 = arith.cmpi eq, %jit3A_336, %eq3A_337 : i32
          %jit3A_339 = arith.constant 1 : i32
          %select_n3A_340 = arith.select %eq3A_338, %jit3A_339, %jit3A_336 : i32
          %rem3A_341 = arith.remsi %add3A_311, %select_n3A_340 : i32
          %ne3A_342 = arith.constant 0 : i32
          %ne3A_343 = arith.cmpi ne, %rem3A_341, %ne3A_342 : i32
          %lt3A_344 = arith.constant 0 : i32
          %lt3A_345 = arith.cmpi slt, %rem3A_341, %lt3A_344 : i32
          %lt3A_346 = arith.constant 0 : i32
          %lt3A_347 = arith.cmpi slt, %select_n3A_340, %lt3A_346 : i32
          %ne3A_348 = arith.xori %lt3A_345, %lt3A_347 : i1
          %and3A_349 = arith.andi %ne3A_348, %ne3A_343 : i1
          %add3A_350 = arith.addi %rem3A_341, %select_n3A_340 : i32
          %select_n3A_351 = arith.select %and3A_349, %add3A_350, %rem3A_341 : i32
          %mul3A_352 = arith.constant 448 : i32
          %mul3A_353 = arith.muli %select_n3A_351, %mul3A_352 : i32
          %min3A_354 = arith.constant 99552 : i32
          %min3A_355 = arith.minsi %mul3A_353, %min3A_354 : i32
          %multiple_of3A_356 = tpu.assume_multiple %min3A_355, 8 : i32
          %dma_wait3A_357 = arith.constant 0 : i32
          %dma_wait3A_358 = tpu.memref_slice %arg4[%select_n3A_335, %dma_wait3A_357, %multiple_of3A_356] : memref<27x16x100000xf32, #tpu.memory_space<hbm>> -> memref<1x16x448xf32, #tpu.memory_space<hbm>>
          %dma_wait3A_359 = tpu.memref_squeeze %dma_wait3A_358 : memref<1x16x448xf32, #tpu.memory_space<hbm>> -> memref<16x448xf32, #tpu.memory_space<hbm>>
          %dma_wait3A_360 = arith.constant 0 : i32
          %dma_wait3A_361 = tpu.memref_slice %arg4[%select_n3A_335, %dma_wait3A_360, %multiple_of3A_356] : memref<27x16x100000xf32, #tpu.memory_space<hbm>> -> memref<1x16x448xf32, #tpu.memory_space<hbm>>
          %dma_wait3A_362 = tpu.memref_squeeze %dma_wait3A_361 : memref<1x16x448xf32, #tpu.memory_space<hbm>> -> memref<16x448xf32, #tpu.memory_space<hbm>>
          tpu.wait_dma2 semaphore(%arg14 : memref<!tpu.dma_semaphore, #tpu.memory_space<semaphore_mem>>) src(%arg9 : memref<16x448xf32, #tpu.memory_space<vmem>>) dst(%dma_wait3A_362 : memref<16x448xf32, #tpu.memory_space<hbm>>)
        } else {
        }
        %dma_wait3A_306 = arith.constant 0 : i32
        %dma_wait3A_307 = arith.constant 0 : i32
        %dma_wait3A_308 = tpu.memref_slice %arg11[%dma_wait3A_306, %dma_wait3A_307] : memref<100008x16xf32, #tpu.memory_space<vmem_shared>> -> memref<100008x16xf32, #tpu.memory_space<vmem_shared>>
        tpu.wait_indirect_dma semaphore(%arg12 : memref<!tpu.dma_semaphore, #tpu.memory_space<semaphore_mem>>) src(%dma_wait3A_308 : memref<100008x16xf32, #tpu.memory_space<vmem_shared>>) dst(%arg7 : memref<448x16xf32, #tpu.memory_space<vmem>>)
      } else {
      }
      %lt3A_288 = arith.cmpi slt, %add3A_280, %select_n3A : i32
      %convert_element_type3A_289 = arith.extui %lt3A_288 : i1 to i32
      %cond3A_290 = arith.constant 0 : i32
      %cond3A_291 = arith.cmpi ne, %convert_element_type3A_289, %cond3A_290 : i32
      scf.if %cond3A_291 {
        %mul3A_299 = arith.constant 32 : i32
        %mul3A_300 = arith.muli %add3A_280, %mul3A_299 : i32
        %add3A_301 = arith.addi %add3A, %mul3A_300 : i32
        %jit3A_302 = arith.constant 224 : i32
        %div3A_303 = arith.divsi %add3A_301, %jit3A_302 : i32
        %sign3A_304 = arith.constant 0 : i32
        %sign3A_305 = arith.cmpi sgt, %add3A_301, %sign3A_304 : i32
        %sign3A_306 = arith.extui %sign3A_305 : i1 to i32
        %sign3A_307 = arith.constant 0 : i32
        %sign3A_308 = arith.cmpi slt, %add3A_301, %sign3A_307 : i32
        %sign3A_309 = arith.extui %sign3A_308 : i1 to i32
        %sign3A_310 = arith.subi %sign3A_306, %sign3A_309 : i32
        %sign3A_311 = arith.constant 0 : i32
        %sign3A_312 = arith.cmpi sgt, %jit3A_302, %sign3A_311 : i32
        %sign3A_313 = arith.extui %sign3A_312 : i1 to i32
        %sign3A_314 = arith.constant 0 : i32
        %sign3A_315 = arith.cmpi slt, %jit3A_302, %sign3A_314 : i32
        %sign3A_316 = arith.extui %sign3A_315 : i1 to i32
        %sign3A_317 = arith.subi %sign3A_313, %sign3A_316 : i32
        %ne3A_318 = arith.cmpi ne, %sign3A_310, %sign3A_317 : i32
        %rem3A_319 = arith.remsi %add3A_301, %jit3A_302 : i32
        %ne3A_320 = arith.constant 0 : i32
        %ne3A_321 = arith.cmpi ne, %rem3A_319, %ne3A_320 : i32
        %and3A_322 = arith.andi %ne3A_318, %ne3A_321 : i1
        %sub3A_323 = arith.constant 1 : i32
        %sub3A_324 = arith.subi %div3A_303, %sub3A_323 : i32
        %select_n3A_325 = arith.select %and3A_322, %sub3A_324, %div3A_303 : i32
        %jit3A_326 = arith.constant 224 : i32
        %eq3A_327 = arith.constant 0 : i32
        %eq3A_328 = arith.cmpi eq, %jit3A_326, %eq3A_327 : i32
        %jit3A_329 = arith.constant 1 : i32
        %select_n3A_330 = arith.select %eq3A_328, %jit3A_329, %jit3A_326 : i32
        %rem3A_331 = arith.remsi %add3A_301, %select_n3A_330 : i32
        %ne3A_332 = arith.constant 0 : i32
        %ne3A_333 = arith.cmpi ne, %rem3A_331, %ne3A_332 : i32
        %lt3A_334 = arith.constant 0 : i32
        %lt3A_335 = arith.cmpi slt, %rem3A_331, %lt3A_334 : i32
        %lt3A_336 = arith.constant 0 : i32
        %lt3A_337 = arith.cmpi slt, %select_n3A_330, %lt3A_336 : i32
        %ne3A_338 = arith.xori %lt3A_335, %lt3A_337 : i1
        %and3A_339 = arith.andi %ne3A_338, %ne3A_333 : i1
        %add3A_340 = arith.addi %rem3A_331, %select_n3A_330 : i32
        %select_n3A_341 = arith.select %and3A_339, %add3A_340, %rem3A_331 : i32
        %mul3A_342 = arith.constant 448 : i32
        %mul3A_343 = arith.muli %select_n3A_341, %mul3A_342 : i32
        %min3A_344 = arith.constant 99552 : i32
        %min3A_345 = arith.minsi %mul3A_343, %min3A_344 : i32
        %multiple_of3A_346 = tpu.assume_multiple %min3A_345, 8 : i32
        %dma_wait3A_347 = tpu.memref_slice %arg3[%select_n3A_325, %multiple_of3A_346] : memref<27x100000xi32, #tpu.memory_space<hbm>> -> memref<1x448xi32, #tpu.memory_space<hbm>>
        %dma_wait3A_348 = tpu.memref_squeeze %dma_wait3A_347 : memref<1x448xi32, #tpu.memory_space<hbm>> -> memref<448xi32, #tpu.memory_space<hbm>>
        %dma_wait3A_349 = tpu.memref_slice %arg3[%select_n3A_325, %multiple_of3A_346] : memref<27x100000xi32, #tpu.memory_space<hbm>> -> memref<1x448xi32, #tpu.memory_space<hbm>>
        %dma_wait3A_350 = tpu.memref_squeeze %dma_wait3A_349 : memref<1x448xi32, #tpu.memory_space<hbm>> -> memref<448xi32, #tpu.memory_space<hbm>>
        tpu.wait_dma2 semaphore(%arg17 : memref<!tpu.dma_semaphore, #tpu.memory_space<semaphore_mem>>) src(%dma_wait3A_350 : memref<448xi32, #tpu.memory_space<hbm>>) dst(%arg6 : memref<448xi32, #tpu.memory_space<vmem>>)
        %scan3A = arith.constant 0 : i32
        %scan3A_351 = arith.constant 0 : i32
        %scan3A_352 = arith.constant 24 : i32
        %scan3A_353 = arith.addi %scan3A_351, %scan3A_352 : i32
        %scan3A_354 = arith.constant 8 : i32
        scf.for %scan3A_418 = %scan3A_351 to %scan3A_353 step %scan3A_354  : i32 {
          %mul3A_419 = arith.constant 16 : i32
          %mul3A_420 = arith.muli %scan3A_418, %mul3A_419 : i32
          %get3A_421 = arith.index_cast %mul3A_420 : i32 to index
          %get3A_422 = tpu.vector_load %arg6[%get3A_421] {strides = array<i32>} : memref<448xi32, #tpu.memory_space<vmem>>, vector<16xi32>,
          %lt3A_423 = arith.constant 0 : i32
          %lt3A_424 = vector.broadcast %lt3A_423 : i32 to vector<16xi32>
          %lt3A_425 = arith.cmpi slt, %get3A_422, %lt3A_424 : vector<16xi32>
          %jit3A_426 = arith.constant 100000 : i32
          %broadcast_in_dim3A_427 = vector.broadcast %jit3A_426 : i32 to vector<16xi32>
          %select_n3A_428 = arith.select %lt3A_425, %broadcast_in_dim3A_427, %get3A_422 : vector<16xi1>, vector<16xi32>
          %swap3A_429 = arith.index_cast %mul3A_420 : i32 to index
          %swap3A_430 = tpu.vector_load %arg6[%swap3A_429] {strides = array<i32>} : memref<448xi32, #tpu.memory_space<vmem>>, vector<16xi32>,
          tpu.vector_store %arg6[%swap3A_429], %select_n3A_428 {strides = array<i32>} : memref<448xi32, #tpu.memory_space<vmem>>, vector<16xi32>,
          %scan3A_431 = arith.constant 1 : i32
          %scan3A_432 = arith.addi %scan3A_418, %scan3A_431 : i32
          %mul3A_433 = arith.constant 16 : i32
          %mul3A_434 = arith.muli %scan3A_432, %mul3A_433 : i32
          %get3A_435 = arith.index_cast %mul3A_434 : i32 to index
          %get3A_436 = tpu.vector_load %arg6[%get3A_435] {strides = array<i32>} : memref<448xi32, #tpu.memory_space<vmem>>, vector<16xi32>,
          %lt3A_437 = arith.constant 0 : i32
          %lt3A_438 = vector.broadcast %lt3A_437 : i32 to vector<16xi32>
          %lt3A_439 = arith.cmpi slt, %get3A_436, %lt3A_438 : vector<16xi32>
          %jit3A_440 = arith.constant 100000 : i32
          %broadcast_in_dim3A_441 = vector.broadcast %jit3A_440 : i32 to vector<16xi32>
          %select_n3A_442 = arith.select %lt3A_439, %broadcast_in_dim3A_441, %get3A_436 : vector<16xi1>, vector<16xi32>
          %swap3A_443 = arith.index_cast %mul3A_434 : i32 to index
          %swap3A_444 = tpu.vector_load %arg6[%swap3A_443] {strides = array<i32>} : memref<448xi32, #tpu.memory_space<vmem>>, vector<16xi32>,
          tpu.vector_store %arg6[%swap3A_443], %select_n3A_442 {strides = array<i32>} : memref<448xi32, #tpu.memory_space<vmem>>, vector<16xi32>,
          %scan3A_445 = arith.constant 2 : i32
          %scan3A_446 = arith.addi %scan3A_418, %scan3A_445 : i32
          %mul3A_447 = arith.constant 16 : i32
          %mul3A_448 = arith.muli %scan3A_446, %mul3A_447 : i32
          %get3A_449 = arith.index_cast %mul3A_448 : i32 to index
          %get3A_450 = tpu.vector_load %arg6[%get3A_449] {strides = array<i32>} : memref<448xi32, #tpu.memory_space<vmem>>, vector<16xi32>,
          %lt3A_451 = arith.constant 0 : i32
          %lt3A_452 = vector.broadcast %lt3A_451 : i32 to vector<16xi32>
          %lt3A_453 = arith.cmpi slt, %get3A_450, %lt3A_452 : vector<16xi32>
          %jit3A_454 = arith.constant 100000 : i32
          %broadcast_in_dim3A_455 = vector.broadcast %jit3A_454 : i32 to vector<16xi32>
          %select_n3A_456 = arith.select %lt3A_453, %broadcast_in_dim3A_455, %get3A_450 : vector<16xi1>, vector<16xi32>
          %swap3A_457 = arith.index_cast %mul3A_448 : i32 to index
          %swap3A_458 = tpu.vector_load %arg6[%swap3A_457] {strides = array<i32>} : memref<448xi32, #tpu.memory_space<vmem>>, vector<16xi32>,
          tpu.vector_store %arg6[%swap3A_457], %select_n3A_456 {strides = array<i32>} : memref<448xi32, #tpu.memory_space<vmem>>, vector<16xi32>,
          %scan3A_459 = arith.constant 3 : i32
          %scan3A_460 = arith.addi %scan3A_418, %scan3A_459 : i32
          %mul3A_461 = arith.constant 16 : i32
          %mul3A_462 = arith.muli %scan3A_460, %mul3A_461 : i32
          %get3A_463 = arith.index_cast %mul3A_462 : i32 to index
          %get3A_464 = tpu.vector_load %arg6[%get3A_463] {strides = array<i32>} : memref<448xi32, #tpu.memory_space<vmem>>, vector<16xi32>,
          %lt3A_465 = arith.constant 0 : i32
          %lt3A_466 = vector.broadcast %lt3A_465 : i32 to vector<16xi32>
          %lt3A_467 = arith.cmpi slt, %get3A_464, %lt3A_466 : vector<16xi32>
          %jit3A_468 = arith.constant 100000 : i32
          %broadcast_in_dim3A_469 = vector.broadcast %jit3A_468 : i32 to vector<16xi32>
          %select_n3A_470 = arith.select %lt3A_467, %broadcast_in_dim3A_469, %get3A_464 : vector<16xi1>, vector<16xi32>
          %swap3A_471 = arith.index_cast %mul3A_462 : i32 to index
          %swap3A_472 = tpu.vector_load %arg6[%swap3A_471] {strides = array<i32>} : memref<448xi32, #tpu.memory_space<vmem>>, vector<16xi32>,
          tpu.vector_store %arg6[%swap3A_471], %select_n3A_470 {strides = array<i32>} : memref<448xi32, #tpu.memory_space<vmem>>, vector<16xi32>,
          %scan3A_473 = arith.constant 4 : i32
          %scan3A_474 = arith.addi %scan3A_418, %scan3A_473 : i32
          %mul3A_475 = arith.constant 16 : i32
          %mul3A_476 = arith.muli %scan3A_474, %mul3A_475 : i32
          %get3A_477 = arith.index_cast %mul3A_476 : i32 to index
          %get3A_478 = tpu.vector_load %arg6[%get3A_477] {strides = array<i32>} : memref<448xi32, #tpu.memory_space<vmem>>, vector<16xi32>,
          %lt3A_479 = arith.constant 0 : i32
          %lt3A_480 = vector.broadcast %lt3A_479 : i32 to vector<16xi32>
          %lt3A_481 = arith.cmpi slt, %get3A_478, %lt3A_480 : vector<16xi32>
          %jit3A_482 = arith.constant 100000 : i32
          %broadcast_in_dim3A_483 = vector.broadcast %jit3A_482 : i32 to vector<16xi32>
          %select_n3A_484 = arith.select %lt3A_481, %broadcast_in_dim3A_483, %get3A_478 : vector<16xi1>, vector<16xi32>
          %swap3A_485 = arith.index_cast %mul3A_476 : i32 to index
          %swap3A_486 = tpu.vector_load %arg6[%swap3A_485] {strides = array<i32>} : memref<448xi32, #tpu.memory_space<vmem>>, vector<16xi32>,
          tpu.vector_store %arg6[%swap3A_485], %select_n3A_484 {strides = array<i32>} : memref<448xi32, #tpu.memory_space<vmem>>, vector<16xi32>,
          %scan3A_487 = arith.constant 5 : i32
          %scan3A_488 = arith.addi %scan3A_418, %scan3A_487 : i32
          %mul3A_489 = arith.constant 16 : i32
          %mul3A_490 = arith.muli %scan3A_488, %mul3A_489 : i32
          %get3A_491 = arith.index_cast %mul3A_490 : i32 to index
          %get3A_492 = tpu.vector_load %arg6[%get3A_491] {strides = array<i32>} : memref<448xi32, #tpu.memory_space<vmem>>, vector<16xi32>,
          %lt3A_493 = arith.constant 0 : i32
          %lt3A_494 = vector.broadcast %lt3A_493 : i32 to vector<16xi32>
          %lt3A_495 = arith.cmpi slt, %get3A_492, %lt3A_494 : vector<16xi32>
          %jit3A_496 = arith.constant 100000 : i32
          %broadcast_in_dim3A_497 = vector.broadcast %jit3A_496 : i32 to vector<16xi32>
          %select_n3A_498 = arith.select %lt3A_495, %broadcast_in_dim3A_497, %get3A_492 : vector<16xi1>, vector<16xi32>
          %swap3A_499 = arith.index_cast %mul3A_490 : i32 to index
          %swap3A_500 = tpu.vector_load %arg6[%swap3A_499] {strides = array<i32>} : memref<448xi32, #tpu.memory_space<vmem>>, vector<16xi32>,
          tpu.vector_store %arg6[%swap3A_499], %select_n3A_498 {strides = array<i32>} : memref<448xi32, #tpu.memory_space<vmem>>, vector<16xi32>,
          %scan3A_501 = arith.constant 6 : i32
          %scan3A_502 = arith.addi %scan3A_418, %scan3A_501 : i32
          %mul3A_503 = arith.constant 16 : i32
          %mul3A_504 = arith.muli %scan3A_502, %mul3A_503 : i32
          %get3A_505 = arith.index_cast %mul3A_504 : i32 to index
          %get3A_506 = tpu.vector_load %arg6[%get3A_505] {strides = array<i32>} : memref<448xi32, #tpu.memory_space<vmem>>, vector<16xi32>,
          %lt3A_507 = arith.constant 0 : i32
          %lt3A_508 = vector.broadcast %lt3A_507 : i32 to vector<16xi32>
          %lt3A_509 = arith.cmpi slt, %get3A_506, %lt3A_508 : vector<16xi32>
          %jit3A_510 = arith.constant 100000 : i32
          %broadcast_in_dim3A_511 = vector.broadcast %jit3A_510 : i32 to vector<16xi32>
          %select_n3A_512 = arith.select %lt3A_509, %broadcast_in_dim3A_511, %get3A_506 : vector<16xi1>, vector<16xi32>
          %swap3A_513 = arith.index_cast %mul3A_504 : i32 to index
          %swap3A_514 = tpu.vector_load %arg6[%swap3A_513] {strides = array<i32>} : memref<448xi32, #tpu.memory_space<vmem>>, vector<16xi32>,
          tpu.vector_store %arg6[%swap3A_513], %select_n3A_512 {strides = array<i32>} : memref<448xi32, #tpu.memory_space<vmem>>, vector<16xi32>,
          %scan3A_515 = arith.constant 7 : i32
          %scan3A_516 = arith.addi %scan3A_418, %scan3A_515 : i32
          %mul3A_517 = arith.constant 16 : i32
          %mul3A_518 = arith.muli %scan3A_516, %mul3A_517 : i32
          %get3A_519 = arith.index_cast %mul3A_518 : i32 to index
          %get3A_520 = tpu.vector_load %arg6[%get3A_519] {strides = array<i32>} : memref<448xi32, #tpu.memory_space<vmem>>, vector<16xi32>,
          %lt3A_521 = arith.constant 0 : i32
          %lt3A_522 = vector.broadcast %lt3A_521 : i32 to vector<16xi32>
          %lt3A_523 = arith.cmpi slt, %get3A_520, %lt3A_522 : vector<16xi32>
          %jit3A_524 = arith.constant 100000 : i32
          %broadcast_in_dim3A_525 = vector.broadcast %jit3A_524 : i32 to vector<16xi32>
          %select_n3A_526 = arith.select %lt3A_523, %broadcast_in_dim3A_525, %get3A_520 : vector<16xi1>, vector<16xi32>
          %swap3A_527 = arith.index_cast %mul3A_518 : i32 to index
          %swap3A_528 = tpu.vector_load %arg6[%swap3A_527] {strides = array<i32>} : memref<448xi32, #tpu.memory_space<vmem>>, vector<16xi32>,
          tpu.vector_store %arg6[%swap3A_527], %select_n3A_526 {strides = array<i32>} : memref<448xi32, #tpu.memory_space<vmem>>, vector<16xi32>,
        }
        %scan3A_355 = arith.constant 24 : i32
        %scan3A_356 = arith.addi %scan3A_351, %scan3A_355 : i32
        %mul3A_357 = arith.constant 16 : i32
        %mul3A_358 = arith.muli %scan3A_356, %mul3A_357 : i32
        %get3A = arith.index_cast %mul3A_358 : i32 to index
        %get3A_359 = tpu.vector_load %arg6[%get3A] {strides = array<i32>} : memref<448xi32, #tpu.memory_space<vmem>>, vector<16xi32>,
        %lt3A_360 = arith.constant 0 : i32
        %lt3A_361 = vector.broadcast %lt3A_360 : i32 to vector<16xi32>
        %lt3A_362 = arith.cmpi slt, %get3A_359, %lt3A_361 : vector<16xi32>
        %jit3A_363 = arith.constant 100000 : i32
        %broadcast_in_dim3A = vector.broadcast %jit3A_363 : i32 to vector<16xi32>
        %select_n3A_364 = arith.select %lt3A_362, %broadcast_in_dim3A, %get3A_359 : vector<16xi1>, vector<16xi32>
        %swap3A = arith.index_cast %mul3A_358 : i32 to index
        %swap3A_365 = tpu.vector_load %arg6[%swap3A] {strides = array<i32>} : memref<448xi32, #tpu.memory_space<vmem>>, vector<16xi32>,
        tpu.vector_store %arg6[%swap3A], %select_n3A_364 {strides = array<i32>} : memref<448xi32, #tpu.memory_space<vmem>>, vector<16xi32>,
        %scan3A_366 = arith.constant 25 : i32
        %scan3A_367 = arith.addi %scan3A_351, %scan3A_366 : i32
        %mul3A_368 = arith.constant 16 : i32
        %mul3A_369 = arith.muli %scan3A_367, %mul3A_368 : i32
        %get3A_370 = arith.index_cast %mul3A_369 : i32 to index
        %get3A_371 = tpu.vector_load %arg6[%get3A_370] {strides = array<i32>} : memref<448xi32, #tpu.memory_space<vmem>>, vector<16xi32>,
        %lt3A_372 = arith.constant 0 : i32
        %lt3A_373 = vector.broadcast %lt3A_372 : i32 to vector<16xi32>
        %lt3A_374 = arith.cmpi slt, %get3A_371, %lt3A_373 : vector<16xi32>
        %jit3A_375 = arith.constant 100000 : i32
        %broadcast_in_dim3A_376 = vector.broadcast %jit3A_375 : i32 to vector<16xi32>
        %select_n3A_377 = arith.select %lt3A_374, %broadcast_in_dim3A_376, %get3A_371 : vector<16xi1>, vector<16xi32>
        %swap3A_378 = arith.index_cast %mul3A_369 : i32 to index
        %swap3A_379 = tpu.vector_load %arg6[%swap3A_378] {strides = array<i32>} : memref<448xi32, #tpu.memory_space<vmem>>, vector<16xi32>,
        tpu.vector_store %arg6[%swap3A_378], %select_n3A_377 {strides = array<i32>} : memref<448xi32, #tpu.memory_space<vmem>>, vector<16xi32>,
        %scan3A_380 = arith.constant 26 : i32
        %scan3A_381 = arith.addi %scan3A_351, %scan3A_380 : i32
        %mul3A_382 = arith.constant 16 : i32
        %mul3A_383 = arith.muli %scan3A_381, %mul3A_382 : i32
        %get3A_384 = arith.index_cast %mul3A_383 : i32 to index
        %get3A_385 = tpu.vector_load %arg6[%get3A_384] {strides = array<i32>} : memref<448xi32, #tpu.memory_space<vmem>>, vector<16xi32>,
        %lt3A_386 = arith.constant 0 : i32
        %lt3A_387 = vector.broadcast %lt3A_386 : i32 to vector<16xi32>
        %lt3A_388 = arith.cmpi slt, %get3A_385, %lt3A_387 : vector<16xi32>
        %jit3A_389 = arith.constant 100000 : i32
        %broadcast_in_dim3A_390 = vector.broadcast %jit3A_389 : i32 to vector<16xi32>
        %select_n3A_391 = arith.select %lt3A_388, %broadcast_in_dim3A_390, %get3A_385 : vector<16xi1>, vector<16xi32>
        %swap3A_392 = arith.index_cast %mul3A_383 : i32 to index
        %swap3A_393 = tpu.vector_load %arg6[%swap3A_392] {strides = array<i32>} : memref<448xi32, #tpu.memory_space<vmem>>, vector<16xi32>,
        tpu.vector_store %arg6[%swap3A_392], %select_n3A_391 {strides = array<i32>} : memref<448xi32, #tpu.memory_space<vmem>>, vector<16xi32>,
        %scan3A_394 = arith.constant 27 : i32
        %scan3A_395 = arith.addi %scan3A_351, %scan3A_394 : i32
        %mul3A_396 = arith.constant 16 : i32
        %mul3A_397 = arith.muli %scan3A_395, %mul3A_396 : i32
        %get3A_398 = arith.index_cast %mul3A_397 : i32 to index
        %get3A_399 = tpu.vector_load %arg6[%get3A_398] {strides = array<i32>} : memref<448xi32, #tpu.memory_space<vmem>>, vector<16xi32>,
        %lt3A_400 = arith.constant 0 : i32
        %lt3A_401 = vector.broadcast %lt3A_400 : i32 to vector<16xi32>
        %lt3A_402 = arith.cmpi slt, %get3A_399, %lt3A_401 : vector<16xi32>
        %jit3A_403 = arith.constant 100000 : i32
        %broadcast_in_dim3A_404 = vector.broadcast %jit3A_403 : i32 to vector<16xi32>
        %select_n3A_405 = arith.select %lt3A_402, %broadcast_in_dim3A_404, %get3A_399 : vector<16xi1>, vector<16xi32>
        %swap3A_406 = arith.index_cast %mul3A_397 : i32 to index
        %swap3A_407 = tpu.vector_load %arg6[%swap3A_406] {strides = array<i32>} : memref<448xi32, #tpu.memory_space<vmem>>, vector<16xi32>,
        tpu.vector_store %arg6[%swap3A_406], %select_n3A_405 {strides = array<i32>} : memref<448xi32, #tpu.memory_space<vmem>>, vector<16xi32>,
        %scan3A_408 = arith.constant 28 : i32
        %dma_start3A_409 = arith.constant 0 : i32
        %dma_start3A_410 = arith.constant 0 : i32
        %dma_start3A_411 = tpu.memref_slice %arg11[%dma_start3A_409, %dma_start3A_410] : memref<100008x16xf32, #tpu.memory_space<vmem_shared>> -> memref<100008x16xf32, #tpu.memory_space<vmem_shared>>
        tpu.enqueue_indirect_dma source(%dma_start3A_411 : memref<100008x16xf32, #tpu.memory_space<vmem_shared>>) target(%arg8 : memref<448x16xf32, #tpu.memory_space<vmem>>) offsets(%arg6 : memref<448xi32, #tpu.memory_space<vmem>>) semaphore(%arg13 : memref<!tpu.dma_semaphore, #tpu.memory_space<semaphore_mem>>)
        %add3A_412 = arith.constant 1 : i32
        %add3A_413 = arith.addi %add3A_280, %add3A_412 : i32
        %lt3A_414 = arith.cmpi slt, %add3A_413, %select_n3A : i32
        %convert_element_type3A_415 = arith.extui %lt3A_414 : i1 to i32
        %cond3A_416 = arith.constant 0 : i32
        %cond3A_417 = arith.cmpi ne, %convert_element_type3A_415, %cond3A_416 : i32
        scf.if %cond3A_417 {
          %add3A_418 = arith.constant 1 : i32
          %add3A_419 = arith.addi %add3A_280, %add3A_418 : i32
          %mul3A_420 = arith.constant 32 : i32
          %mul3A_421 = arith.muli %add3A_419, %mul3A_420 : i32
          %add3A_422 = arith.addi %add3A, %mul3A_421 : i32
          %jit3A_423 = arith.constant 224 : i32
          %div3A_424 = arith.divsi %add3A_422, %jit3A_423 : i32
          %sign3A_425 = arith.constant 0 : i32
          %sign3A_426 = arith.cmpi sgt, %add3A_422, %sign3A_425 : i32
          %sign3A_427 = arith.extui %sign3A_426 : i1 to i32
          %sign3A_428 = arith.constant 0 : i32
          %sign3A_429 = arith.cmpi slt, %add3A_422, %sign3A_428 : i32
          %sign3A_430 = arith.extui %sign3A_429 : i1 to i32
          %sign3A_431 = arith.subi %sign3A_427, %sign3A_430 : i32
          %sign3A_432 = arith.constant 0 : i32
          %sign3A_433 = arith.cmpi sgt, %jit3A_423, %sign3A_432 : i32
          %sign3A_434 = arith.extui %sign3A_433 : i1 to i32
          %sign3A_435 = arith.constant 0 : i32
          %sign3A_436 = arith.cmpi slt, %jit3A_423, %sign3A_435 : i32
          %sign3A_437 = arith.extui %sign3A_436 : i1 to i32
          %sign3A_438 = arith.subi %sign3A_434, %sign3A_437 : i32
          %ne3A_439 = arith.cmpi ne, %sign3A_431, %sign3A_438 : i32
          %rem3A_440 = arith.remsi %add3A_422, %jit3A_423 : i32
          %ne3A_441 = arith.constant 0 : i32
          %ne3A_442 = arith.cmpi ne, %rem3A_440, %ne3A_441 : i32
          %and3A_443 = arith.andi %ne3A_439, %ne3A_442 : i1
          %sub3A_444 = arith.constant 1 : i32
          %sub3A_445 = arith.subi %div3A_424, %sub3A_444 : i32
          %select_n3A_446 = arith.select %and3A_443, %sub3A_445, %div3A_424 : i32
          %jit3A_447 = arith.constant 224 : i32
          %eq3A_448 = arith.constant 0 : i32
          %eq3A_449 = arith.cmpi eq, %jit3A_447, %eq3A_448 : i32
          %jit3A_450 = arith.constant 1 : i32
          %select_n3A_451 = arith.select %eq3A_449, %jit3A_450, %jit3A_447 : i32
          %rem3A_452 = arith.remsi %add3A_422, %select_n3A_451 : i32
          %ne3A_453 = arith.constant 0 : i32
          %ne3A_454 = arith.cmpi ne, %rem3A_452, %ne3A_453 : i32
          %lt3A_455 = arith.constant 0 : i32
          %lt3A_456 = arith.cmpi slt, %rem3A_452, %lt3A_455 : i32
          %lt3A_457 = arith.constant 0 : i32
          %lt3A_458 = arith.cmpi slt, %select_n3A_451, %lt3A_457 : i32
          %ne3A_459 = arith.xori %lt3A_456, %lt3A_458 : i1
          %and3A_460 = arith.andi %ne3A_459, %ne3A_454 : i1
          %add3A_461 = arith.addi %rem3A_452, %select_n3A_451 : i32
          %select_n3A_462 = arith.select %and3A_460, %add3A_461, %rem3A_452 : i32
          %mul3A_463 = arith.constant 448 : i32
          %mul3A_464 = arith.muli %select_n3A_462, %mul3A_463 : i32
          %min3A_465 = arith.constant 99552 : i32
          %min3A_466 = arith.minsi %mul3A_464, %min3A_465 : i32
          %multiple_of3A_467 = tpu.assume_multiple %min3A_466, 8 : i32
          %dma_start3A_468 = tpu.memref_slice %arg3[%select_n3A_446, %multiple_of3A_467] : memref<27x100000xi32, #tpu.memory_space<hbm>> -> memref<1x448xi32, #tpu.memory_space<hbm>>
          %dma_start3A_469 = tpu.memref_squeeze %dma_start3A_468 : memref<1x448xi32, #tpu.memory_space<hbm>> -> memref<448xi32, #tpu.memory_space<hbm>>
          %dma_start3A_470 = tpu.memref_slice %arg3[%select_n3A_446, %multiple_of3A_467] : memref<27x100000xi32, #tpu.memory_space<hbm>> -> memref<1x448xi32, #tpu.memory_space<hbm>>
          %dma_start3A_471 = tpu.memref_squeeze %dma_start3A_470 : memref<1x448xi32, #tpu.memory_space<hbm>> -> memref<448xi32, #tpu.memory_space<hbm>>
          tpu.enqueue_dma source(%dma_start3A_471 : memref<448xi32, #tpu.memory_space<hbm>>) target(%arg5 : memref<448xi32, #tpu.memory_space<vmem>>) target_semaphore(%arg16 : memref<!tpu.dma_semaphore, #tpu.memory_space<semaphore_mem>>)
        } else {
        }
      } else {
      }
      %ge3A_292 = arith.constant 1 : i32
      %ge3A_293 = arith.cmpi sge, %add3A_280, %ge3A_292 : i32
      %le3A_294 = arith.cmpi sle, %add3A_280, %select_n3A : i32
      %and3A_295 = arith.andi %ge3A_293, %le3A_294 : i1
      %convert_element_type3A_296 = arith.extui %and3A_295 : i1 to i32
      %cond3A_297 = arith.constant 0 : i32
      %cond3A_298 = arith.cmpi ne, %convert_element_type3A_296, %cond3A_297 : i32
      scf.if %cond3A_298 {
        %sub3A_299 = arith.constant 1 : i32
        %sub3A_300 = arith.subi %add3A_280, %sub3A_299 : i32
        %parallel_loop3A = arith.constant 0 : i32
        %parallel_loop3A_301 = arith.constant 28 : i32
        %parallel_loop3A_302 = arith.constant 1 : i32
        scf.for %parallel_loop3A_357 = %parallel_loop3A to %parallel_loop3A_301 step %parallel_loop3A_302  : i32 {
          %parallel_loop3A_358 = arith.constant 16 : i32
          %parallel_loop3A_359 = arith.muli %parallel_loop3A_357, %parallel_loop3A_358 : i32
          %parallel_loop3A_360 = vector.broadcast %parallel_loop3A_359 : i32 to vector<16xi32>
          %parallel_loop3A_361 = arith.addi %parallel_loop3A_360, %iota3A : vector<16xi32>
          %parallel_loop3A_362 = arith.constant 0 : i32
          %parallel_loop3A_363 = vector.broadcast %parallel_loop3A_362 : i32 to vector<16xi32>
          %parallel_loop3A_364 = tpu.vector_load_idx %arg7[%parallel_loop3A_361, %parallel_loop3A_363] : memref<448x16xf32, #tpu.memory_space<vmem>>[vector<16xi32>, vector<16xi32>], vector<16xf32>,
          %parallel_loop3A_365 = arith.constant 0 : i32
          %parallel_loop3A_366 = arith.index_cast %parallel_loop3A_365 : i32 to index
          %parallel_loop3A_367 = arith.index_cast %parallel_loop3A_359 : i32 to index
          %parallel_loop3A_368 = tpu.vector_load %arg9[%parallel_loop3A_366, %parallel_loop3A_367] {strides = array<i32>} : memref<16x448xf32, #tpu.memory_space<vmem>>, vector<16xf32>,
          tpu.vector_store %arg9[%parallel_loop3A_366, %parallel_loop3A_367], %parallel_loop3A_364 {strides = array<i32>} : memref<16x448xf32, #tpu.memory_space<vmem>>, vector<16xf32>,
          %parallel_loop3A_369 = arith.constant 1 : i32
          %parallel_loop3A_370 = vector.broadcast %parallel_loop3A_369 : i32 to vector<16xi32>
          %parallel_loop3A_371 = tpu.vector_load_idx %arg7[%parallel_loop3A_361, %parallel_loop3A_370] : memref<448x16xf32, #tpu.memory_space<vmem>>[vector<16xi32>, vector<16xi32>], vector<16xf32>,
          %parallel_loop3A_372 = arith.constant 1 : i32
          %parallel_loop3A_373 = arith.index_cast %parallel_loop3A_372 : i32 to index
          %parallel_loop3A_374 = arith.index_cast %parallel_loop3A_359 : i32 to index
          %parallel_loop3A_375 = tpu.vector_load %arg9[%parallel_loop3A_373, %parallel_loop3A_374] {strides = array<i32>} : memref<16x448xf32, #tpu.memory_space<vmem>>, vector<16xf32>,
          tpu.vector_store %arg9[%parallel_loop3A_373, %parallel_loop3A_374], %parallel_loop3A_371 {strides = array<i32>} : memref<16x448xf32, #tpu.memory_space<vmem>>, vector<16xf32>,
          %parallel_loop3A_376 = arith.constant 2 : i32
          %parallel_loop3A_377 = vector.broadcast %parallel_loop3A_376 : i32 to vector<16xi32>
          %parallel_loop3A_378 = tpu.vector_load_idx %arg7[%parallel_loop3A_361, %parallel_loop3A_377] : memref<448x16xf32, #tpu.memory_space<vmem>>[vector<16xi32>, vector<16xi32>], vector<16xf32>,
          %parallel_loop3A_379 = arith.constant 2 : i32
          %parallel_loop3A_380 = arith.index_cast %parallel_loop3A_379 : i32 to index
          %parallel_loop3A_381 = arith.index_cast %parallel_loop3A_359 : i32 to index
          %parallel_loop3A_382 = tpu.vector_load %arg9[%parallel_loop3A_380, %parallel_loop3A_381] {strides = array<i32>} : memref<16x448xf32, #tpu.memory_space<vmem>>, vector<16xf32>,
          tpu.vector_store %arg9[%parallel_loop3A_380, %parallel_loop3A_381], %parallel_loop3A_378 {strides = array<i32>} : memref<16x448xf32, #tpu.memory_space<vmem>>, vector<16xf32>,
          %parallel_loop3A_383 = arith.constant 3 : i32
          %parallel_loop3A_384 = vector.broadcast %parallel_loop3A_383 : i32 to vector<16xi32>
          %parallel_loop3A_385 = tpu.vector_load_idx %arg7[%parallel_loop3A_361, %parallel_loop3A_384] : memref<448x16xf32, #tpu.memory_space<vmem>>[vector<16xi32>, vector<16xi32>], vector<16xf32>,
          %parallel_loop3A_386 = arith.constant 3 : i32
          %parallel_loop3A_387 = arith.index_cast %parallel_loop3A_386 : i32 to index
          %parallel_loop3A_388 = arith.index_cast %parallel_loop3A_359 : i32 to index
          %parallel_loop3A_389 = tpu.vector_load %arg9[%parallel_loop3A_387, %parallel_loop3A_388] {strides = array<i32>} : memref<16x448xf32, #tpu.memory_space<vmem>>, vector<16xf32>,
          tpu.vector_store %arg9[%parallel_loop3A_387, %parallel_loop3A_388], %parallel_loop3A_385 {strides = array<i32>} : memref<16x448xf32, #tpu.memory_space<vmem>>, vector<16xf32>,
          %parallel_loop3A_390 = arith.constant 4 : i32
          %parallel_loop3A_391 = vector.broadcast %parallel_loop3A_390 : i32 to vector<16xi32>
          %parallel_loop3A_392 = tpu.vector_load_idx %arg7[%parallel_loop3A_361, %parallel_loop3A_391] : memref<448x16xf32, #tpu.memory_space<vmem>>[vector<16xi32>, vector<16xi32>], vector<16xf32>,
          %parallel_loop3A_393 = arith.constant 4 : i32
          %parallel_loop3A_394 = arith.index_cast %parallel_loop3A_393 : i32 to index
          %parallel_loop3A_395 = arith.index_cast %parallel_loop3A_359 : i32 to index
          %parallel_loop3A_396 = tpu.vector_load %arg9[%parallel_loop3A_394, %parallel_loop3A_395] {strides = array<i32>} : memref<16x448xf32, #tpu.memory_space<vmem>>, vector<16xf32>,
          tpu.vector_store %arg9[%parallel_loop3A_394, %parallel_loop3A_395], %parallel_loop3A_392 {strides = array<i32>} : memref<16x448xf32, #tpu.memory_space<vmem>>, vector<16xf32>,
          %parallel_loop3A_397 = arith.constant 5 : i32
          %parallel_loop3A_398 = vector.broadcast %parallel_loop3A_397 : i32 to vector<16xi32>
          %parallel_loop3A_399 = tpu.vector_load_idx %arg7[%parallel_loop3A_361, %parallel_loop3A_398] : memref<448x16xf32, #tpu.memory_space<vmem>>[vector<16xi32>, vector<16xi32>], vector<16xf32>,
          %parallel_loop3A_400 = arith.constant 5 : i32
          %parallel_loop3A_401 = arith.index_cast %parallel_loop3A_400 : i32 to index
          %parallel_loop3A_402 = arith.index_cast %parallel_loop3A_359 : i32 to index
          %parallel_loop3A_403 = tpu.vector_load %arg9[%parallel_loop3A_401, %parallel_loop3A_402] {strides = array<i32>} : memref<16x448xf32, #tpu.memory_space<vmem>>, vector<16xf32>,
          tpu.vector_store %arg9[%parallel_loop3A_401, %parallel_loop3A_402], %parallel_loop3A_399 {strides = array<i32>} : memref<16x448xf32, #tpu.memory_space<vmem>>, vector<16xf32>,
          %parallel_loop3A_404 = arith.constant 6 : i32
          %parallel_loop3A_405 = vector.broadcast %parallel_loop3A_404 : i32 to vector<16xi32>
          %parallel_loop3A_406 = tpu.vector_load_idx %arg7[%parallel_loop3A_361, %parallel_loop3A_405] : memref<448x16xf32, #tpu.memory_space<vmem>>[vector<16xi32>, vector<16xi32>], vector<16xf32>,
          %parallel_loop3A_407 = arith.constant 6 : i32
          %parallel_loop3A_408 = arith.index_cast %parallel_loop3A_407 : i32 to index
          %parallel_loop3A_409 = arith.index_cast %parallel_loop3A_359 : i32 to index
          %parallel_loop3A_410 = tpu.vector_load %arg9[%parallel_loop3A_408, %parallel_loop3A_409] {strides = array<i32>} : memref<16x448xf32, #tpu.memory_space<vmem>>, vector<16xf32>,
          tpu.vector_store %arg9[%parallel_loop3A_408, %parallel_loop3A_409], %parallel_loop3A_406 {strides = array<i32>} : memref<16x448xf32, #tpu.memory_space<vmem>>, vector<16xf32>,
          %parallel_loop3A_411 = arith.constant 7 : i32
          %parallel_loop3A_412 = vector.broadcast %parallel_loop3A_411 : i32 to vector<16xi32>
          %parallel_loop3A_413 = tpu.vector_load_idx %arg7[%parallel_loop3A_361, %parallel_loop3A_412] : memref<448x16xf32, #tpu.memory_space<vmem>>[vector<16xi32>, vector<16xi32>], vector<16xf32>,
          %parallel_loop3A_414 = arith.constant 7 : i32
          %parallel_loop3A_415 = arith.index_cast %parallel_loop3A_414 : i32 to index
          %parallel_loop3A_416 = arith.index_cast %parallel_loop3A_359 : i32 to index
          %parallel_loop3A_417 = tpu.vector_load %arg9[%parallel_loop3A_415, %parallel_loop3A_416] {strides = array<i32>} : memref<16x448xf32, #tpu.memory_space<vmem>>, vector<16xf32>,
          tpu.vector_store %arg9[%parallel_loop3A_415, %parallel_loop3A_416], %parallel_loop3A_413 {strides = array<i32>} : memref<16x448xf32, #tpu.memory_space<vmem>>, vector<16xf32>,
          %parallel_loop3A_418 = arith.constant 8 : i32
          %parallel_loop3A_419 = vector.broadcast %parallel_loop3A_418 : i32 to vector<16xi32>
          %parallel_loop3A_420 = tpu.vector_load_idx %arg7[%parallel_loop3A_361, %parallel_loop3A_419] : memref<448x16xf32, #tpu.memory_space<vmem>>[vector<16xi32>, vector<16xi32>], vector<16xf32>,
          %parallel_loop3A_421 = arith.constant 8 : i32
          %parallel_loop3A_422 = arith.index_cast %parallel_loop3A_421 : i32 to index
          %parallel_loop3A_423 = arith.index_cast %parallel_loop3A_359 : i32 to index
          %parallel_loop3A_424 = tpu.vector_load %arg9[%parallel_loop3A_422, %parallel_loop3A_423] {strides = array<i32>} : memref<16x448xf32, #tpu.memory_space<vmem>>, vector<16xf32>,
          tpu.vector_store %arg9[%parallel_loop3A_422, %parallel_loop3A_423], %parallel_loop3A_420 {strides = array<i32>} : memref<16x448xf32, #tpu.memory_space<vmem>>, vector<16xf32>,
          %parallel_loop3A_425 = arith.constant 9 : i32
          %parallel_loop3A_426 = vector.broadcast %parallel_loop3A_425 : i32 to vector<16xi32>
          %parallel_loop3A_427 = tpu.vector_load_idx %arg7[%parallel_loop3A_361, %parallel_loop3A_426] : memref<448x16xf32, #tpu.memory_space<vmem>>[vector<16xi32>, vector<16xi32>], vector<16xf32>,
          %parallel_loop3A_428 = arith.constant 9 : i32
          %parallel_loop3A_429 = arith.index_cast %parallel_loop3A_428 : i32 to index
          %parallel_loop3A_430 = arith.index_cast %parallel_loop3A_359 : i32 to index
          %parallel_loop3A_431 = tpu.vector_load %arg9[%parallel_loop3A_429, %parallel_loop3A_430] {strides = array<i32>} : memref<16x448xf32, #tpu.memory_space<vmem>>, vector<16xf32>,
          tpu.vector_store %arg9[%parallel_loop3A_429, %parallel_loop3A_430], %parallel_loop3A_427 {strides = array<i32>} : memref<16x448xf32, #tpu.memory_space<vmem>>, vector<16xf32>,
          %parallel_loop3A_432 = arith.constant 10 : i32
          %parallel_loop3A_433 = vector.broadcast %parallel_loop3A_432 : i32 to vector<16xi32>
          %parallel_loop3A_434 = tpu.vector_load_idx %arg7[%parallel_loop3A_361, %parallel_loop3A_433] : memref<448x16xf32, #tpu.memory_space<vmem>>[vector<16xi32>, vector<16xi32>], vector<16xf32>,
          %parallel_loop3A_435 = arith.constant 10 : i32
          %parallel_loop3A_436 = arith.index_cast %parallel_loop3A_435 : i32 to index
          %parallel_loop3A_437 = arith.index_cast %parallel_loop3A_359 : i32 to index
          %parallel_loop3A_438 = tpu.vector_load %arg9[%parallel_loop3A_436, %parallel_loop3A_437] {strides = array<i32>} : memref<16x448xf32, #tpu.memory_space<vmem>>, vector<16xf32>,
          tpu.vector_store %arg9[%parallel_loop3A_436, %parallel_loop3A_437], %parallel_loop3A_434 {strides = array<i32>} : memref<16x448xf32, #tpu.memory_space<vmem>>, vector<16xf32>,
          %parallel_loop3A_439 = arith.constant 11 : i32
          %parallel_loop3A_440 = vector.broadcast %parallel_loop3A_439 : i32 to vector<16xi32>
          %parallel_loop3A_441 = tpu.vector_load_idx %arg7[%parallel_loop3A_361, %parallel_loop3A_440] : memref<448x16xf32, #tpu.memory_space<vmem>>[vector<16xi32>, vector<16xi32>], vector<16xf32>,
          %parallel_loop3A_442 = arith.constant 11 : i32
          %parallel_loop3A_443 = arith.index_cast %parallel_loop3A_442 : i32 to index
          %parallel_loop3A_444 = arith.index_cast %parallel_loop3A_359 : i32 to index
          %parallel_loop3A_445 = tpu.vector_load %arg9[%parallel_loop3A_443, %parallel_loop3A_444] {strides = array<i32>} : memref<16x448xf32, #tpu.memory_space<vmem>>, vector<16xf32>,
          tpu.vector_store %arg9[%parallel_loop3A_443, %parallel_loop3A_444], %parallel_loop3A_441 {strides = array<i32>} : memref<16x448xf32, #tpu.memory_space<vmem>>, vector<16xf32>,
          %parallel_loop3A_446 = arith.constant 12 : i32
          %parallel_loop3A_447 = vector.broadcast %parallel_loop3A_446 : i32 to vector<16xi32>
          %parallel_loop3A_448 = tpu.vector_load_idx %arg7[%parallel_loop3A_361, %parallel_loop3A_447] : memref<448x16xf32, #tpu.memory_space<vmem>>[vector<16xi32>, vector<16xi32>], vector<16xf32>,
          %parallel_loop3A_449 = arith.constant 12 : i32
          %parallel_loop3A_450 = arith.index_cast %parallel_loop3A_449 : i32 to index
          %parallel_loop3A_451 = arith.index_cast %parallel_loop3A_359 : i32 to index
          %parallel_loop3A_452 = tpu.vector_load %arg9[%parallel_loop3A_450, %parallel_loop3A_451] {strides = array<i32>} : memref<16x448xf32, #tpu.memory_space<vmem>>, vector<16xf32>,
          tpu.vector_store %arg9[%parallel_loop3A_450, %parallel_loop3A_451], %parallel_loop3A_448 {strides = array<i32>} : memref<16x448xf32, #tpu.memory_space<vmem>>, vector<16xf32>,
          %parallel_loop3A_453 = arith.constant 13 : i32
          %parallel_loop3A_454 = vector.broadcast %parallel_loop3A_453 : i32 to vector<16xi32>
          %parallel_loop3A_455 = tpu.vector_load_idx %arg7[%parallel_loop3A_361, %parallel_loop3A_454] : memref<448x16xf32, #tpu.memory_space<vmem>>[vector<16xi32>, vector<16xi32>], vector<16xf32>,
          %parallel_loop3A_456 = arith.constant 13 : i32
          %parallel_loop3A_457 = arith.index_cast %parallel_loop3A_456 : i32 to index
          %parallel_loop3A_458 = arith.index_cast %parallel_loop3A_359 : i32 to index
          %parallel_loop3A_459 = tpu.vector_load %arg9[%parallel_loop3A_457, %parallel_loop3A_458] {strides = array<i32>} : memref<16x448xf32, #tpu.memory_space<vmem>>, vector<16xf32>,
          tpu.vector_store %arg9[%parallel_loop3A_457, %parallel_loop3A_458], %parallel_loop3A_455 {strides = array<i32>} : memref<16x448xf32, #tpu.memory_space<vmem>>, vector<16xf32>,
          %parallel_loop3A_460 = arith.constant 14 : i32
          %parallel_loop3A_461 = vector.broadcast %parallel_loop3A_460 : i32 to vector<16xi32>
          %parallel_loop3A_462 = tpu.vector_load_idx %arg7[%parallel_loop3A_361, %parallel_loop3A_461] : memref<448x16xf32, #tpu.memory_space<vmem>>[vector<16xi32>, vector<16xi32>], vector<16xf32>,
          %parallel_loop3A_463 = arith.constant 14 : i32
          %parallel_loop3A_464 = arith.index_cast %parallel_loop3A_463 : i32 to index
          %parallel_loop3A_465 = arith.index_cast %parallel_loop3A_359 : i32 to index
          %parallel_loop3A_466 = tpu.vector_load %arg9[%parallel_loop3A_464, %parallel_loop3A_465] {strides = array<i32>} : memref<16x448xf32, #tpu.memory_space<vmem>>, vector<16xf32>,
          tpu.vector_store %arg9[%parallel_loop3A_464, %parallel_loop3A_465], %parallel_loop3A_462 {strides = array<i32>} : memref<16x448xf32, #tpu.memory_space<vmem>>, vector<16xf32>,
          %parallel_loop3A_467 = arith.constant 15 : i32
          %parallel_loop3A_468 = vector.broadcast %parallel_loop3A_467 : i32 to vector<16xi32>
          %parallel_loop3A_469 = tpu.vector_load_idx %arg7[%parallel_loop3A_361, %parallel_loop3A_468] : memref<448x16xf32, #tpu.memory_space<vmem>>[vector<16xi32>, vector<16xi32>], vector<16xf32>,
          %parallel_loop3A_470 = arith.constant 15 : i32
          %parallel_loop3A_471 = arith.index_cast %parallel_loop3A_470 : i32 to index
          %parallel_loop3A_472 = arith.index_cast %parallel_loop3A_359 : i32 to index
          %parallel_loop3A_473 = tpu.vector_load %arg9[%parallel_loop3A_471, %parallel_loop3A_472] {strides = array<i32>} : memref<16x448xf32, #tpu.memory_space<vmem>>, vector<16xf32>,
          tpu.vector_store %arg9[%parallel_loop3A_471, %parallel_loop3A_472], %parallel_loop3A_469 {strides = array<i32>} : memref<16x448xf32, #tpu.memory_space<vmem>>, vector<16xf32>,
        } {sc.loop_unroll_factor = 4 : i64, sc.parallel_access}
        %mul3A_303 = arith.constant 32 : i32
        %mul3A_304 = arith.muli %sub3A_300, %mul3A_303 : i32
        %add3A_305 = arith.addi %add3A, %mul3A_304 : i32
        %jit3A_306 = arith.constant 224 : i32
        %div3A_307 = arith.divsi %add3A_305, %jit3A_306 : i32
        %sign3A_308 = arith.constant 0 : i32
        %sign3A_309 = arith.cmpi sgt, %add3A_305, %sign3A_308 : i32
        %sign3A_310 = arith.extui %sign3A_309 : i1 to i32
        %sign3A_311 = arith.constant 0 : i32
        %sign3A_312 = arith.cmpi slt, %add3A_305, %sign3A_311 : i32
        %sign3A_313 = arith.extui %sign3A_312 : i1 to i32
        %sign3A_314 = arith.subi %sign3A_310, %sign3A_313 : i32
        %sign3A_315 = arith.constant 0 : i32
        %sign3A_316 = arith.cmpi sgt, %jit3A_306, %sign3A_315 : i32
        %sign3A_317 = arith.extui %sign3A_316 : i1 to i32
        %sign3A_318 = arith.constant 0 : i32
        %sign3A_319 = arith.cmpi slt, %jit3A_306, %sign3A_318 : i32
        %sign3A_320 = arith.extui %sign3A_319 : i1 to i32
        %sign3A_321 = arith.subi %sign3A_317, %sign3A_320 : i32
        %ne3A_322 = arith.cmpi ne, %sign3A_314, %sign3A_321 : i32
        %rem3A_323 = arith.remsi %add3A_305, %jit3A_306 : i32
        %ne3A_324 = arith.constant 0 : i32
        %ne3A_325 = arith.cmpi ne, %rem3A_323, %ne3A_324 : i32
        %and3A_326 = arith.andi %ne3A_322, %ne3A_325 : i1
        %sub3A_327 = arith.constant 1 : i32
        %sub3A_328 = arith.subi %div3A_307, %sub3A_327 : i32
        %select_n3A_329 = arith.select %and3A_326, %sub3A_328, %div3A_307 : i32
        %jit3A_330 = arith.constant 224 : i32
        %eq3A_331 = arith.constant 0 : i32
        %eq3A_332 = arith.cmpi eq, %jit3A_330, %eq3A_331 : i32
        %jit3A_333 = arith.constant 1 : i32
        %select_n3A_334 = arith.select %eq3A_332, %jit3A_333, %jit3A_330 : i32
        %rem3A_335 = arith.remsi %add3A_305, %select_n3A_334 : i32
        %ne3A_336 = arith.constant 0 : i32
        %ne3A_337 = arith.cmpi ne, %rem3A_335, %ne3A_336 : i32
        %lt3A_338 = arith.constant 0 : i32
        %lt3A_339 = arith.cmpi slt, %rem3A_335, %lt3A_338 : i32
        %lt3A_340 = arith.constant 0 : i32
        %lt3A_341 = arith.cmpi slt, %select_n3A_334, %lt3A_340 : i32
        %ne3A_342 = arith.xori %lt3A_339, %lt3A_341 : i1
        %and3A_343 = arith.andi %ne3A_342, %ne3A_337 : i1
        %add3A_344 = arith.addi %rem3A_335, %select_n3A_334 : i32
        %select_n3A_345 = arith.select %and3A_343, %add3A_344, %rem3A_335 : i32
        %mul3A_346 = arith.constant 448 : i32
        %mul3A_347 = arith.muli %select_n3A_345, %mul3A_346 : i32
        %min3A_348 = arith.constant 99552 : i32
        %min3A_349 = arith.minsi %mul3A_347, %min3A_348 : i32
        %multiple_of3A_350 = tpu.assume_multiple %min3A_349, 8 : i32
        %dma_start3A_351 = arith.constant 0 : i32
        %dma_start3A_352 = tpu.memref_slice %arg4[%select_n3A_329, %dma_start3A_351, %multiple_of3A_350] : memref<27x16x100000xf32, #tpu.memory_space<hbm>> -> memref<1x16x448xf32, #tpu.memory_space<hbm>>
        %dma_start3A_353 = tpu.memref_squeeze %dma_start3A_352 : memref<1x16x448xf32, #tpu.memory_space<hbm>> -> memref<16x448xf32, #tpu.memory_space<hbm>>
        %dma_start3A_354 = arith.constant 0 : i32
        %dma_start3A_355 = tpu.memref_slice %arg4[%select_n3A_329, %dma_start3A_354, %multiple_of3A_350] : memref<27x16x100000xf32, #tpu.memory_space<hbm>> -> memref<1x16x448xf32, #tpu.memory_space<hbm>>
        %dma_start3A_356 = tpu.memref_squeeze %dma_start3A_355 : memref<1x16x448xf32, #tpu.memory_space<hbm>> -> memref<16x448xf32, #tpu.memory_space<hbm>>
        tpu.enqueue_dma source(%arg9 : memref<16x448xf32, #tpu.memory_space<vmem>>) target(%dma_start3A_356 : memref<16x448xf32, #tpu.memory_space<hbm>>) target_semaphore(%arg14 : memref<!tpu.dma_semaphore, #tpu.memory_space<semaphore_mem>>)
      } else {
      }
    }
    %while3A_102 = arith.constant 1 : i32
    scf.for %while3A_256 = %while3A_100 to %while3A_96 step %while3A_102  : i32 {
      %mul3A_257 = arith.constant 2 : i32
      %mul3A_258 = arith.muli %mul3A_257, %while3A_256 : i32
      %add3A_259 = arith.constant 0 : i32
      %add3A_260 = arith.addi %mul3A_258, %add3A_259 : i32
      %ge3A = arith.constant 1 : i32
      %ge3A_261 = arith.cmpi sge, %add3A_260, %ge3A : i32
      %le3A = arith.cmpi sle, %add3A_260, %select_n3A : i32
      %and3A_262 = arith.andi %ge3A_261, %le3A : i1
      %convert_element_type3A_263 = arith.extui %and3A_262 : i1 to i32
      %cond3A_264 = arith.constant 0 : i32
      %cond3A_265 = arith.cmpi ne, %convert_element_type3A_263, %cond3A_264 : i32
      scf.if %cond3A_265 {
        %sub3A_299 = arith.constant 3 : i32
        %sub3A_300 = arith.subi %add3A_260, %sub3A_299 : i32
        %ge3A_301 = arith.constant 0 : i32
        %ge3A_302 = arith.cmpi sge, %sub3A_300, %ge3A_301 : i32
        %convert_element_type3A_303 = arith.extui %ge3A_302 : i1 to i32
        %cond3A_304 = arith.constant 0 : i32
        %cond3A_305 = arith.cmpi ne, %convert_element_type3A_303, %cond3A_304 : i32
        scf.if %cond3A_305 {
          %mul3A_309 = arith.constant 32 : i32
          %mul3A_310 = arith.muli %sub3A_300, %mul3A_309 : i32
          %add3A_311 = arith.addi %add3A, %mul3A_310 : i32
          %jit3A_312 = arith.constant 224 : i32
          %div3A_313 = arith.divsi %add3A_311, %jit3A_312 : i32
          %sign3A_314 = arith.constant 0 : i32
          %sign3A_315 = arith.cmpi sgt, %add3A_311, %sign3A_314 : i32
          %sign3A_316 = arith.extui %sign3A_315 : i1 to i32
          %sign3A_317 = arith.constant 0 : i32
          %sign3A_318 = arith.cmpi slt, %add3A_311, %sign3A_317 : i32
          %sign3A_319 = arith.extui %sign3A_318 : i1 to i32
          %sign3A_320 = arith.subi %sign3A_316, %sign3A_319 : i32
          %sign3A_321 = arith.constant 0 : i32
          %sign3A_322 = arith.cmpi sgt, %jit3A_312, %sign3A_321 : i32
          %sign3A_323 = arith.extui %sign3A_322 : i1 to i32
          %sign3A_324 = arith.constant 0 : i32
          %sign3A_325 = arith.cmpi slt, %jit3A_312, %sign3A_324 : i32
          %sign3A_326 = arith.extui %sign3A_325 : i1 to i32
          %sign3A_327 = arith.subi %sign3A_323, %sign3A_326 : i32
          %ne3A_328 = arith.cmpi ne, %sign3A_320, %sign3A_327 : i32
          %rem3A_329 = arith.remsi %add3A_311, %jit3A_312 : i32
          %ne3A_330 = arith.constant 0 : i32
          %ne3A_331 = arith.cmpi ne, %rem3A_329, %ne3A_330 : i32
          %and3A_332 = arith.andi %ne3A_328, %ne3A_331 : i1
          %sub3A_333 = arith.constant 1 : i32
          %sub3A_334 = arith.subi %div3A_313, %sub3A_333 : i32
          %select_n3A_335 = arith.select %and3A_332, %sub3A_334, %div3A_313 : i32
          %jit3A_336 = arith.constant 224 : i32
          %eq3A_337 = arith.constant 0 : i32
          %eq3A_338 = arith.cmpi eq, %jit3A_336, %eq3A_337 : i32
          %jit3A_339 = arith.constant 1 : i32
          %select_n3A_340 = arith.select %eq3A_338, %jit3A_339, %jit3A_336 : i32
          %rem3A_341 = arith.remsi %add3A_311, %select_n3A_340 : i32
          %ne3A_342 = arith.constant 0 : i32
          %ne3A_343 = arith.cmpi ne, %rem3A_341, %ne3A_342 : i32
          %lt3A_344 = arith.constant 0 : i32
          %lt3A_345 = arith.cmpi slt, %rem3A_341, %lt3A_344 : i32
          %lt3A_346 = arith.constant 0 : i32
          %lt3A_347 = arith.cmpi slt, %select_n3A_340, %lt3A_346 : i32
          %ne3A_348 = arith.xori %lt3A_345, %lt3A_347 : i1
          %and3A_349 = arith.andi %ne3A_348, %ne3A_343 : i1
          %add3A_350 = arith.addi %rem3A_341, %select_n3A_340 : i32
          %select_n3A_351 = arith.select %and3A_349, %add3A_350, %rem3A_341 : i32
          %mul3A_352 = arith.constant 448 : i32
          %mul3A_353 = arith.muli %select_n3A_351, %mul3A_352 : i32
          %min3A_354 = arith.constant 99552 : i32
          %min3A_355 = arith.minsi %mul3A_353, %min3A_354 : i32
          %multiple_of3A_356 = tpu.assume_multiple %min3A_355, 8 : i32
          %dma_wait3A_357 = arith.constant 0 : i32
          %dma_wait3A_358 = tpu.memref_slice %arg4[%select_n3A_335, %dma_wait3A_357, %multiple_of3A_356] : memref<27x16x100000xf32, #tpu.memory_space<hbm>> -> memref<1x16x448xf32, #tpu.memory_space<hbm>>
          %dma_wait3A_359 = tpu.memref_squeeze %dma_wait3A_358 : memref<1x16x448xf32, #tpu.memory_space<hbm>> -> memref<16x448xf32, #tpu.memory_space<hbm>>
          %dma_wait3A_360 = arith.constant 0 : i32
          %dma_wait3A_361 = tpu.memref_slice %arg4[%select_n3A_335, %dma_wait3A_360, %multiple_of3A_356] : memref<27x16x100000xf32, #tpu.memory_space<hbm>> -> memref<1x16x448xf32, #tpu.memory_space<hbm>>
          %dma_wait3A_362 = tpu.memref_squeeze %dma_wait3A_361 : memref<1x16x448xf32, #tpu.memory_space<hbm>> -> memref<16x448xf32, #tpu.memory_space<hbm>>
          tpu.wait_dma2 semaphore(%arg15 : memref<!tpu.dma_semaphore, #tpu.memory_space<semaphore_mem>>) src(%arg10 : memref<16x448xf32, #tpu.memory_space<vmem>>) dst(%dma_wait3A_362 : memref<16x448xf32, #tpu.memory_space<hbm>>)
        } else {
        }
        %dma_wait3A_306 = arith.constant 0 : i32
        %dma_wait3A_307 = arith.constant 0 : i32
        %dma_wait3A_308 = tpu.memref_slice %arg11[%dma_wait3A_306, %dma_wait3A_307] : memref<100008x16xf32, #tpu.memory_space<vmem_shared>> -> memref<100008x16xf32, #tpu.memory_space<vmem_shared>>
        tpu.wait_indirect_dma semaphore(%arg13 : memref<!tpu.dma_semaphore, #tpu.memory_space<semaphore_mem>>) src(%dma_wait3A_308 : memref<100008x16xf32, #tpu.memory_space<vmem_shared>>) dst(%arg8 : memref<448x16xf32, #tpu.memory_space<vmem>>)
      } else {
      }
      %lt3A_266 = arith.cmpi slt, %add3A_260, %select_n3A : i32
      %convert_element_type3A_267 = arith.extui %lt3A_266 : i1 to i32
      %cond3A_268 = arith.constant 0 : i32
      %cond3A_269 = arith.cmpi ne, %convert_element_type3A_267, %cond3A_268 : i32
      scf.if %cond3A_269 {
        %mul3A_299 = arith.constant 32 : i32
        %mul3A_300 = arith.muli %add3A_260, %mul3A_299 : i32
        %add3A_301 = arith.addi %add3A, %mul3A_300 : i32
        %jit3A_302 = arith.constant 224 : i32
        %div3A_303 = arith.divsi %add3A_301, %jit3A_302 : i32
        %sign3A_304 = arith.constant 0 : i32
        %sign3A_305 = arith.cmpi sgt, %add3A_301, %sign3A_304 : i32
        %sign3A_306 = arith.extui %sign3A_305 : i1 to i32
        %sign3A_307 = arith.constant 0 : i32
        %sign3A_308 = arith.cmpi slt, %add3A_301, %sign3A_307 : i32
        %sign3A_309 = arith.extui %sign3A_308 : i1 to i32
        %sign3A_310 = arith.subi %sign3A_306, %sign3A_309 : i32
        %sign3A_311 = arith.constant 0 : i32
        %sign3A_312 = arith.cmpi sgt, %jit3A_302, %sign3A_311 : i32
        %sign3A_313 = arith.extui %sign3A_312 : i1 to i32
        %sign3A_314 = arith.constant 0 : i32
        %sign3A_315 = arith.cmpi slt, %jit3A_302, %sign3A_314 : i32
        %sign3A_316 = arith.extui %sign3A_315 : i1 to i32
        %sign3A_317 = arith.subi %sign3A_313, %sign3A_316 : i32
        %ne3A_318 = arith.cmpi ne, %sign3A_310, %sign3A_317 : i32
        %rem3A_319 = arith.remsi %add3A_301, %jit3A_302 : i32
        %ne3A_320 = arith.constant 0 : i32
        %ne3A_321 = arith.cmpi ne, %rem3A_319, %ne3A_320 : i32
        %and3A_322 = arith.andi %ne3A_318, %ne3A_321 : i1
        %sub3A_323 = arith.constant 1 : i32
        %sub3A_324 = arith.subi %div3A_303, %sub3A_323 : i32
        %select_n3A_325 = arith.select %and3A_322, %sub3A_324, %div3A_303 : i32
        %jit3A_326 = arith.constant 224 : i32
        %eq3A_327 = arith.constant 0 : i32
        %eq3A_328 = arith.cmpi eq, %jit3A_326, %eq3A_327 : i32
        %jit3A_329 = arith.constant 1 : i32
        %select_n3A_330 = arith.select %eq3A_328, %jit3A_329, %jit3A_326 : i32
        %rem3A_331 = arith.remsi %add3A_301, %select_n3A_330 : i32
        %ne3A_332 = arith.constant 0 : i32
        %ne3A_333 = arith.cmpi ne, %rem3A_331, %ne3A_332 : i32
        %lt3A_334 = arith.constant 0 : i32
        %lt3A_335 = arith.cmpi slt, %rem3A_331, %lt3A_334 : i32
        %lt3A_336 = arith.constant 0 : i32
        %lt3A_337 = arith.cmpi slt, %select_n3A_330, %lt3A_336 : i32
        %ne3A_338 = arith.xori %lt3A_335, %lt3A_337 : i1
        %and3A_339 = arith.andi %ne3A_338, %ne3A_333 : i1
        %add3A_340 = arith.addi %rem3A_331, %select_n3A_330 : i32
        %select_n3A_341 = arith.select %and3A_339, %add3A_340, %rem3A_331 : i32
        %mul3A_342 = arith.constant 448 : i32
        %mul3A_343 = arith.muli %select_n3A_341, %mul3A_342 : i32
        %min3A_344 = arith.constant 99552 : i32
        %min3A_345 = arith.minsi %mul3A_343, %min3A_344 : i32
        %multiple_of3A_346 = tpu.assume_multiple %min3A_345, 8 : i32
        %dma_wait3A_347 = tpu.memref_slice %arg3[%select_n3A_325, %multiple_of3A_346] : memref<27x100000xi32, #tpu.memory_space<hbm>> -> memref<1x448xi32, #tpu.memory_space<hbm>>
        %dma_wait3A_348 = tpu.memref_squeeze %dma_wait3A_347 : memref<1x448xi32, #tpu.memory_space<hbm>> -> memref<448xi32, #tpu.memory_space<hbm>>
        %dma_wait3A_349 = tpu.memref_slice %arg3[%select_n3A_325, %multiple_of3A_346] : memref<27x100000xi32, #tpu.memory_space<hbm>> -> memref<1x448xi32, #tpu.memory_space<hbm>>
        %dma_wait3A_350 = tpu.memref_squeeze %dma_wait3A_349 : memref<1x448xi32, #tpu.memory_space<hbm>> -> memref<448xi32, #tpu.memory_space<hbm>>
        tpu.wait_dma2 semaphore(%arg16 : memref<!tpu.dma_semaphore, #tpu.memory_space<semaphore_mem>>) src(%dma_wait3A_350 : memref<448xi32, #tpu.memory_space<hbm>>) dst(%arg5 : memref<448xi32, #tpu.memory_space<vmem>>)
        %scan3A = arith.constant 0 : i32
        %scan3A_351 = arith.constant 0 : i32
        %scan3A_352 = arith.constant 24 : i32
        %scan3A_353 = arith.addi %scan3A_351, %scan3A_352 : i32
        %scan3A_354 = arith.constant 8 : i32
        scf.for %scan3A_418 = %scan3A_351 to %scan3A_353 step %scan3A_354  : i32 {
          %mul3A_419 = arith.constant 16 : i32
          %mul3A_420 = arith.muli %scan3A_418, %mul3A_419 : i32
          %get3A_421 = arith.index_cast %mul3A_420 : i32 to index
          %get3A_422 = tpu.vector_load %arg5[%get3A_421] {strides = array<i32>} : memref<448xi32, #tpu.memory_space<vmem>>, vector<16xi32>,
          %lt3A_423 = arith.constant 0 : i32
          %lt3A_424 = vector.broadcast %lt3A_423 : i32 to vector<16xi32>
          %lt3A_425 = arith.cmpi slt, %get3A_422, %lt3A_424 : vector<16xi32>
          %jit3A_426 = arith.constant 100000 : i32
          %broadcast_in_dim3A_427 = vector.broadcast %jit3A_426 : i32 to vector<16xi32>
          %select_n3A_428 = arith.select %lt3A_425, %broadcast_in_dim3A_427, %get3A_422 : vector<16xi1>, vector<16xi32>
          %swap3A_429 = arith.index_cast %mul3A_420 : i32 to index
          %swap3A_430 = tpu.vector_load %arg5[%swap3A_429] {strides = array<i32>} : memref<448xi32, #tpu.memory_space<vmem>>, vector<16xi32>,
          tpu.vector_store %arg5[%swap3A_429], %select_n3A_428 {strides = array<i32>} : memref<448xi32, #tpu.memory_space<vmem>>, vector<16xi32>,
          %scan3A_431 = arith.constant 1 : i32
          %scan3A_432 = arith.addi %scan3A_418, %scan3A_431 : i32
          %mul3A_433 = arith.constant 16 : i32
          %mul3A_434 = arith.muli %scan3A_432, %mul3A_433 : i32
          %get3A_435 = arith.index_cast %mul3A_434 : i32 to index
          %get3A_436 = tpu.vector_load %arg5[%get3A_435] {strides = array<i32>} : memref<448xi32, #tpu.memory_space<vmem>>, vector<16xi32>,
          %lt3A_437 = arith.constant 0 : i32
          %lt3A_438 = vector.broadcast %lt3A_437 : i32 to vector<16xi32>
          %lt3A_439 = arith.cmpi slt, %get3A_436, %lt3A_438 : vector<16xi32>
          %jit3A_440 = arith.constant 100000 : i32
          %broadcast_in_dim3A_441 = vector.broadcast %jit3A_440 : i32 to vector<16xi32>
          %select_n3A_442 = arith.select %lt3A_439, %broadcast_in_dim3A_441, %get3A_436 : vector<16xi1>, vector<16xi32>
          %swap3A_443 = arith.index_cast %mul3A_434 : i32 to index
          %swap3A_444 = tpu.vector_load %arg5[%swap3A_443] {strides = array<i32>} : memref<448xi32, #tpu.memory_space<vmem>>, vector<16xi32>,
          tpu.vector_store %arg5[%swap3A_443], %select_n3A_442 {strides = array<i32>} : memref<448xi32, #tpu.memory_space<vmem>>, vector<16xi32>,
          %scan3A_445 = arith.constant 2 : i32
          %scan3A_446 = arith.addi %scan3A_418, %scan3A_445 : i32
          %mul3A_447 = arith.constant 16 : i32
          %mul3A_448 = arith.muli %scan3A_446, %mul3A_447 : i32
          %get3A_449 = arith.index_cast %mul3A_448 : i32 to index
          %get3A_450 = tpu.vector_load %arg5[%get3A_449] {strides = array<i32>} : memref<448xi32, #tpu.memory_space<vmem>>, vector<16xi32>,
          %lt3A_451 = arith.constant 0 : i32
          %lt3A_452 = vector.broadcast %lt3A_451 : i32 to vector<16xi32>
          %lt3A_453 = arith.cmpi slt, %get3A_450, %lt3A_452 : vector<16xi32>
          %jit3A_454 = arith.constant 100000 : i32
          %broadcast_in_dim3A_455 = vector.broadcast %jit3A_454 : i32 to vector<16xi32>
          %select_n3A_456 = arith.select %lt3A_453, %broadcast_in_dim3A_455, %get3A_450 : vector<16xi1>, vector<16xi32>
          %swap3A_457 = arith.index_cast %mul3A_448 : i32 to index
          %swap3A_458 = tpu.vector_load %arg5[%swap3A_457] {strides = array<i32>} : memref<448xi32, #tpu.memory_space<vmem>>, vector<16xi32>,
          tpu.vector_store %arg5[%swap3A_457], %select_n3A_456 {strides = array<i32>} : memref<448xi32, #tpu.memory_space<vmem>>, vector<16xi32>,
          %scan3A_459 = arith.constant 3 : i32
          %scan3A_460 = arith.addi %scan3A_418, %scan3A_459 : i32
          %mul3A_461 = arith.constant 16 : i32
          %mul3A_462 = arith.muli %scan3A_460, %mul3A_461 : i32
          %get3A_463 = arith.index_cast %mul3A_462 : i32 to index
          %get3A_464 = tpu.vector_load %arg5[%get3A_463] {strides = array<i32>} : memref<448xi32, #tpu.memory_space<vmem>>, vector<16xi32>,
          %lt3A_465 = arith.constant 0 : i32
          %lt3A_466 = vector.broadcast %lt3A_465 : i32 to vector<16xi32>
          %lt3A_467 = arith.cmpi slt, %get3A_464, %lt3A_466 : vector<16xi32>
          %jit3A_468 = arith.constant 100000 : i32
          %broadcast_in_dim3A_469 = vector.broadcast %jit3A_468 : i32 to vector<16xi32>
          %select_n3A_470 = arith.select %lt3A_467, %broadcast_in_dim3A_469, %get3A_464 : vector<16xi1>, vector<16xi32>
          %swap3A_471 = arith.index_cast %mul3A_462 : i32 to index
          %swap3A_472 = tpu.vector_load %arg5[%swap3A_471] {strides = array<i32>} : memref<448xi32, #tpu.memory_space<vmem>>, vector<16xi32>,
          tpu.vector_store %arg5[%swap3A_471], %select_n3A_470 {strides = array<i32>} : memref<448xi32, #tpu.memory_space<vmem>>, vector<16xi32>,
          %scan3A_473 = arith.constant 4 : i32
          %scan3A_474 = arith.addi %scan3A_418, %scan3A_473 : i32
          %mul3A_475 = arith.constant 16 : i32
          %mul3A_476 = arith.muli %scan3A_474, %mul3A_475 : i32
          %get3A_477 = arith.index_cast %mul3A_476 : i32 to index
          %get3A_478 = tpu.vector_load %arg5[%get3A_477] {strides = array<i32>} : memref<448xi32, #tpu.memory_space<vmem>>, vector<16xi32>,
          %lt3A_479 = arith.constant 0 : i32
          %lt3A_480 = vector.broadcast %lt3A_479 : i32 to vector<16xi32>
          %lt3A_481 = arith.cmpi slt, %get3A_478, %lt3A_480 : vector<16xi32>
          %jit3A_482 = arith.constant 100000 : i32
          %broadcast_in_dim3A_483 = vector.broadcast %jit3A_482 : i32 to vector<16xi32>
          %select_n3A_484 = arith.select %lt3A_481, %broadcast_in_dim3A_483, %get3A_478 : vector<16xi1>, vector<16xi32>
          %swap3A_485 = arith.index_cast %mul3A_476 : i32 to index
          %swap3A_486 = tpu.vector_load %arg5[%swap3A_485] {strides = array<i32>} : memref<448xi32, #tpu.memory_space<vmem>>, vector<16xi32>,
          tpu.vector_store %arg5[%swap3A_485], %select_n3A_484 {strides = array<i32>} : memref<448xi32, #tpu.memory_space<vmem>>, vector<16xi32>,
          %scan3A_487 = arith.constant 5 : i32
          %scan3A_488 = arith.addi %scan3A_418, %scan3A_487 : i32
          %mul3A_489 = arith.constant 16 : i32
          %mul3A_490 = arith.muli %scan3A_488, %mul3A_489 : i32
          %get3A_491 = arith.index_cast %mul3A_490 : i32 to index
          %get3A_492 = tpu.vector_load %arg5[%get3A_491] {strides = array<i32>} : memref<448xi32, #tpu.memory_space<vmem>>, vector<16xi32>,
          %lt3A_493 = arith.constant 0 : i32
          %lt3A_494 = vector.broadcast %lt3A_493 : i32 to vector<16xi32>
          %lt3A_495 = arith.cmpi slt, %get3A_492, %lt3A_494 : vector<16xi32>
          %jit3A_496 = arith.constant 100000 : i32
          %broadcast_in_dim3A_497 = vector.broadcast %jit3A_496 : i32 to vector<16xi32>
          %select_n3A_498 = arith.select %lt3A_495, %broadcast_in_dim3A_497, %get3A_492 : vector<16xi1>, vector<16xi32>
          %swap3A_499 = arith.index_cast %mul3A_490 : i32 to index
          %swap3A_500 = tpu.vector_load %arg5[%swap3A_499] {strides = array<i32>} : memref<448xi32, #tpu.memory_space<vmem>>, vector<16xi32>,
          tpu.vector_store %arg5[%swap3A_499], %select_n3A_498 {strides = array<i32>} : memref<448xi32, #tpu.memory_space<vmem>>, vector<16xi32>,
          %scan3A_501 = arith.constant 6 : i32
          %scan3A_502 = arith.addi %scan3A_418, %scan3A_501 : i32
          %mul3A_503 = arith.constant 16 : i32
          %mul3A_504 = arith.muli %scan3A_502, %mul3A_503 : i32
          %get3A_505 = arith.index_cast %mul3A_504 : i32 to index
          %get3A_506 = tpu.vector_load %arg5[%get3A_505] {strides = array<i32>} : memref<448xi32, #tpu.memory_space<vmem>>, vector<16xi32>,
          %lt3A_507 = arith.constant 0 : i32
          %lt3A_508 = vector.broadcast %lt3A_507 : i32 to vector<16xi32>
          %lt3A_509 = arith.cmpi slt, %get3A_506, %lt3A_508 : vector<16xi32>
          %jit3A_510 = arith.constant 100000 : i32
          %broadcast_in_dim3A_511 = vector.broadcast %jit3A_510 : i32 to vector<16xi32>
          %select_n3A_512 = arith.select %lt3A_509, %broadcast_in_dim3A_511, %get3A_506 : vector<16xi1>, vector<16xi32>
          %swap3A_513 = arith.index_cast %mul3A_504 : i32 to index
          %swap3A_514 = tpu.vector_load %arg5[%swap3A_513] {strides = array<i32>} : memref<448xi32, #tpu.memory_space<vmem>>, vector<16xi32>,
          tpu.vector_store %arg5[%swap3A_513], %select_n3A_512 {strides = array<i32>} : memref<448xi32, #tpu.memory_space<vmem>>, vector<16xi32>,
          %scan3A_515 = arith.constant 7 : i32
          %scan3A_516 = arith.addi %scan3A_418, %scan3A_515 : i32
          %mul3A_517 = arith.constant 16 : i32
          %mul3A_518 = arith.muli %scan3A_516, %mul3A_517 : i32
          %get3A_519 = arith.index_cast %mul3A_518 : i32 to index
          %get3A_520 = tpu.vector_load %arg5[%get3A_519] {strides = array<i32>} : memref<448xi32, #tpu.memory_space<vmem>>, vector<16xi32>,
          %lt3A_521 = arith.constant 0 : i32
          %lt3A_522 = vector.broadcast %lt3A_521 : i32 to vector<16xi32>
          %lt3A_523 = arith.cmpi slt, %get3A_520, %lt3A_522 : vector<16xi32>
          %jit3A_524 = arith.constant 100000 : i32
          %broadcast_in_dim3A_525 = vector.broadcast %jit3A_524 : i32 to vector<16xi32>
          %select_n3A_526 = arith.select %lt3A_523, %broadcast_in_dim3A_525, %get3A_520 : vector<16xi1>, vector<16xi32>
          %swap3A_527 = arith.index_cast %mul3A_518 : i32 to index
          %swap3A_528 = tpu.vector_load %arg5[%swap3A_527] {strides = array<i32>} : memref<448xi32, #tpu.memory_space<vmem>>, vector<16xi32>,
          tpu.vector_store %arg5[%swap3A_527], %select_n3A_526 {strides = array<i32>} : memref<448xi32, #tpu.memory_space<vmem>>, vector<16xi32>,
        }
        %scan3A_355 = arith.constant 24 : i32
        %scan3A_356 = arith.addi %scan3A_351, %scan3A_355 : i32
        %mul3A_357 = arith.constant 16 : i32
        %mul3A_358 = arith.muli %scan3A_356, %mul3A_357 : i32
        %get3A = arith.index_cast %mul3A_358 : i32 to index
        %get3A_359 = tpu.vector_load %arg5[%get3A] {strides = array<i32>} : memref<448xi32, #tpu.memory_space<vmem>>, vector<16xi32>,
        %lt3A_360 = arith.constant 0 : i32
        %lt3A_361 = vector.broadcast %lt3A_360 : i32 to vector<16xi32>
        %lt3A_362 = arith.cmpi slt, %get3A_359, %lt3A_361 : vector<16xi32>
        %jit3A_363 = arith.constant 100000 : i32
        %broadcast_in_dim3A = vector.broadcast %jit3A_363 : i32 to vector<16xi32>
        %select_n3A_364 = arith.select %lt3A_362, %broadcast_in_dim3A, %get3A_359 : vector<16xi1>, vector<16xi32>
        %swap3A = arith.index_cast %mul3A_358 : i32 to index
        %swap3A_365 = tpu.vector_load %arg5[%swap3A] {strides = array<i32>} : memref<448xi32, #tpu.memory_space<vmem>>, vector<16xi32>,
        tpu.vector_store %arg5[%swap3A], %select_n3A_364 {strides = array<i32>} : memref<448xi32, #tpu.memory_space<vmem>>, vector<16xi32>,
        %scan3A_366 = arith.constant 25 : i32
        %scan3A_367 = arith.addi %scan3A_351, %scan3A_366 : i32
        %mul3A_368 = arith.constant 16 : i32
        %mul3A_369 = arith.muli %scan3A_367, %mul3A_368 : i32
        %get3A_370 = arith.index_cast %mul3A_369 : i32 to index
        %get3A_371 = tpu.vector_load %arg5[%get3A_370] {strides = array<i32>} : memref<448xi32, #tpu.memory_space<vmem>>, vector<16xi32>,
        %lt3A_372 = arith.constant 0 : i32
        %lt3A_373 = vector.broadcast %lt3A_372 : i32 to vector<16xi32>
        %lt3A_374 = arith.cmpi slt, %get3A_371, %lt3A_373 : vector<16xi32>
        %jit3A_375 = arith.constant 100000 : i32
        %broadcast_in_dim3A_376 = vector.broadcast %jit3A_375 : i32 to vector<16xi32>
        %select_n3A_377 = arith.select %lt3A_374, %broadcast_in_dim3A_376, %get3A_371 : vector<16xi1>, vector<16xi32>
        %swap3A_378 = arith.index_cast %mul3A_369 : i32 to index
        %swap3A_379 = tpu.vector_load %arg5[%swap3A_378] {strides = array<i32>} : memref<448xi32, #tpu.memory_space<vmem>>, vector<16xi32>,
        tpu.vector_store %arg5[%swap3A_378], %select_n3A_377 {strides = array<i32>} : memref<448xi32, #tpu.memory_space<vmem>>, vector<16xi32>,
        %scan3A_380 = arith.constant 26 : i32
        %scan3A_381 = arith.addi %scan3A_351, %scan3A_380 : i32
        %mul3A_382 = arith.constant 16 : i32
        %mul3A_383 = arith.muli %scan3A_381, %mul3A_382 : i32
        %get3A_384 = arith.index_cast %mul3A_383 : i32 to index
        %get3A_385 = tpu.vector_load %arg5[%get3A_384] {strides = array<i32>} : memref<448xi32, #tpu.memory_space<vmem>>, vector<16xi32>,
        %lt3A_386 = arith.constant 0 : i32
        %lt3A_387 = vector.broadcast %lt3A_386 : i32 to vector<16xi32>
        %lt3A_388 = arith.cmpi slt, %get3A_385, %lt3A_387 : vector<16xi32>
        %jit3A_389 = arith.constant 100000 : i32
        %broadcast_in_dim3A_390 = vector.broadcast %jit3A_389 : i32 to vector<16xi32>
        %select_n3A_391 = arith.select %lt3A_388, %broadcast_in_dim3A_390, %get3A_385 : vector<16xi1>, vector<16xi32>
        %swap3A_392 = arith.index_cast %mul3A_383 : i32 to index
        %swap3A_393 = tpu.vector_load %arg5[%swap3A_392] {strides = array<i32>} : memref<448xi32, #tpu.memory_space<vmem>>, vector<16xi32>,
        tpu.vector_store %arg5[%swap3A_392], %select_n3A_391 {strides = array<i32>} : memref<448xi32, #tpu.memory_space<vmem>>, vector<16xi32>,
        %scan3A_394 = arith.constant 27 : i32
        %scan3A_395 = arith.addi %scan3A_351, %scan3A_394 : i32
        %mul3A_396 = arith.constant 16 : i32
        %mul3A_397 = arith.muli %scan3A_395, %mul3A_396 : i32
        %get3A_398 = arith.index_cast %mul3A_397 : i32 to index
        %get3A_399 = tpu.vector_load %arg5[%get3A_398] {strides = array<i32>} : memref<448xi32, #tpu.memory_space<vmem>>, vector<16xi32>,
        %lt3A_400 = arith.constant 0 : i32
        %lt3A_401 = vector.broadcast %lt3A_400 : i32 to vector<16xi32>
        %lt3A_402 = arith.cmpi slt, %get3A_399, %lt3A_401 : vector<16xi32>
        %jit3A_403 = arith.constant 100000 : i32
        %broadcast_in_dim3A_404 = vector.broadcast %jit3A_403 : i32 to vector<16xi32>
        %select_n3A_405 = arith.select %lt3A_402, %broadcast_in_dim3A_404, %get3A_399 : vector<16xi1>, vector<16xi32>
        %swap3A_406 = arith.index_cast %mul3A_397 : i32 to index
        %swap3A_407 = tpu.vector_load %arg5[%swap3A_406] {strides = array<i32>} : memref<448xi32, #tpu.memory_space<vmem>>, vector<16xi32>,
        tpu.vector_store %arg5[%swap3A_406], %select_n3A_405 {strides = array<i32>} : memref<448xi32, #tpu.memory_space<vmem>>, vector<16xi32>,
        %scan3A_408 = arith.constant 28 : i32
        %dma_start3A_409 = arith.constant 0 : i32
        %dma_start3A_410 = arith.constant 0 : i32
        %dma_start3A_411 = tpu.memref_slice %arg11[%dma_start3A_409, %dma_start3A_410] : memref<100008x16xf32, #tpu.memory_space<vmem_shared>> -> memref<100008x16xf32, #tpu.memory_space<vmem_shared>>
        tpu.enqueue_indirect_dma source(%dma_start3A_411 : memref<100008x16xf32, #tpu.memory_space<vmem_shared>>) target(%arg7 : memref<448x16xf32, #tpu.memory_space<vmem>>) offsets(%arg5 : memref<448xi32, #tpu.memory_space<vmem>>) semaphore(%arg12 : memref<!tpu.dma_semaphore, #tpu.memory_space<semaphore_mem>>)
        %add3A_412 = arith.constant 1 : i32
        %add3A_413 = arith.addi %add3A_260, %add3A_412 : i32
        %lt3A_414 = arith.cmpi slt, %add3A_413, %select_n3A : i32
        %convert_element_type3A_415 = arith.extui %lt3A_414 : i1 to i32
        %cond3A_416 = arith.constant 0 : i32
        %cond3A_417 = arith.cmpi ne, %convert_element_type3A_415, %cond3A_416 : i32
        scf.if %cond3A_417 {
          %add3A_418 = arith.constant 1 : i32
          %add3A_419 = arith.addi %add3A_260, %add3A_418 : i32
          %mul3A_420 = arith.constant 32 : i32
          %mul3A_421 = arith.muli %add3A_419, %mul3A_420 : i32
          %add3A_422 = arith.addi %add3A, %mul3A_421 : i32
          %jit3A_423 = arith.constant 224 : i32
          %div3A_424 = arith.divsi %add3A_422, %jit3A_423 : i32
          %sign3A_425 = arith.constant 0 : i32
          %sign3A_426 = arith.cmpi sgt, %add3A_422, %sign3A_425 : i32
          %sign3A_427 = arith.extui %sign3A_426 : i1 to i32
          %sign3A_428 = arith.constant 0 : i32
          %sign3A_429 = arith.cmpi slt, %add3A_422, %sign3A_428 : i32
          %sign3A_430 = arith.extui %sign3A_429 : i1 to i32
          %sign3A_431 = arith.subi %sign3A_427, %sign3A_430 : i32
          %sign3A_432 = arith.constant 0 : i32
          %sign3A_433 = arith.cmpi sgt, %jit3A_423, %sign3A_432 : i32
          %sign3A_434 = arith.extui %sign3A_433 : i1 to i32
          %sign3A_435 = arith.constant 0 : i32
          %sign3A_436 = arith.cmpi slt, %jit3A_423, %sign3A_435 : i32
          %sign3A_437 = arith.extui %sign3A_436 : i1 to i32
          %sign3A_438 = arith.subi %sign3A_434, %sign3A_437 : i32
          %ne3A_439 = arith.cmpi ne, %sign3A_431, %sign3A_438 : i32
          %rem3A_440 = arith.remsi %add3A_422, %jit3A_423 : i32
          %ne3A_441 = arith.constant 0 : i32
          %ne3A_442 = arith.cmpi ne, %rem3A_440, %ne3A_441 : i32
          %and3A_443 = arith.andi %ne3A_439, %ne3A_442 : i1
          %sub3A_444 = arith.constant 1 : i32
          %sub3A_445 = arith.subi %div3A_424, %sub3A_444 : i32
          %select_n3A_446 = arith.select %and3A_443, %sub3A_445, %div3A_424 : i32
          %jit3A_447 = arith.constant 224 : i32
          %eq3A_448 = arith.constant 0 : i32
          %eq3A_449 = arith.cmpi eq, %jit3A_447, %eq3A_448 : i32
          %jit3A_450 = arith.constant 1 : i32
          %select_n3A_451 = arith.select %eq3A_449, %jit3A_450, %jit3A_447 : i32
          %rem3A_452 = arith.remsi %add3A_422, %select_n3A_451 : i32
          %ne3A_453 = arith.constant 0 : i32
          %ne3A_454 = arith.cmpi ne, %rem3A_452, %ne3A_453 : i32
          %lt3A_455 = arith.constant 0 : i32
          %lt3A_456 = arith.cmpi slt, %rem3A_452, %lt3A_455 : i32
          %lt3A_457 = arith.constant 0 : i32
          %lt3A_458 = arith.cmpi slt, %select_n3A_451, %lt3A_457 : i32
          %ne3A_459 = arith.xori %lt3A_456, %lt3A_458 : i1
          %and3A_460 = arith.andi %ne3A_459, %ne3A_454 : i1
          %add3A_461 = arith.addi %rem3A_452, %select_n3A_451 : i32
          %select_n3A_462 = arith.select %and3A_460, %add3A_461, %rem3A_452 : i32
          %mul3A_463 = arith.constant 448 : i32
          %mul3A_464 = arith.muli %select_n3A_462, %mul3A_463 : i32
          %min3A_465 = arith.constant 99552 : i32
          %min3A_466 = arith.minsi %mul3A_464, %min3A_465 : i32
          %multiple_of3A_467 = tpu.assume_multiple %min3A_466, 8 : i32
          %dma_start3A_468 = tpu.memref_slice %arg3[%select_n3A_446, %multiple_of3A_467] : memref<27x100000xi32, #tpu.memory_space<hbm>> -> memref<1x448xi32, #tpu.memory_space<hbm>>
          %dma_start3A_469 = tpu.memref_squeeze %dma_start3A_468 : memref<1x448xi32, #tpu.memory_space<hbm>> -> memref<448xi32, #tpu.memory_space<hbm>>
          %dma_start3A_470 = tpu.memref_slice %arg3[%select_n3A_446, %multiple_of3A_467] : memref<27x100000xi32, #tpu.memory_space<hbm>> -> memref<1x448xi32, #tpu.memory_space<hbm>>
          %dma_start3A_471 = tpu.memref_squeeze %dma_start3A_470 : memref<1x448xi32, #tpu.memory_space<hbm>> -> memref<448xi32, #tpu.memory_space<hbm>>
          tpu.enqueue_dma source(%dma_start3A_471 : memref<448xi32, #tpu.memory_space<hbm>>) target(%arg6 : memref<448xi32, #tpu.memory_space<vmem>>) target_semaphore(%arg17 : memref<!tpu.dma_semaphore, #tpu.memory_space<semaphore_mem>>)
        } else {
        }
      } else {
      }
      %ge3A_270 = arith.constant 1 : i32
      %ge3A_271 = arith.cmpi sge, %add3A_260, %ge3A_270 : i32
      %le3A_272 = arith.cmpi sle, %add3A_260, %select_n3A : i32
      %and3A_273 = arith.andi %ge3A_271, %le3A_272 : i1
      %convert_element_type3A_274 = arith.extui %and3A_273 : i1 to i32
      %cond3A_275 = arith.constant 0 : i32
      %cond3A_276 = arith.cmpi ne, %convert_element_type3A_274, %cond3A_275 : i32
      scf.if %cond3A_276 {
        %sub3A_299 = arith.constant 1 : i32
        %sub3A_300 = arith.subi %add3A_260, %sub3A_299 : i32
        %parallel_loop3A = arith.constant 0 : i32
        %parallel_loop3A_301 = arith.constant 28 : i32
        %parallel_loop3A_302 = arith.constant 1 : i32
        scf.for %parallel_loop3A_357 = %parallel_loop3A to %parallel_loop3A_301 step %parallel_loop3A_302  : i32 {
          %parallel_loop3A_358 = arith.constant 16 : i32
          %parallel_loop3A_359 = arith.muli %parallel_loop3A_357, %parallel_loop3A_358 : i32
          %parallel_loop3A_360 = vector.broadcast %parallel_loop3A_359 : i32 to vector<16xi32>
          %parallel_loop3A_361 = arith.addi %parallel_loop3A_360, %iota3A : vector<16xi32>
          %parallel_loop3A_362 = arith.constant 0 : i32
          %parallel_loop3A_363 = vector.broadcast %parallel_loop3A_362 : i32 to vector<16xi32>
          %parallel_loop3A_364 = tpu.vector_load_idx %arg8[%parallel_loop3A_361, %parallel_loop3A_363] : memref<448x16xf32, #tpu.memory_space<vmem>>[vector<16xi32>, vector<16xi32>], vector<16xf32>,
          %parallel_loop3A_365 = arith.constant 0 : i32
          %parallel_loop3A_366 = arith.index_cast %parallel_loop3A_365 : i32 to index
          %parallel_loop3A_367 = arith.index_cast %parallel_loop3A_359 : i32 to index
          %parallel_loop3A_368 = tpu.vector_load %arg10[%parallel_loop3A_366, %parallel_loop3A_367] {strides = array<i32>} : memref<16x448xf32, #tpu.memory_space<vmem>>, vector<16xf32>,
          tpu.vector_store %arg10[%parallel_loop3A_366, %parallel_loop3A_367], %parallel_loop3A_364 {strides = array<i32>} : memref<16x448xf32, #tpu.memory_space<vmem>>, vector<16xf32>,
          %parallel_loop3A_369 = arith.constant 1 : i32
          %parallel_loop3A_370 = vector.broadcast %parallel_loop3A_369 : i32 to vector<16xi32>
          %parallel_loop3A_371 = tpu.vector_load_idx %arg8[%parallel_loop3A_361, %parallel_loop3A_370] : memref<448x16xf32, #tpu.memory_space<vmem>>[vector<16xi32>, vector<16xi32>], vector<16xf32>,
          %parallel_loop3A_372 = arith.constant 1 : i32
          %parallel_loop3A_373 = arith.index_cast %parallel_loop3A_372 : i32 to index
          %parallel_loop3A_374 = arith.index_cast %parallel_loop3A_359 : i32 to index
          %parallel_loop3A_375 = tpu.vector_load %arg10[%parallel_loop3A_373, %parallel_loop3A_374] {strides = array<i32>} : memref<16x448xf32, #tpu.memory_space<vmem>>, vector<16xf32>,
          tpu.vector_store %arg10[%parallel_loop3A_373, %parallel_loop3A_374], %parallel_loop3A_371 {strides = array<i32>} : memref<16x448xf32, #tpu.memory_space<vmem>>, vector<16xf32>,
          %parallel_loop3A_376 = arith.constant 2 : i32
          %parallel_loop3A_377 = vector.broadcast %parallel_loop3A_376 : i32 to vector<16xi32>
          %parallel_loop3A_378 = tpu.vector_load_idx %arg8[%parallel_loop3A_361, %parallel_loop3A_377] : memref<448x16xf32, #tpu.memory_space<vmem>>[vector<16xi32>, vector<16xi32>], vector<16xf32>,
          %parallel_loop3A_379 = arith.constant 2 : i32
          %parallel_loop3A_380 = arith.index_cast %parallel_loop3A_379 : i32 to index
          %parallel_loop3A_381 = arith.index_cast %parallel_loop3A_359 : i32 to index
          %parallel_loop3A_382 = tpu.vector_load %arg10[%parallel_loop3A_380, %parallel_loop3A_381] {strides = array<i32>} : memref<16x448xf32, #tpu.memory_space<vmem>>, vector<16xf32>,
          tpu.vector_store %arg10[%parallel_loop3A_380, %parallel_loop3A_381], %parallel_loop3A_378 {strides = array<i32>} : memref<16x448xf32, #tpu.memory_space<vmem>>, vector<16xf32>,
          %parallel_loop3A_383 = arith.constant 3 : i32
          %parallel_loop3A_384 = vector.broadcast %parallel_loop3A_383 : i32 to vector<16xi32>
          %parallel_loop3A_385 = tpu.vector_load_idx %arg8[%parallel_loop3A_361, %parallel_loop3A_384] : memref<448x16xf32, #tpu.memory_space<vmem>>[vector<16xi32>, vector<16xi32>], vector<16xf32>,
          %parallel_loop3A_386 = arith.constant 3 : i32
          %parallel_loop3A_387 = arith.index_cast %parallel_loop3A_386 : i32 to index
          %parallel_loop3A_388 = arith.index_cast %parallel_loop3A_359 : i32 to index
          %parallel_loop3A_389 = tpu.vector_load %arg10[%parallel_loop3A_387, %parallel_loop3A_388] {strides = array<i32>} : memref<16x448xf32, #tpu.memory_space<vmem>>, vector<16xf32>,
          tpu.vector_store %arg10[%parallel_loop3A_387, %parallel_loop3A_388], %parallel_loop3A_385 {strides = array<i32>} : memref<16x448xf32, #tpu.memory_space<vmem>>, vector<16xf32>,
          %parallel_loop3A_390 = arith.constant 4 : i32
          %parallel_loop3A_391 = vector.broadcast %parallel_loop3A_390 : i32 to vector<16xi32>
          %parallel_loop3A_392 = tpu.vector_load_idx %arg8[%parallel_loop3A_361, %parallel_loop3A_391] : memref<448x16xf32, #tpu.memory_space<vmem>>[vector<16xi32>, vector<16xi32>], vector<16xf32>,
          %parallel_loop3A_393 = arith.constant 4 : i32
          %parallel_loop3A_394 = arith.index_cast %parallel_loop3A_393 : i32 to index
          %parallel_loop3A_395 = arith.index_cast %parallel_loop3A_359 : i32 to index
          %parallel_loop3A_396 = tpu.vector_load %arg10[%parallel_loop3A_394, %parallel_loop3A_395] {strides = array<i32>} : memref<16x448xf32, #tpu.memory_space<vmem>>, vector<16xf32>,
          tpu.vector_store %arg10[%parallel_loop3A_394, %parallel_loop3A_395], %parallel_loop3A_392 {strides = array<i32>} : memref<16x448xf32, #tpu.memory_space<vmem>>, vector<16xf32>,
          %parallel_loop3A_397 = arith.constant 5 : i32
          %parallel_loop3A_398 = vector.broadcast %parallel_loop3A_397 : i32 to vector<16xi32>
          %parallel_loop3A_399 = tpu.vector_load_idx %arg8[%parallel_loop3A_361, %parallel_loop3A_398] : memref<448x16xf32, #tpu.memory_space<vmem>>[vector<16xi32>, vector<16xi32>], vector<16xf32>,
          %parallel_loop3A_400 = arith.constant 5 : i32
          %parallel_loop3A_401 = arith.index_cast %parallel_loop3A_400 : i32 to index
          %parallel_loop3A_402 = arith.index_cast %parallel_loop3A_359 : i32 to index
          %parallel_loop3A_403 = tpu.vector_load %arg10[%parallel_loop3A_401, %parallel_loop3A_402] {strides = array<i32>} : memref<16x448xf32, #tpu.memory_space<vmem>>, vector<16xf32>,
          tpu.vector_store %arg10[%parallel_loop3A_401, %parallel_loop3A_402], %parallel_loop3A_399 {strides = array<i32>} : memref<16x448xf32, #tpu.memory_space<vmem>>, vector<16xf32>,
          %parallel_loop3A_404 = arith.constant 6 : i32
          %parallel_loop3A_405 = vector.broadcast %parallel_loop3A_404 : i32 to vector<16xi32>
          %parallel_loop3A_406 = tpu.vector_load_idx %arg8[%parallel_loop3A_361, %parallel_loop3A_405] : memref<448x16xf32, #tpu.memory_space<vmem>>[vector<16xi32>, vector<16xi32>], vector<16xf32>,
          %parallel_loop3A_407 = arith.constant 6 : i32
          %parallel_loop3A_408 = arith.index_cast %parallel_loop3A_407 : i32 to index
          %parallel_loop3A_409 = arith.index_cast %parallel_loop3A_359 : i32 to index
          %parallel_loop3A_410 = tpu.vector_load %arg10[%parallel_loop3A_408, %parallel_loop3A_409] {strides = array<i32>} : memref<16x448xf32, #tpu.memory_space<vmem>>, vector<16xf32>,
          tpu.vector_store %arg10[%parallel_loop3A_408, %parallel_loop3A_409], %parallel_loop3A_406 {strides = array<i32>} : memref<16x448xf32, #tpu.memory_space<vmem>>, vector<16xf32>,
          %parallel_loop3A_411 = arith.constant 7 : i32
          %parallel_loop3A_412 = vector.broadcast %parallel_loop3A_411 : i32 to vector<16xi32>
          %parallel_loop3A_413 = tpu.vector_load_idx %arg8[%parallel_loop3A_361, %parallel_loop3A_412] : memref<448x16xf32, #tpu.memory_space<vmem>>[vector<16xi32>, vector<16xi32>], vector<16xf32>,
          %parallel_loop3A_414 = arith.constant 7 : i32
          %parallel_loop3A_415 = arith.index_cast %parallel_loop3A_414 : i32 to index
          %parallel_loop3A_416 = arith.index_cast %parallel_loop3A_359 : i32 to index
          %parallel_loop3A_417 = tpu.vector_load %arg10[%parallel_loop3A_415, %parallel_loop3A_416] {strides = array<i32>} : memref<16x448xf32, #tpu.memory_space<vmem>>, vector<16xf32>,
          tpu.vector_store %arg10[%parallel_loop3A_415, %parallel_loop3A_416], %parallel_loop3A_413 {strides = array<i32>} : memref<16x448xf32, #tpu.memory_space<vmem>>, vector<16xf32>,
          %parallel_loop3A_418 = arith.constant 8 : i32
          %parallel_loop3A_419 = vector.broadcast %parallel_loop3A_418 : i32 to vector<16xi32>
          %parallel_loop3A_420 = tpu.vector_load_idx %arg8[%parallel_loop3A_361, %parallel_loop3A_419] : memref<448x16xf32, #tpu.memory_space<vmem>>[vector<16xi32>, vector<16xi32>], vector<16xf32>,
          %parallel_loop3A_421 = arith.constant 8 : i32
          %parallel_loop3A_422 = arith.index_cast %parallel_loop3A_421 : i32 to index
          %parallel_loop3A_423 = arith.index_cast %parallel_loop3A_359 : i32 to index
          %parallel_loop3A_424 = tpu.vector_load %arg10[%parallel_loop3A_422, %parallel_loop3A_423] {strides = array<i32>} : memref<16x448xf32, #tpu.memory_space<vmem>>, vector<16xf32>,
          tpu.vector_store %arg10[%parallel_loop3A_422, %parallel_loop3A_423], %parallel_loop3A_420 {strides = array<i32>} : memref<16x448xf32, #tpu.memory_space<vmem>>, vector<16xf32>,
          %parallel_loop3A_425 = arith.constant 9 : i32
          %parallel_loop3A_426 = vector.broadcast %parallel_loop3A_425 : i32 to vector<16xi32>
          %parallel_loop3A_427 = tpu.vector_load_idx %arg8[%parallel_loop3A_361, %parallel_loop3A_426] : memref<448x16xf32, #tpu.memory_space<vmem>>[vector<16xi32>, vector<16xi32>], vector<16xf32>,
          %parallel_loop3A_428 = arith.constant 9 : i32
          %parallel_loop3A_429 = arith.index_cast %parallel_loop3A_428 : i32 to index
          %parallel_loop3A_430 = arith.index_cast %parallel_loop3A_359 : i32 to index
          %parallel_loop3A_431 = tpu.vector_load %arg10[%parallel_loop3A_429, %parallel_loop3A_430] {strides = array<i32>} : memref<16x448xf32, #tpu.memory_space<vmem>>, vector<16xf32>,
          tpu.vector_store %arg10[%parallel_loop3A_429, %parallel_loop3A_430], %parallel_loop3A_427 {strides = array<i32>} : memref<16x448xf32, #tpu.memory_space<vmem>>, vector<16xf32>,
          %parallel_loop3A_432 = arith.constant 10 : i32
          %parallel_loop3A_433 = vector.broadcast %parallel_loop3A_432 : i32 to vector<16xi32>
          %parallel_loop3A_434 = tpu.vector_load_idx %arg8[%parallel_loop3A_361, %parallel_loop3A_433] : memref<448x16xf32, #tpu.memory_space<vmem>>[vector<16xi32>, vector<16xi32>], vector<16xf32>,
          %parallel_loop3A_435 = arith.constant 10 : i32
          %parallel_loop3A_436 = arith.index_cast %parallel_loop3A_435 : i32 to index
          %parallel_loop3A_437 = arith.index_cast %parallel_loop3A_359 : i32 to index
          %parallel_loop3A_438 = tpu.vector_load %arg10[%parallel_loop3A_436, %parallel_loop3A_437] {strides = array<i32>} : memref<16x448xf32, #tpu.memory_space<vmem>>, vector<16xf32>,
          tpu.vector_store %arg10[%parallel_loop3A_436, %parallel_loop3A_437], %parallel_loop3A_434 {strides = array<i32>} : memref<16x448xf32, #tpu.memory_space<vmem>>, vector<16xf32>,
          %parallel_loop3A_439 = arith.constant 11 : i32
          %parallel_loop3A_440 = vector.broadcast %parallel_loop3A_439 : i32 to vector<16xi32>
          %parallel_loop3A_441 = tpu.vector_load_idx %arg8[%parallel_loop3A_361, %parallel_loop3A_440] : memref<448x16xf32, #tpu.memory_space<vmem>>[vector<16xi32>, vector<16xi32>], vector<16xf32>,
          %parallel_loop3A_442 = arith.constant 11 : i32
          %parallel_loop3A_443 = arith.index_cast %parallel_loop3A_442 : i32 to index
          %parallel_loop3A_444 = arith.index_cast %parallel_loop3A_359 : i32 to index
          %parallel_loop3A_445 = tpu.vector_load %arg10[%parallel_loop3A_443, %parallel_loop3A_444] {strides = array<i32>} : memref<16x448xf32, #tpu.memory_space<vmem>>, vector<16xf32>,
          tpu.vector_store %arg10[%parallel_loop3A_443, %parallel_loop3A_444], %parallel_loop3A_441 {strides = array<i32>} : memref<16x448xf32, #tpu.memory_space<vmem>>, vector<16xf32>,
          %parallel_loop3A_446 = arith.constant 12 : i32
          %parallel_loop3A_447 = vector.broadcast %parallel_loop3A_446 : i32 to vector<16xi32>
          %parallel_loop3A_448 = tpu.vector_load_idx %arg8[%parallel_loop3A_361, %parallel_loop3A_447] : memref<448x16xf32, #tpu.memory_space<vmem>>[vector<16xi32>, vector<16xi32>], vector<16xf32>,
          %parallel_loop3A_449 = arith.constant 12 : i32
          %parallel_loop3A_450 = arith.index_cast %parallel_loop3A_449 : i32 to index
          %parallel_loop3A_451 = arith.index_cast %parallel_loop3A_359 : i32 to index
          %parallel_loop3A_452 = tpu.vector_load %arg10[%parallel_loop3A_450, %parallel_loop3A_451] {strides = array<i32>} : memref<16x448xf32, #tpu.memory_space<vmem>>, vector<16xf32>,
          tpu.vector_store %arg10[%parallel_loop3A_450, %parallel_loop3A_451], %parallel_loop3A_448 {strides = array<i32>} : memref<16x448xf32, #tpu.memory_space<vmem>>, vector<16xf32>,
          %parallel_loop3A_453 = arith.constant 13 : i32
          %parallel_loop3A_454 = vector.broadcast %parallel_loop3A_453 : i32 to vector<16xi32>
          %parallel_loop3A_455 = tpu.vector_load_idx %arg8[%parallel_loop3A_361, %parallel_loop3A_454] : memref<448x16xf32, #tpu.memory_space<vmem>>[vector<16xi32>, vector<16xi32>], vector<16xf32>,
          %parallel_loop3A_456 = arith.constant 13 : i32
          %parallel_loop3A_457 = arith.index_cast %parallel_loop3A_456 : i32 to index
          %parallel_loop3A_458 = arith.index_cast %parallel_loop3A_359 : i32 to index
          %parallel_loop3A_459 = tpu.vector_load %arg10[%parallel_loop3A_457, %parallel_loop3A_458] {strides = array<i32>} : memref<16x448xf32, #tpu.memory_space<vmem>>, vector<16xf32>,
          tpu.vector_store %arg10[%parallel_loop3A_457, %parallel_loop3A_458], %parallel_loop3A_455 {strides = array<i32>} : memref<16x448xf32, #tpu.memory_space<vmem>>, vector<16xf32>,
          %parallel_loop3A_460 = arith.constant 14 : i32
          %parallel_loop3A_461 = vector.broadcast %parallel_loop3A_460 : i32 to vector<16xi32>
          %parallel_loop3A_462 = tpu.vector_load_idx %arg8[%parallel_loop3A_361, %parallel_loop3A_461] : memref<448x16xf32, #tpu.memory_space<vmem>>[vector<16xi32>, vector<16xi32>], vector<16xf32>,
          %parallel_loop3A_463 = arith.constant 14 : i32
          %parallel_loop3A_464 = arith.index_cast %parallel_loop3A_463 : i32 to index
          %parallel_loop3A_465 = arith.index_cast %parallel_loop3A_359 : i32 to index
          %parallel_loop3A_466 = tpu.vector_load %arg10[%parallel_loop3A_464, %parallel_loop3A_465] {strides = array<i32>} : memref<16x448xf32, #tpu.memory_space<vmem>>, vector<16xf32>,
          tpu.vector_store %arg10[%parallel_loop3A_464, %parallel_loop3A_465], %parallel_loop3A_462 {strides = array<i32>} : memref<16x448xf32, #tpu.memory_space<vmem>>, vector<16xf32>,
          %parallel_loop3A_467 = arith.constant 15 : i32
          %parallel_loop3A_468 = vector.broadcast %parallel_loop3A_467 : i32 to vector<16xi32>
          %parallel_loop3A_469 = tpu.vector_load_idx %arg8[%parallel_loop3A_361, %parallel_loop3A_468] : memref<448x16xf32, #tpu.memory_space<vmem>>[vector<16xi32>, vector<16xi32>], vector<16xf32>,
          %parallel_loop3A_470 = arith.constant 15 : i32
          %parallel_loop3A_471 = arith.index_cast %parallel_loop3A_470 : i32 to index
          %parallel_loop3A_472 = arith.index_cast %parallel_loop3A_359 : i32 to index
          %parallel_loop3A_473 = tpu.vector_load %arg10[%parallel_loop3A_471, %parallel_loop3A_472] {strides = array<i32>} : memref<16x448xf32, #tpu.memory_space<vmem>>, vector<16xf32>,
          tpu.vector_store %arg10[%parallel_loop3A_471, %parallel_loop3A_472], %parallel_loop3A_469 {strides = array<i32>} : memref<16x448xf32, #tpu.memory_space<vmem>>, vector<16xf32>,
        } {sc.loop_unroll_factor = 4 : i64, sc.parallel_access}
        %mul3A_303 = arith.constant 32 : i32
        %mul3A_304 = arith.muli %sub3A_300, %mul3A_303 : i32
        %add3A_305 = arith.addi %add3A, %mul3A_304 : i32
        %jit3A_306 = arith.constant 224 : i32
        %div3A_307 = arith.divsi %add3A_305, %jit3A_306 : i32
        %sign3A_308 = arith.constant 0 : i32
        %sign3A_309 = arith.cmpi sgt, %add3A_305, %sign3A_308 : i32
        %sign3A_310 = arith.extui %sign3A_309 : i1 to i32
        %sign3A_311 = arith.constant 0 : i32
        %sign3A_312 = arith.cmpi slt, %add3A_305, %sign3A_311 : i32
        %sign3A_313 = arith.extui %sign3A_312 : i1 to i32
        %sign3A_314 = arith.subi %sign3A_310, %sign3A_313 : i32
        %sign3A_315 = arith.constant 0 : i32
        %sign3A_316 = arith.cmpi sgt, %jit3A_306, %sign3A_315 : i32
        %sign3A_317 = arith.extui %sign3A_316 : i1 to i32
        %sign3A_318 = arith.constant 0 : i32
        %sign3A_319 = arith.cmpi slt, %jit3A_306, %sign3A_318 : i32
        %sign3A_320 = arith.extui %sign3A_319 : i1 to i32
        %sign3A_321 = arith.subi %sign3A_317, %sign3A_320 : i32
        %ne3A_322 = arith.cmpi ne, %sign3A_314, %sign3A_321 : i32
        %rem3A_323 = arith.remsi %add3A_305, %jit3A_306 : i32
        %ne3A_324 = arith.constant 0 : i32
        %ne3A_325 = arith.cmpi ne, %rem3A_323, %ne3A_324 : i32
        %and3A_326 = arith.andi %ne3A_322, %ne3A_325 : i1
        %sub3A_327 = arith.constant 1 : i32
        %sub3A_328 = arith.subi %div3A_307, %sub3A_327 : i32
        %select_n3A_329 = arith.select %and3A_326, %sub3A_328, %div3A_307 : i32
        %jit3A_330 = arith.constant 224 : i32
        %eq3A_331 = arith.constant 0 : i32
        %eq3A_332 = arith.cmpi eq, %jit3A_330, %eq3A_331 : i32
        %jit3A_333 = arith.constant 1 : i32
        %select_n3A_334 = arith.select %eq3A_332, %jit3A_333, %jit3A_330 : i32
        %rem3A_335 = arith.remsi %add3A_305, %select_n3A_334 : i32
        %ne3A_336 = arith.constant 0 : i32
        %ne3A_337 = arith.cmpi ne, %rem3A_335, %ne3A_336 : i32
        %lt3A_338 = arith.constant 0 : i32
        %lt3A_339 = arith.cmpi slt, %rem3A_335, %lt3A_338 : i32
        %lt3A_340 = arith.constant 0 : i32
        %lt3A_341 = arith.cmpi slt, %select_n3A_334, %lt3A_340 : i32
        %ne3A_342 = arith.xori %lt3A_339, %lt3A_341 : i1
        %and3A_343 = arith.andi %ne3A_342, %ne3A_337 : i1
        %add3A_344 = arith.addi %rem3A_335, %select_n3A_334 : i32
        %select_n3A_345 = arith.select %and3A_343, %add3A_344, %rem3A_335 : i32
        %mul3A_346 = arith.constant 448 : i32
        %mul3A_347 = arith.muli %select_n3A_345, %mul3A_346 : i32
        %min3A_348 = arith.constant 99552 : i32
        %min3A_349 = arith.minsi %mul3A_347, %min3A_348 : i32
        %multiple_of3A_350 = tpu.assume_multiple %min3A_349, 8 : i32
        %dma_start3A_351 = arith.constant 0 : i32
        %dma_start3A_352 = tpu.memref_slice %arg4[%select_n3A_329, %dma_start3A_351, %multiple_of3A_350] : memref<27x16x100000xf32, #tpu.memory_space<hbm>> -> memref<1x16x448xf32, #tpu.memory_space<hbm>>
        %dma_start3A_353 = tpu.memref_squeeze %dma_start3A_352 : memref<1x16x448xf32, #tpu.memory_space<hbm>> -> memref<16x448xf32, #tpu.memory_space<hbm>>
        %dma_start3A_354 = arith.constant 0 : i32
        %dma_start3A_355 = tpu.memref_slice %arg4[%select_n3A_329, %dma_start3A_354, %multiple_of3A_350] : memref<27x16x100000xf32, #tpu.memory_space<hbm>> -> memref<1x16x448xf32, #tpu.memory_space<hbm>>
        %dma_start3A_356 = tpu.memref_squeeze %dma_start3A_355 : memref<1x16x448xf32, #tpu.memory_space<hbm>> -> memref<16x448xf32, #tpu.memory_space<hbm>>
        tpu.enqueue_dma source(%arg10 : memref<16x448xf32, #tpu.memory_space<vmem>>) target(%dma_start3A_356 : memref<16x448xf32, #tpu.memory_space<hbm>>) target_semaphore(%arg15 : memref<!tpu.dma_semaphore, #tpu.memory_space<semaphore_mem>>)
      } else {
      }
      %mul3A_277 = arith.constant 2 : i32
      %mul3A_278 = arith.muli %mul3A_277, %while3A_256 : i32
      %add3A_279 = arith.constant 1 : i32
      %add3A_280 = arith.addi %mul3A_278, %add3A_279 : i32
      %ge3A_281 = arith.constant 1 : i32
      %ge3A_282 = arith.cmpi sge, %add3A_280, %ge3A_281 : i32
      %le3A_283 = arith.cmpi sle, %add3A_280, %select_n3A : i32
      %and3A_284 = arith.andi %ge3A_282, %le3A_283 : i1
      %convert_element_type3A_285 = arith.extui %and3A_284 : i1 to i32
      %cond3A_286 = arith.constant 0 : i32
      %cond3A_287 = arith.cmpi ne, %convert_element_type3A_285, %cond3A_286 : i32
      scf.if %cond3A_287 {
        %sub3A_299 = arith.constant 3 : i32
        %sub3A_300 = arith.subi %add3A_280, %sub3A_299 : i32
        %ge3A_301 = arith.constant 0 : i32
        %ge3A_302 = arith.cmpi sge, %sub3A_300, %ge3A_301 : i32
        %convert_element_type3A_303 = arith.extui %ge3A_302 : i1 to i32
        %cond3A_304 = arith.constant 0 : i32
        %cond3A_305 = arith.cmpi ne, %convert_element_type3A_303, %cond3A_304 : i32
        scf.if %cond3A_305 {
          %mul3A_309 = arith.constant 32 : i32
          %mul3A_310 = arith.muli %sub3A_300, %mul3A_309 : i32
          %add3A_311 = arith.addi %add3A, %mul3A_310 : i32
          %jit3A_312 = arith.constant 224 : i32
          %div3A_313 = arith.divsi %add3A_311, %jit3A_312 : i32
          %sign3A_314 = arith.constant 0 : i32
          %sign3A_315 = arith.cmpi sgt, %add3A_311, %sign3A_314 : i32
          %sign3A_316 = arith.extui %sign3A_315 : i1 to i32
          %sign3A_317 = arith.constant 0 : i32
          %sign3A_318 = arith.cmpi slt, %add3A_311, %sign3A_317 : i32
          %sign3A_319 = arith.extui %sign3A_318 : i1 to i32
          %sign3A_320 = arith.subi %sign3A_316, %sign3A_319 : i32
          %sign3A_321 = arith.constant 0 : i32
          %sign3A_322 = arith.cmpi sgt, %jit3A_312, %sign3A_321 : i32
          %sign3A_323 = arith.extui %sign3A_322 : i1 to i32
          %sign3A_324 = arith.constant 0 : i32
          %sign3A_325 = arith.cmpi slt, %jit3A_312, %sign3A_324 : i32
          %sign3A_326 = arith.extui %sign3A_325 : i1 to i32
          %sign3A_327 = arith.subi %sign3A_323, %sign3A_326 : i32
          %ne3A_328 = arith.cmpi ne, %sign3A_320, %sign3A_327 : i32
          %rem3A_329 = arith.remsi %add3A_311, %jit3A_312 : i32
          %ne3A_330 = arith.constant 0 : i32
          %ne3A_331 = arith.cmpi ne, %rem3A_329, %ne3A_330 : i32
          %and3A_332 = arith.andi %ne3A_328, %ne3A_331 : i1
          %sub3A_333 = arith.constant 1 : i32
          %sub3A_334 = arith.subi %div3A_313, %sub3A_333 : i32
          %select_n3A_335 = arith.select %and3A_332, %sub3A_334, %div3A_313 : i32
          %jit3A_336 = arith.constant 224 : i32
          %eq3A_337 = arith.constant 0 : i32
          %eq3A_338 = arith.cmpi eq, %jit3A_336, %eq3A_337 : i32
          %jit3A_339 = arith.constant 1 : i32
          %select_n3A_340 = arith.select %eq3A_338, %jit3A_339, %jit3A_336 : i32
          %rem3A_341 = arith.remsi %add3A_311, %select_n3A_340 : i32
          %ne3A_342 = arith.constant 0 : i32
          %ne3A_343 = arith.cmpi ne, %rem3A_341, %ne3A_342 : i32
          %lt3A_344 = arith.constant 0 : i32
          %lt3A_345 = arith.cmpi slt, %rem3A_341, %lt3A_344 : i32
          %lt3A_346 = arith.constant 0 : i32
          %lt3A_347 = arith.cmpi slt, %select_n3A_340, %lt3A_346 : i32
          %ne3A_348 = arith.xori %lt3A_345, %lt3A_347 : i1
          %and3A_349 = arith.andi %ne3A_348, %ne3A_343 : i1
          %add3A_350 = arith.addi %rem3A_341, %select_n3A_340 : i32
          %select_n3A_351 = arith.select %and3A_349, %add3A_350, %rem3A_341 : i32
          %mul3A_352 = arith.constant 448 : i32
          %mul3A_353 = arith.muli %select_n3A_351, %mul3A_352 : i32
          %min3A_354 = arith.constant 99552 : i32
          %min3A_355 = arith.minsi %mul3A_353, %min3A_354 : i32
          %multiple_of3A_356 = tpu.assume_multiple %min3A_355, 8 : i32
          %dma_wait3A_357 = arith.constant 0 : i32
          %dma_wait3A_358 = tpu.memref_slice %arg4[%select_n3A_335, %dma_wait3A_357, %multiple_of3A_356] : memref<27x16x100000xf32, #tpu.memory_space<hbm>> -> memref<1x16x448xf32, #tpu.memory_space<hbm>>
          %dma_wait3A_359 = tpu.memref_squeeze %dma_wait3A_358 : memref<1x16x448xf32, #tpu.memory_space<hbm>> -> memref<16x448xf32, #tpu.memory_space<hbm>>
          %dma_wait3A_360 = arith.constant 0 : i32
          %dma_wait3A_361 = tpu.memref_slice %arg4[%select_n3A_335, %dma_wait3A_360, %multiple_of3A_356] : memref<27x16x100000xf32, #tpu.memory_space<hbm>> -> memref<1x16x448xf32, #tpu.memory_space<hbm>>
          %dma_wait3A_362 = tpu.memref_squeeze %dma_wait3A_361 : memref<1x16x448xf32, #tpu.memory_space<hbm>> -> memref<16x448xf32, #tpu.memory_space<hbm>>
          tpu.wait_dma2 semaphore(%arg14 : memref<!tpu.dma_semaphore, #tpu.memory_space<semaphore_mem>>) src(%arg9 : memref<16x448xf32, #tpu.memory_space<vmem>>) dst(%dma_wait3A_362 : memref<16x448xf32, #tpu.memory_space<hbm>>)
        } else {
        }
        %dma_wait3A_306 = arith.constant 0 : i32
        %dma_wait3A_307 = arith.constant 0 : i32
        %dma_wait3A_308 = tpu.memref_slice %arg11[%dma_wait3A_306, %dma_wait3A_307] : memref<100008x16xf32, #tpu.memory_space<vmem_shared>> -> memref<100008x16xf32, #tpu.memory_space<vmem_shared>>
        tpu.wait_indirect_dma semaphore(%arg12 : memref<!tpu.dma_semaphore, #tpu.memory_space<semaphore_mem>>) src(%dma_wait3A_308 : memref<100008x16xf32, #tpu.memory_space<vmem_shared>>) dst(%arg7 : memref<448x16xf32, #tpu.memory_space<vmem>>)
      } else {
      }
      %lt3A_288 = arith.cmpi slt, %add3A_280, %select_n3A : i32
      %convert_element_type3A_289 = arith.extui %lt3A_288 : i1 to i32
      %cond3A_290 = arith.constant 0 : i32
      %cond3A_291 = arith.cmpi ne, %convert_element_type3A_289, %cond3A_290 : i32
      scf.if %cond3A_291 {
        %mul3A_299 = arith.constant 32 : i32
        %mul3A_300 = arith.muli %add3A_280, %mul3A_299 : i32
        %add3A_301 = arith.addi %add3A, %mul3A_300 : i32
        %jit3A_302 = arith.constant 224 : i32
        %div3A_303 = arith.divsi %add3A_301, %jit3A_302 : i32
        %sign3A_304 = arith.constant 0 : i32
        %sign3A_305 = arith.cmpi sgt, %add3A_301, %sign3A_304 : i32
        %sign3A_306 = arith.extui %sign3A_305 : i1 to i32
        %sign3A_307 = arith.constant 0 : i32
        %sign3A_308 = arith.cmpi slt, %add3A_301, %sign3A_307 : i32
        %sign3A_309 = arith.extui %sign3A_308 : i1 to i32
        %sign3A_310 = arith.subi %sign3A_306, %sign3A_309 : i32
        %sign3A_311 = arith.constant 0 : i32
        %sign3A_312 = arith.cmpi sgt, %jit3A_302, %sign3A_311 : i32
        %sign3A_313 = arith.extui %sign3A_312 : i1 to i32
        %sign3A_314 = arith.constant 0 : i32
        %sign3A_315 = arith.cmpi slt, %jit3A_302, %sign3A_314 : i32
        %sign3A_316 = arith.extui %sign3A_315 : i1 to i32
        %sign3A_317 = arith.subi %sign3A_313, %sign3A_316 : i32
        %ne3A_318 = arith.cmpi ne, %sign3A_310, %sign3A_317 : i32
        %rem3A_319 = arith.remsi %add3A_301, %jit3A_302 : i32
        %ne3A_320 = arith.constant 0 : i32
        %ne3A_321 = arith.cmpi ne, %rem3A_319, %ne3A_320 : i32
        %and3A_322 = arith.andi %ne3A_318, %ne3A_321 : i1
        %sub3A_323 = arith.constant 1 : i32
        %sub3A_324 = arith.subi %div3A_303, %sub3A_323 : i32
        %select_n3A_325 = arith.select %and3A_322, %sub3A_324, %div3A_303 : i32
        %jit3A_326 = arith.constant 224 : i32
        %eq3A_327 = arith.constant 0 : i32
        %eq3A_328 = arith.cmpi eq, %jit3A_326, %eq3A_327 : i32
        %jit3A_329 = arith.constant 1 : i32
        %select_n3A_330 = arith.select %eq3A_328, %jit3A_329, %jit3A_326 : i32
        %rem3A_331 = arith.remsi %add3A_301, %select_n3A_330 : i32
        %ne3A_332 = arith.constant 0 : i32
        %ne3A_333 = arith.cmpi ne, %rem3A_331, %ne3A_332 : i32
        %lt3A_334 = arith.constant 0 : i32
        %lt3A_335 = arith.cmpi slt, %rem3A_331, %lt3A_334 : i32
        %lt3A_336 = arith.constant 0 : i32
        %lt3A_337 = arith.cmpi slt, %select_n3A_330, %lt3A_336 : i32
        %ne3A_338 = arith.xori %lt3A_335, %lt3A_337 : i1
        %and3A_339 = arith.andi %ne3A_338, %ne3A_333 : i1
        %add3A_340 = arith.addi %rem3A_331, %select_n3A_330 : i32
        %select_n3A_341 = arith.select %and3A_339, %add3A_340, %rem3A_331 : i32
        %mul3A_342 = arith.constant 448 : i32
        %mul3A_343 = arith.muli %select_n3A_341, %mul3A_342 : i32
        %min3A_344 = arith.constant 99552 : i32
        %min3A_345 = arith.minsi %mul3A_343, %min3A_344 : i32
        %multiple_of3A_346 = tpu.assume_multiple %min3A_345, 8 : i32
        %dma_wait3A_347 = tpu.memref_slice %arg3[%select_n3A_325, %multiple_of3A_346] : memref<27x100000xi32, #tpu.memory_space<hbm>> -> memref<1x448xi32, #tpu.memory_space<hbm>>
        %dma_wait3A_348 = tpu.memref_squeeze %dma_wait3A_347 : memref<1x448xi32, #tpu.memory_space<hbm>> -> memref<448xi32, #tpu.memory_space<hbm>>
        %dma_wait3A_349 = tpu.memref_slice %arg3[%select_n3A_325, %multiple_of3A_346] : memref<27x100000xi32, #tpu.memory_space<hbm>> -> memref<1x448xi32, #tpu.memory_space<hbm>>
        %dma_wait3A_350 = tpu.memref_squeeze %dma_wait3A_349 : memref<1x448xi32, #tpu.memory_space<hbm>> -> memref<448xi32, #tpu.memory_space<hbm>>
        tpu.wait_dma2 semaphore(%arg17 : memref<!tpu.dma_semaphore, #tpu.memory_space<semaphore_mem>>) src(%dma_wait3A_350 : memref<448xi32, #tpu.memory_space<hbm>>) dst(%arg6 : memref<448xi32, #tpu.memory_space<vmem>>)
        %scan3A = arith.constant 0 : i32
        %scan3A_351 = arith.constant 0 : i32
        %scan3A_352 = arith.constant 24 : i32
        %scan3A_353 = arith.addi %scan3A_351, %scan3A_352 : i32
        %scan3A_354 = arith.constant 8 : i32
        scf.for %scan3A_418 = %scan3A_351 to %scan3A_353 step %scan3A_354  : i32 {
          %mul3A_419 = arith.constant 16 : i32
          %mul3A_420 = arith.muli %scan3A_418, %mul3A_419 : i32
          %get3A_421 = arith.index_cast %mul3A_420 : i32 to index
          %get3A_422 = tpu.vector_load %arg6[%get3A_421] {strides = array<i32>} : memref<448xi32, #tpu.memory_space<vmem>>, vector<16xi32>,
          %lt3A_423 = arith.constant 0 : i32
          %lt3A_424 = vector.broadcast %lt3A_423 : i32 to vector<16xi32>
          %lt3A_425 = arith.cmpi slt, %get3A_422, %lt3A_424 : vector<16xi32>
          %jit3A_426 = arith.constant 100000 : i32
          %broadcast_in_dim3A_427 = vector.broadcast %jit3A_426 : i32 to vector<16xi32>
          %select_n3A_428 = arith.select %lt3A_425, %broadcast_in_dim3A_427, %get3A_422 : vector<16xi1>, vector<16xi32>
          %swap3A_429 = arith.index_cast %mul3A_420 : i32 to index
          %swap3A_430 = tpu.vector_load %arg6[%swap3A_429] {strides = array<i32>} : memref<448xi32, #tpu.memory_space<vmem>>, vector<16xi32>,
          tpu.vector_store %arg6[%swap3A_429], %select_n3A_428 {strides = array<i32>} : memref<448xi32, #tpu.memory_space<vmem>>, vector<16xi32>,
          %scan3A_431 = arith.constant 1 : i32
          %scan3A_432 = arith.addi %scan3A_418, %scan3A_431 : i32
          %mul3A_433 = arith.constant 16 : i32
          %mul3A_434 = arith.muli %scan3A_432, %mul3A_433 : i32
          %get3A_435 = arith.index_cast %mul3A_434 : i32 to index
          %get3A_436 = tpu.vector_load %arg6[%get3A_435] {strides = array<i32>} : memref<448xi32, #tpu.memory_space<vmem>>, vector<16xi32>,
          %lt3A_437 = arith.constant 0 : i32
          %lt3A_438 = vector.broadcast %lt3A_437 : i32 to vector<16xi32>
          %lt3A_439 = arith.cmpi slt, %get3A_436, %lt3A_438 : vector<16xi32>
          %jit3A_440 = arith.constant 100000 : i32
          %broadcast_in_dim3A_441 = vector.broadcast %jit3A_440 : i32 to vector<16xi32>
          %select_n3A_442 = arith.select %lt3A_439, %broadcast_in_dim3A_441, %get3A_436 : vector<16xi1>, vector<16xi32>
          %swap3A_443 = arith.index_cast %mul3A_434 : i32 to index
          %swap3A_444 = tpu.vector_load %arg6[%swap3A_443] {strides = array<i32>} : memref<448xi32, #tpu.memory_space<vmem>>, vector<16xi32>,
          tpu.vector_store %arg6[%swap3A_443], %select_n3A_442 {strides = array<i32>} : memref<448xi32, #tpu.memory_space<vmem>>, vector<16xi32>,
          %scan3A_445 = arith.constant 2 : i32
          %scan3A_446 = arith.addi %scan3A_418, %scan3A_445 : i32
          %mul3A_447 = arith.constant 16 : i32
          %mul3A_448 = arith.muli %scan3A_446, %mul3A_447 : i32
          %get3A_449 = arith.index_cast %mul3A_448 : i32 to index
          %get3A_450 = tpu.vector_load %arg6[%get3A_449] {strides = array<i32>} : memref<448xi32, #tpu.memory_space<vmem>>, vector<16xi32>,
          %lt3A_451 = arith.constant 0 : i32
          %lt3A_452 = vector.broadcast %lt3A_451 : i32 to vector<16xi32>
          %lt3A_453 = arith.cmpi slt, %get3A_450, %lt3A_452 : vector<16xi32>
          %jit3A_454 = arith.constant 100000 : i32
          %broadcast_in_dim3A_455 = vector.broadcast %jit3A_454 : i32 to vector<16xi32>
          %select_n3A_456 = arith.select %lt3A_453, %broadcast_in_dim3A_455, %get3A_450 : vector<16xi1>, vector<16xi32>
          %swap3A_457 = arith.index_cast %mul3A_448 : i32 to index
          %swap3A_458 = tpu.vector_load %arg6[%swap3A_457] {strides = array<i32>} : memref<448xi32, #tpu.memory_space<vmem>>, vector<16xi32>,
          tpu.vector_store %arg6[%swap3A_457], %select_n3A_456 {strides = array<i32>} : memref<448xi32, #tpu.memory_space<vmem>>, vector<16xi32>,
          %scan3A_459 = arith.constant 3 : i32
          %scan3A_460 = arith.addi %scan3A_418, %scan3A_459 : i32
          %mul3A_461 = arith.constant 16 : i32
          %mul3A_462 = arith.muli %scan3A_460, %mul3A_461 : i32
          %get3A_463 = arith.index_cast %mul3A_462 : i32 to index
          %get3A_464 = tpu.vector_load %arg6[%get3A_463] {strides = array<i32>} : memref<448xi32, #tpu.memory_space<vmem>>, vector<16xi32>,
          %lt3A_465 = arith.constant 0 : i32
          %lt3A_466 = vector.broadcast %lt3A_465 : i32 to vector<16xi32>
          %lt3A_467 = arith.cmpi slt, %get3A_464, %lt3A_466 : vector<16xi32>
          %jit3A_468 = arith.constant 100000 : i32
          %broadcast_in_dim3A_469 = vector.broadcast %jit3A_468 : i32 to vector<16xi32>
          %select_n3A_470 = arith.select %lt3A_467, %broadcast_in_dim3A_469, %get3A_464 : vector<16xi1>, vector<16xi32>
          %swap3A_471 = arith.index_cast %mul3A_462 : i32 to index
          %swap3A_472 = tpu.vector_load %arg6[%swap3A_471] {strides = array<i32>} : memref<448xi32, #tpu.memory_space<vmem>>, vector<16xi32>,
          tpu.vector_store %arg6[%swap3A_471], %select_n3A_470 {strides = array<i32>} : memref<448xi32, #tpu.memory_space<vmem>>, vector<16xi32>,
          %scan3A_473 = arith.constant 4 : i32
          %scan3A_474 = arith.addi %scan3A_418, %scan3A_473 : i32
          %mul3A_475 = arith.constant 16 : i32
          %mul3A_476 = arith.muli %scan3A_474, %mul3A_475 : i32
          %get3A_477 = arith.index_cast %mul3A_476 : i32 to index
          %get3A_478 = tpu.vector_load %arg6[%get3A_477] {strides = array<i32>} : memref<448xi32, #tpu.memory_space<vmem>>, vector<16xi32>,
          %lt3A_479 = arith.constant 0 : i32
          %lt3A_480 = vector.broadcast %lt3A_479 : i32 to vector<16xi32>
          %lt3A_481 = arith.cmpi slt, %get3A_478, %lt3A_480 : vector<16xi32>
          %jit3A_482 = arith.constant 100000 : i32
          %broadcast_in_dim3A_483 = vector.broadcast %jit3A_482 : i32 to vector<16xi32>
          %select_n3A_484 = arith.select %lt3A_481, %broadcast_in_dim3A_483, %get3A_478 : vector<16xi1>, vector<16xi32>
          %swap3A_485 = arith.index_cast %mul3A_476 : i32 to index
          %swap3A_486 = tpu.vector_load %arg6[%swap3A_485] {strides = array<i32>} : memref<448xi32, #tpu.memory_space<vmem>>, vector<16xi32>,
          tpu.vector_store %arg6[%swap3A_485], %select_n3A_484 {strides = array<i32>} : memref<448xi32, #tpu.memory_space<vmem>>, vector<16xi32>,
          %scan3A_487 = arith.constant 5 : i32
          %scan3A_488 = arith.addi %scan3A_418, %scan3A_487 : i32
          %mul3A_489 = arith.constant 16 : i32
          %mul3A_490 = arith.muli %scan3A_488, %mul3A_489 : i32
          %get3A_491 = arith.index_cast %mul3A_490 : i32 to index
          %get3A_492 = tpu.vector_load %arg6[%get3A_491] {strides = array<i32>} : memref<448xi32, #tpu.memory_space<vmem>>, vector<16xi32>,
          %lt3A_493 = arith.constant 0 : i32
          %lt3A_494 = vector.broadcast %lt3A_493 : i32 to vector<16xi32>
          %lt3A_495 = arith.cmpi slt, %get3A_492, %lt3A_494 : vector<16xi32>
          %jit3A_496 = arith.constant 100000 : i32
          %broadcast_in_dim3A_497 = vector.broadcast %jit3A_496 : i32 to vector<16xi32>
          %select_n3A_498 = arith.select %lt3A_495, %broadcast_in_dim3A_497, %get3A_492 : vector<16xi1>, vector<16xi32>
          %swap3A_499 = arith.index_cast %mul3A_490 : i32 to index
          %swap3A_500 = tpu.vector_load %arg6[%swap3A_499] {strides = array<i32>} : memref<448xi32, #tpu.memory_space<vmem>>, vector<16xi32>,
          tpu.vector_store %arg6[%swap3A_499], %select_n3A_498 {strides = array<i32>} : memref<448xi32, #tpu.memory_space<vmem>>, vector<16xi32>,
          %scan3A_501 = arith.constant 6 : i32
          %scan3A_502 = arith.addi %scan3A_418, %scan3A_501 : i32
          %mul3A_503 = arith.constant 16 : i32
          %mul3A_504 = arith.muli %scan3A_502, %mul3A_503 : i32
          %get3A_505 = arith.index_cast %mul3A_504 : i32 to index
          %get3A_506 = tpu.vector_load %arg6[%get3A_505] {strides = array<i32>} : memref<448xi32, #tpu.memory_space<vmem>>, vector<16xi32>,
          %lt3A_507 = arith.constant 0 : i32
          %lt3A_508 = vector.broadcast %lt3A_507 : i32 to vector<16xi32>
          %lt3A_509 = arith.cmpi slt, %get3A_506, %lt3A_508 : vector<16xi32>
          %jit3A_510 = arith.constant 100000 : i32
          %broadcast_in_dim3A_511 = vector.broadcast %jit3A_510 : i32 to vector<16xi32>
          %select_n3A_512 = arith.select %lt3A_509, %broadcast_in_dim3A_511, %get3A_506 : vector<16xi1>, vector<16xi32>
          %swap3A_513 = arith.index_cast %mul3A_504 : i32 to index
          %swap3A_514 = tpu.vector_load %arg6[%swap3A_513] {strides = array<i32>} : memref<448xi32, #tpu.memory_space<vmem>>, vector<16xi32>,
          tpu.vector_store %arg6[%swap3A_513], %select_n3A_512 {strides = array<i32>} : memref<448xi32, #tpu.memory_space<vmem>>, vector<16xi32>,
          %scan3A_515 = arith.constant 7 : i32
          %scan3A_516 = arith.addi %scan3A_418, %scan3A_515 : i32
          %mul3A_517 = arith.constant 16 : i32
          %mul3A_518 = arith.muli %scan3A_516, %mul3A_517 : i32
          %get3A_519 = arith.index_cast %mul3A_518 : i32 to index
          %get3A_520 = tpu.vector_load %arg6[%get3A_519] {strides = array<i32>} : memref<448xi32, #tpu.memory_space<vmem>>, vector<16xi32>,
          %lt3A_521 = arith.constant 0 : i32
          %lt3A_522 = vector.broadcast %lt3A_521 : i32 to vector<16xi32>
          %lt3A_523 = arith.cmpi slt, %get3A_520, %lt3A_522 : vector<16xi32>
          %jit3A_524 = arith.constant 100000 : i32
          %broadcast_in_dim3A_525 = vector.broadcast %jit3A_524 : i32 to vector<16xi32>
          %select_n3A_526 = arith.select %lt3A_523, %broadcast_in_dim3A_525, %get3A_520 : vector<16xi1>, vector<16xi32>
          %swap3A_527 = arith.index_cast %mul3A_518 : i32 to index
          %swap3A_528 = tpu.vector_load %arg6[%swap3A_527] {strides = array<i32>} : memref<448xi32, #tpu.memory_space<vmem>>, vector<16xi32>,
          tpu.vector_store %arg6[%swap3A_527], %select_n3A_526 {strides = array<i32>} : memref<448xi32, #tpu.memory_space<vmem>>, vector<16xi32>,
        }
        %scan3A_355 = arith.constant 24 : i32
        %scan3A_356 = arith.addi %scan3A_351, %scan3A_355 : i32
        %mul3A_357 = arith.constant 16 : i32
        %mul3A_358 = arith.muli %scan3A_356, %mul3A_357 : i32
        %get3A = arith.index_cast %mul3A_358 : i32 to index
        %get3A_359 = tpu.vector_load %arg6[%get3A] {strides = array<i32>} : memref<448xi32, #tpu.memory_space<vmem>>, vector<16xi32>,
        %lt3A_360 = arith.constant 0 : i32
        %lt3A_361 = vector.broadcast %lt3A_360 : i32 to vector<16xi32>
        %lt3A_362 = arith.cmpi slt, %get3A_359, %lt3A_361 : vector<16xi32>
        %jit3A_363 = arith.constant 100000 : i32
        %broadcast_in_dim3A = vector.broadcast %jit3A_363 : i32 to vector<16xi32>
        %select_n3A_364 = arith.select %lt3A_362, %broadcast_in_dim3A, %get3A_359 : vector<16xi1>, vector<16xi32>
        %swap3A = arith.index_cast %mul3A_358 : i32 to index
        %swap3A_365 = tpu.vector_load %arg6[%swap3A] {strides = array<i32>} : memref<448xi32, #tpu.memory_space<vmem>>, vector<16xi32>,
        tpu.vector_store %arg6[%swap3A], %select_n3A_364 {strides = array<i32>} : memref<448xi32, #tpu.memory_space<vmem>>, vector<16xi32>,
        %scan3A_366 = arith.constant 25 : i32
        %scan3A_367 = arith.addi %scan3A_351, %scan3A_366 : i32
        %mul3A_368 = arith.constant 16 : i32
        %mul3A_369 = arith.muli %scan3A_367, %mul3A_368 : i32
        %get3A_370 = arith.index_cast %mul3A_369 : i32 to index
        %get3A_371 = tpu.vector_load %arg6[%get3A_370] {strides = array<i32>} : memref<448xi32, #tpu.memory_space<vmem>>, vector<16xi32>,
        %lt3A_372 = arith.constant 0 : i32
        %lt3A_373 = vector.broadcast %lt3A_372 : i32 to vector<16xi32>
        %lt3A_374 = arith.cmpi slt, %get3A_371, %lt3A_373 : vector<16xi32>
        %jit3A_375 = arith.constant 100000 : i32
        %broadcast_in_dim3A_376 = vector.broadcast %jit3A_375 : i32 to vector<16xi32>
        %select_n3A_377 = arith.select %lt3A_374, %broadcast_in_dim3A_376, %get3A_371 : vector<16xi1>, vector<16xi32>
        %swap3A_378 = arith.index_cast %mul3A_369 : i32 to index
        %swap3A_379 = tpu.vector_load %arg6[%swap3A_378] {strides = array<i32>} : memref<448xi32, #tpu.memory_space<vmem>>, vector<16xi32>,
        tpu.vector_store %arg6[%swap3A_378], %select_n3A_377 {strides = array<i32>} : memref<448xi32, #tpu.memory_space<vmem>>, vector<16xi32>,
        %scan3A_380 = arith.constant 26 : i32
        %scan3A_381 = arith.addi %scan3A_351, %scan3A_380 : i32
        %mul3A_382 = arith.constant 16 : i32
        %mul3A_383 = arith.muli %scan3A_381, %mul3A_382 : i32
        %get3A_384 = arith.index_cast %mul3A_383 : i32 to index
        %get3A_385 = tpu.vector_load %arg6[%get3A_384] {strides = array<i32>} : memref<448xi32, #tpu.memory_space<vmem>>, vector<16xi32>,
        %lt3A_386 = arith.constant 0 : i32
        %lt3A_387 = vector.broadcast %lt3A_386 : i32 to vector<16xi32>
        %lt3A_388 = arith.cmpi slt, %get3A_385, %lt3A_387 : vector<16xi32>
        %jit3A_389 = arith.constant 100000 : i32
        %broadcast_in_dim3A_390 = vector.broadcast %jit3A_389 : i32 to vector<16xi32>
        %select_n3A_391 = arith.select %lt3A_388, %broadcast_in_dim3A_390, %get3A_385 : vector<16xi1>, vector<16xi32>
        %swap3A_392 = arith.index_cast %mul3A_383 : i32 to index
        %swap3A_393 = tpu.vector_load %arg6[%swap3A_392] {strides = array<i32>} : memref<448xi32, #tpu.memory_space<vmem>>, vector<16xi32>,
        tpu.vector_store %arg6[%swap3A_392], %select_n3A_391 {strides = array<i32>} : memref<448xi32, #tpu.memory_space<vmem>>, vector<16xi32>,
        %scan3A_394 = arith.constant 27 : i32
        %scan3A_395 = arith.addi %scan3A_351, %scan3A_394 : i32
        %mul3A_396 = arith.constant 16 : i32
        %mul3A_397 = arith.muli %scan3A_395, %mul3A_396 : i32
        %get3A_398 = arith.index_cast %mul3A_397 : i32 to index
        %get3A_399 = tpu.vector_load %arg6[%get3A_398] {strides = array<i32>} : memref<448xi32, #tpu.memory_space<vmem>>, vector<16xi32>,
        %lt3A_400 = arith.constant 0 : i32
        %lt3A_401 = vector.broadcast %lt3A_400 : i32 to vector<16xi32>
        %lt3A_402 = arith.cmpi slt, %get3A_399, %lt3A_401 : vector<16xi32>
        %jit3A_403 = arith.constant 100000 : i32
        %broadcast_in_dim3A_404 = vector.broadcast %jit3A_403 : i32 to vector<16xi32>
        %select_n3A_405 = arith.select %lt3A_402, %broadcast_in_dim3A_404, %get3A_399 : vector<16xi1>, vector<16xi32>
        %swap3A_406 = arith.index_cast %mul3A_397 : i32 to index
        %swap3A_407 = tpu.vector_load %arg6[%swap3A_406] {strides = array<i32>} : memref<448xi32, #tpu.memory_space<vmem>>, vector<16xi32>,
        tpu.vector_store %arg6[%swap3A_406], %select_n3A_405 {strides = array<i32>} : memref<448xi32, #tpu.memory_space<vmem>>, vector<16xi32>,
        %scan3A_408 = arith.constant 28 : i32
        %dma_start3A_409 = arith.constant 0 : i32
        %dma_start3A_410 = arith.constant 0 : i32
        %dma_start3A_411 = tpu.memref_slice %arg11[%dma_start3A_409, %dma_start3A_410] : memref<100008x16xf32, #tpu.memory_space<vmem_shared>> -> memref<100008x16xf32, #tpu.memory_space<vmem_shared>>
        tpu.enqueue_indirect_dma source(%dma_start3A_411 : memref<100008x16xf32, #tpu.memory_space<vmem_shared>>) target(%arg8 : memref<448x16xf32, #tpu.memory_space<vmem>>) offsets(%arg6 : memref<448xi32, #tpu.memory_space<vmem>>) semaphore(%arg13 : memref<!tpu.dma_semaphore, #tpu.memory_space<semaphore_mem>>)
        %add3A_412 = arith.constant 1 : i32
        %add3A_413 = arith.addi %add3A_280, %add3A_412 : i32
        %lt3A_414 = arith.cmpi slt, %add3A_413, %select_n3A : i32
        %convert_element_type3A_415 = arith.extui %lt3A_414 : i1 to i32
        %cond3A_416 = arith.constant 0 : i32
        %cond3A_417 = arith.cmpi ne, %convert_element_type3A_415, %cond3A_416 : i32
        scf.if %cond3A_417 {
          %add3A_418 = arith.constant 1 : i32
          %add3A_419 = arith.addi %add3A_280, %add3A_418 : i32
          %mul3A_420 = arith.constant 32 : i32
          %mul3A_421 = arith.muli %add3A_419, %mul3A_420 : i32
          %add3A_422 = arith.addi %add3A, %mul3A_421 : i32
          %jit3A_423 = arith.constant 224 : i32
          %div3A_424 = arith.divsi %add3A_422, %jit3A_423 : i32
          %sign3A_425 = arith.constant 0 : i32
          %sign3A_426 = arith.cmpi sgt, %add3A_422, %sign3A_425 : i32
          %sign3A_427 = arith.extui %sign3A_426 : i1 to i32
          %sign3A_428 = arith.constant 0 : i32
          %sign3A_429 = arith.cmpi slt, %add3A_422, %sign3A_428 : i32
          %sign3A_430 = arith.extui %sign3A_429 : i1 to i32
          %sign3A_431 = arith.subi %sign3A_427, %sign3A_430 : i32
          %sign3A_432 = arith.constant 0 : i32
          %sign3A_433 = arith.cmpi sgt, %jit3A_423, %sign3A_432 : i32
          %sign3A_434 = arith.extui %sign3A_433 : i1 to i32
          %sign3A_435 = arith.constant 0 : i32
          %sign3A_436 = arith.cmpi slt, %jit3A_423, %sign3A_435 : i32
          %sign3A_437 = arith.extui %sign3A_436 : i1 to i32
          %sign3A_438 = arith.subi %sign3A_434, %sign3A_437 : i32
          %ne3A_439 = arith.cmpi ne, %sign3A_431, %sign3A_438 : i32
          %rem3A_440 = arith.remsi %add3A_422, %jit3A_423 : i32
          %ne3A_441 = arith.constant 0 : i32
          %ne3A_442 = arith.cmpi ne, %rem3A_440, %ne3A_441 : i32
          %and3A_443 = arith.andi %ne3A_439, %ne3A_442 : i1
          %sub3A_444 = arith.constant 1 : i32
          %sub3A_445 = arith.subi %div3A_424, %sub3A_444 : i32
          %select_n3A_446 = arith.select %and3A_443, %sub3A_445, %div3A_424 : i32
          %jit3A_447 = arith.constant 224 : i32
          %eq3A_448 = arith.constant 0 : i32
          %eq3A_449 = arith.cmpi eq, %jit3A_447, %eq3A_448 : i32
          %jit3A_450 = arith.constant 1 : i32
          %select_n3A_451 = arith.select %eq3A_449, %jit3A_450, %jit3A_447 : i32
          %rem3A_452 = arith.remsi %add3A_422, %select_n3A_451 : i32
          %ne3A_453 = arith.constant 0 : i32
          %ne3A_454 = arith.cmpi ne, %rem3A_452, %ne3A_453 : i32
          %lt3A_455 = arith.constant 0 : i32
          %lt3A_456 = arith.cmpi slt, %rem3A_452, %lt3A_455 : i32
          %lt3A_457 = arith.constant 0 : i32
          %lt3A_458 = arith.cmpi slt, %select_n3A_451, %lt3A_457 : i32
          %ne3A_459 = arith.xori %lt3A_456, %lt3A_458 : i1
          %and3A_460 = arith.andi %ne3A_459, %ne3A_454 : i1
          %add3A_461 = arith.addi %rem3A_452, %select_n3A_451 : i32
          %select_n3A_462 = arith.select %and3A_460, %add3A_461, %rem3A_452 : i32
          %mul3A_463 = arith.constant 448 : i32
          %mul3A_464 = arith.muli %select_n3A_462, %mul3A_463 : i32
          %min3A_465 = arith.constant 99552 : i32
          %min3A_466 = arith.minsi %mul3A_464, %min3A_465 : i32
          %multiple_of3A_467 = tpu.assume_multiple %min3A_466, 8 : i32
          %dma_start3A_468 = tpu.memref_slice %arg3[%select_n3A_446, %multiple_of3A_467] : memref<27x100000xi32, #tpu.memory_space<hbm>> -> memref<1x448xi32, #tpu.memory_space<hbm>>
          %dma_start3A_469 = tpu.memref_squeeze %dma_start3A_468 : memref<1x448xi32, #tpu.memory_space<hbm>> -> memref<448xi32, #tpu.memory_space<hbm>>
          %dma_start3A_470 = tpu.memref_slice %arg3[%select_n3A_446, %multiple_of3A_467] : memref<27x100000xi32, #tpu.memory_space<hbm>> -> memref<1x448xi32, #tpu.memory_space<hbm>>
          %dma_start3A_471 = tpu.memref_squeeze %dma_start3A_470 : memref<1x448xi32, #tpu.memory_space<hbm>> -> memref<448xi32, #tpu.memory_space<hbm>>
          tpu.enqueue_dma source(%dma_start3A_471 : memref<448xi32, #tpu.memory_space<hbm>>) target(%arg5 : memref<448xi32, #tpu.memory_space<vmem>>) target_semaphore(%arg16 : memref<!tpu.dma_semaphore, #tpu.memory_space<semaphore_mem>>)
        } else {
        }
      } else {
      }
      %ge3A_292 = arith.constant 1 : i32
      %ge3A_293 = arith.cmpi sge, %add3A_280, %ge3A_292 : i32
      %le3A_294 = arith.cmpi sle, %add3A_280, %select_n3A : i32
      %and3A_295 = arith.andi %ge3A_293, %le3A_294 : i1
      %convert_element_type3A_296 = arith.extui %and3A_295 : i1 to i32
      %cond3A_297 = arith.constant 0 : i32
      %cond3A_298 = arith.cmpi ne, %convert_element_type3A_296, %cond3A_297 : i32
      scf.if %cond3A_298 {
        %sub3A_299 = arith.constant 1 : i32
        %sub3A_300 = arith.subi %add3A_280, %sub3A_299 : i32
        %parallel_loop3A = arith.constant 0 : i32
        %parallel_loop3A_301 = arith.constant 28 : i32
        %parallel_loop3A_302 = arith.constant 1 : i32
        scf.for %parallel_loop3A_357 = %parallel_loop3A to %parallel_loop3A_301 step %parallel_loop3A_302  : i32 {
          %parallel_loop3A_358 = arith.constant 16 : i32
          %parallel_loop3A_359 = arith.muli %parallel_loop3A_357, %parallel_loop3A_358 : i32
          %parallel_loop3A_360 = vector.broadcast %parallel_loop3A_359 : i32 to vector<16xi32>
          %parallel_loop3A_361 = arith.addi %parallel_loop3A_360, %iota3A : vector<16xi32>
          %parallel_loop3A_362 = arith.constant 0 : i32
          %parallel_loop3A_363 = vector.broadcast %parallel_loop3A_362 : i32 to vector<16xi32>
          %parallel_loop3A_364 = tpu.vector_load_idx %arg7[%parallel_loop3A_361, %parallel_loop3A_363] : memref<448x16xf32, #tpu.memory_space<vmem>>[vector<16xi32>, vector<16xi32>], vector<16xf32>,
          %parallel_loop3A_365 = arith.constant 0 : i32
          %parallel_loop3A_366 = arith.index_cast %parallel_loop3A_365 : i32 to index
          %parallel_loop3A_367 = arith.index_cast %parallel_loop3A_359 : i32 to index
          %parallel_loop3A_368 = tpu.vector_load %arg9[%parallel_loop3A_366, %parallel_loop3A_367] {strides = array<i32>} : memref<16x448xf32, #tpu.memory_space<vmem>>, vector<16xf32>,
          tpu.vector_store %arg9[%parallel_loop3A_366, %parallel_loop3A_367], %parallel_loop3A_364 {strides = array<i32>} : memref<16x448xf32, #tpu.memory_space<vmem>>, vector<16xf32>,
          %parallel_loop3A_369 = arith.constant 1 : i32
          %parallel_loop3A_370 = vector.broadcast %parallel_loop3A_369 : i32 to vector<16xi32>
          %parallel_loop3A_371 = tpu.vector_load_idx %arg7[%parallel_loop3A_361, %parallel_loop3A_370] : memref<448x16xf32, #tpu.memory_space<vmem>>[vector<16xi32>, vector<16xi32>], vector<16xf32>,
          %parallel_loop3A_372 = arith.constant 1 : i32
          %parallel_loop3A_373 = arith.index_cast %parallel_loop3A_372 : i32 to index
          %parallel_loop3A_374 = arith.index_cast %parallel_loop3A_359 : i32 to index
          %parallel_loop3A_375 = tpu.vector_load %arg9[%parallel_loop3A_373, %parallel_loop3A_374] {strides = array<i32>} : memref<16x448xf32, #tpu.memory_space<vmem>>, vector<16xf32>,
          tpu.vector_store %arg9[%parallel_loop3A_373, %parallel_loop3A_374], %parallel_loop3A_371 {strides = array<i32>} : memref<16x448xf32, #tpu.memory_space<vmem>>, vector<16xf32>,
          %parallel_loop3A_376 = arith.constant 2 : i32
          %parallel_loop3A_377 = vector.broadcast %parallel_loop3A_376 : i32 to vector<16xi32>
          %parallel_loop3A_378 = tpu.vector_load_idx %arg7[%parallel_loop3A_361, %parallel_loop3A_377] : memref<448x16xf32, #tpu.memory_space<vmem>>[vector<16xi32>, vector<16xi32>], vector<16xf32>,
          %parallel_loop3A_379 = arith.constant 2 : i32
          %parallel_loop3A_380 = arith.index_cast %parallel_loop3A_379 : i32 to index
          %parallel_loop3A_381 = arith.index_cast %parallel_loop3A_359 : i32 to index
          %parallel_loop3A_382 = tpu.vector_load %arg9[%parallel_loop3A_380, %parallel_loop3A_381] {strides = array<i32>} : memref<16x448xf32, #tpu.memory_space<vmem>>, vector<16xf32>,
          tpu.vector_store %arg9[%parallel_loop3A_380, %parallel_loop3A_381], %parallel_loop3A_378 {strides = array<i32>} : memref<16x448xf32, #tpu.memory_space<vmem>>, vector<16xf32>,
          %parallel_loop3A_383 = arith.constant 3 : i32
          %parallel_loop3A_384 = vector.broadcast %parallel_loop3A_383 : i32 to vector<16xi32>
          %parallel_loop3A_385 = tpu.vector_load_idx %arg7[%parallel_loop3A_361, %parallel_loop3A_384] : memref<448x16xf32, #tpu.memory_space<vmem>>[vector<16xi32>, vector<16xi32>], vector<16xf32>,
          %parallel_loop3A_386 = arith.constant 3 : i32
          %parallel_loop3A_387 = arith.index_cast %parallel_loop3A_386 : i32 to index
          %parallel_loop3A_388 = arith.index_cast %parallel_loop3A_359 : i32 to index
          %parallel_loop3A_389 = tpu.vector_load %arg9[%parallel_loop3A_387, %parallel_loop3A_388] {strides = array<i32>} : memref<16x448xf32, #tpu.memory_space<vmem>>, vector<16xf32>,
          tpu.vector_store %arg9[%parallel_loop3A_387, %parallel_loop3A_388], %parallel_loop3A_385 {strides = array<i32>} : memref<16x448xf32, #tpu.memory_space<vmem>>, vector<16xf32>,
          %parallel_loop3A_390 = arith.constant 4 : i32
          %parallel_loop3A_391 = vector.broadcast %parallel_loop3A_390 : i32 to vector<16xi32>
          %parallel_loop3A_392 = tpu.vector_load_idx %arg7[%parallel_loop3A_361, %parallel_loop3A_391] : memref<448x16xf32, #tpu.memory_space<vmem>>[vector<16xi32>, vector<16xi32>], vector<16xf32>,
          %parallel_loop3A_393 = arith.constant 4 : i32
          %parallel_loop3A_394 = arith.index_cast %parallel_loop3A_393 : i32 to index
          %parallel_loop3A_395 = arith.index_cast %parallel_loop3A_359 : i32 to index
          %parallel_loop3A_396 = tpu.vector_load %arg9[%parallel_loop3A_394, %parallel_loop3A_395] {strides = array<i32>} : memref<16x448xf32, #tpu.memory_space<vmem>>, vector<16xf32>,
          tpu.vector_store %arg9[%parallel_loop3A_394, %parallel_loop3A_395], %parallel_loop3A_392 {strides = array<i32>} : memref<16x448xf32, #tpu.memory_space<vmem>>, vector<16xf32>,
          %parallel_loop3A_397 = arith.constant 5 : i32
          %parallel_loop3A_398 = vector.broadcast %parallel_loop3A_397 : i32 to vector<16xi32>
          %parallel_loop3A_399 = tpu.vector_load_idx %arg7[%parallel_loop3A_361, %parallel_loop3A_398] : memref<448x16xf32, #tpu.memory_space<vmem>>[vector<16xi32>, vector<16xi32>], vector<16xf32>,
          %parallel_loop3A_400 = arith.constant 5 : i32
          %parallel_loop3A_401 = arith.index_cast %parallel_loop3A_400 : i32 to index
          %parallel_loop3A_402 = arith.index_cast %parallel_loop3A_359 : i32 to index
          %parallel_loop3A_403 = tpu.vector_load %arg9[%parallel_loop3A_401, %parallel_loop3A_402] {strides = array<i32>} : memref<16x448xf32, #tpu.memory_space<vmem>>, vector<16xf32>,
          tpu.vector_store %arg9[%parallel_loop3A_401, %parallel_loop3A_402], %parallel_loop3A_399 {strides = array<i32>} : memref<16x448xf32, #tpu.memory_space<vmem>>, vector<16xf32>,
          %parallel_loop3A_404 = arith.constant 6 : i32
          %parallel_loop3A_405 = vector.broadcast %parallel_loop3A_404 : i32 to vector<16xi32>
          %parallel_loop3A_406 = tpu.vector_load_idx %arg7[%parallel_loop3A_361, %parallel_loop3A_405] : memref<448x16xf32, #tpu.memory_space<vmem>>[vector<16xi32>, vector<16xi32>], vector<16xf32>,
          %parallel_loop3A_407 = arith.constant 6 : i32
          %parallel_loop3A_408 = arith.index_cast %parallel_loop3A_407 : i32 to index
          %parallel_loop3A_409 = arith.index_cast %parallel_loop3A_359 : i32 to index
          %parallel_loop3A_410 = tpu.vector_load %arg9[%parallel_loop3A_408, %parallel_loop3A_409] {strides = array<i32>} : memref<16x448xf32, #tpu.memory_space<vmem>>, vector<16xf32>,
          tpu.vector_store %arg9[%parallel_loop3A_408, %parallel_loop3A_409], %parallel_loop3A_406 {strides = array<i32>} : memref<16x448xf32, #tpu.memory_space<vmem>>, vector<16xf32>,
          %parallel_loop3A_411 = arith.constant 7 : i32
          %parallel_loop3A_412 = vector.broadcast %parallel_loop3A_411 : i32 to vector<16xi32>
          %parallel_loop3A_413 = tpu.vector_load_idx %arg7[%parallel_loop3A_361, %parallel_loop3A_412] : memref<448x16xf32, #tpu.memory_space<vmem>>[vector<16xi32>, vector<16xi32>], vector<16xf32>,
          %parallel_loop3A_414 = arith.constant 7 : i32
          %parallel_loop3A_415 = arith.index_cast %parallel_loop3A_414 : i32 to index
          %parallel_loop3A_416 = arith.index_cast %parallel_loop3A_359 : i32 to index
          %parallel_loop3A_417 = tpu.vector_load %arg9[%parallel_loop3A_415, %parallel_loop3A_416] {strides = array<i32>} : memref<16x448xf32, #tpu.memory_space<vmem>>, vector<16xf32>,
          tpu.vector_store %arg9[%parallel_loop3A_415, %parallel_loop3A_416], %parallel_loop3A_413 {strides = array<i32>} : memref<16x448xf32, #tpu.memory_space<vmem>>, vector<16xf32>,
          %parallel_loop3A_418 = arith.constant 8 : i32
          %parallel_loop3A_419 = vector.broadcast %parallel_loop3A_418 : i32 to vector<16xi32>
          %parallel_loop3A_420 = tpu.vector_load_idx %arg7[%parallel_loop3A_361, %parallel_loop3A_419] : memref<448x16xf32, #tpu.memory_space<vmem>>[vector<16xi32>, vector<16xi32>], vector<16xf32>,
          %parallel_loop3A_421 = arith.constant 8 : i32
          %parallel_loop3A_422 = arith.index_cast %parallel_loop3A_421 : i32 to index
          %parallel_loop3A_423 = arith.index_cast %parallel_loop3A_359 : i32 to index
          %parallel_loop3A_424 = tpu.vector_load %arg9[%parallel_loop3A_422, %parallel_loop3A_423] {strides = array<i32>} : memref<16x448xf32, #tpu.memory_space<vmem>>, vector<16xf32>,
          tpu.vector_store %arg9[%parallel_loop3A_422, %parallel_loop3A_423], %parallel_loop3A_420 {strides = array<i32>} : memref<16x448xf32, #tpu.memory_space<vmem>>, vector<16xf32>,
          %parallel_loop3A_425 = arith.constant 9 : i32
          %parallel_loop3A_426 = vector.broadcast %parallel_loop3A_425 : i32 to vector<16xi32>
          %parallel_loop3A_427 = tpu.vector_load_idx %arg7[%parallel_loop3A_361, %parallel_loop3A_426] : memref<448x16xf32, #tpu.memory_space<vmem>>[vector<16xi32>, vector<16xi32>], vector<16xf32>,
          %parallel_loop3A_428 = arith.constant 9 : i32
          %parallel_loop3A_429 = arith.index_cast %parallel_loop3A_428 : i32 to index
          %parallel_loop3A_430 = arith.index_cast %parallel_loop3A_359 : i32 to index
          %parallel_loop3A_431 = tpu.vector_load %arg9[%parallel_loop3A_429, %parallel_loop3A_430] {strides = array<i32>} : memref<16x448xf32, #tpu.memory_space<vmem>>, vector<16xf32>,
          tpu.vector_store %arg9[%parallel_loop3A_429, %parallel_loop3A_430], %parallel_loop3A_427 {strides = array<i32>} : memref<16x448xf32, #tpu.memory_space<vmem>>, vector<16xf32>,
          %parallel_loop3A_432 = arith.constant 10 : i32
          %parallel_loop3A_433 = vector.broadcast %parallel_loop3A_432 : i32 to vector<16xi32>
          %parallel_loop3A_434 = tpu.vector_load_idx %arg7[%parallel_loop3A_361, %parallel_loop3A_433] : memref<448x16xf32, #tpu.memory_space<vmem>>[vector<16xi32>, vector<16xi32>], vector<16xf32>,
          %parallel_loop3A_435 = arith.constant 10 : i32
          %parallel_loop3A_436 = arith.index_cast %parallel_loop3A_435 : i32 to index
          %parallel_loop3A_437 = arith.index_cast %parallel_loop3A_359 : i32 to index
          %parallel_loop3A_438 = tpu.vector_load %arg9[%parallel_loop3A_436, %parallel_loop3A_437] {strides = array<i32>} : memref<16x448xf32, #tpu.memory_space<vmem>>, vector<16xf32>,
          tpu.vector_store %arg9[%parallel_loop3A_436, %parallel_loop3A_437], %parallel_loop3A_434 {strides = array<i32>} : memref<16x448xf32, #tpu.memory_space<vmem>>, vector<16xf32>,
          %parallel_loop3A_439 = arith.constant 11 : i32
          %parallel_loop3A_440 = vector.broadcast %parallel_loop3A_439 : i32 to vector<16xi32>
          %parallel_loop3A_441 = tpu.vector_load_idx %arg7[%parallel_loop3A_361, %parallel_loop3A_440] : memref<448x16xf32, #tpu.memory_space<vmem>>[vector<16xi32>, vector<16xi32>], vector<16xf32>,
          %parallel_loop3A_442 = arith.constant 11 : i32
          %parallel_loop3A_443 = arith.index_cast %parallel_loop3A_442 : i32 to index
          %parallel_loop3A_444 = arith.index_cast %parallel_loop3A_359 : i32 to index
          %parallel_loop3A_445 = tpu.vector_load %arg9[%parallel_loop3A_443, %parallel_loop3A_444] {strides = array<i32>} : memref<16x448xf32, #tpu.memory_space<vmem>>, vector<16xf32>,
          tpu.vector_store %arg9[%parallel_loop3A_443, %parallel_loop3A_444], %parallel_loop3A_441 {strides = array<i32>} : memref<16x448xf32, #tpu.memory_space<vmem>>, vector<16xf32>,
          %parallel_loop3A_446 = arith.constant 12 : i32
          %parallel_loop3A_447 = vector.broadcast %parallel_loop3A_446 : i32 to vector<16xi32>
          %parallel_loop3A_448 = tpu.vector_load_idx %arg7[%parallel_loop3A_361, %parallel_loop3A_447] : memref<448x16xf32, #tpu.memory_space<vmem>>[vector<16xi32>, vector<16xi32>], vector<16xf32>,
          %parallel_loop3A_449 = arith.constant 12 : i32
          %parallel_loop3A_450 = arith.index_cast %parallel_loop3A_449 : i32 to index
          %parallel_loop3A_451 = arith.index_cast %parallel_loop3A_359 : i32 to index
          %parallel_loop3A_452 = tpu.vector_load %arg9[%parallel_loop3A_450, %parallel_loop3A_451] {strides = array<i32>} : memref<16x448xf32, #tpu.memory_space<vmem>>, vector<16xf32>,
          tpu.vector_store %arg9[%parallel_loop3A_450, %parallel_loop3A_451], %parallel_loop3A_448 {strides = array<i32>} : memref<16x448xf32, #tpu.memory_space<vmem>>, vector<16xf32>,
          %parallel_loop3A_453 = arith.constant 13 : i32
          %parallel_loop3A_454 = vector.broadcast %parallel_loop3A_453 : i32 to vector<16xi32>
          %parallel_loop3A_455 = tpu.vector_load_idx %arg7[%parallel_loop3A_361, %parallel_loop3A_454] : memref<448x16xf32, #tpu.memory_space<vmem>>[vector<16xi32>, vector<16xi32>], vector<16xf32>,
          %parallel_loop3A_456 = arith.constant 13 : i32
          %parallel_loop3A_457 = arith.index_cast %parallel_loop3A_456 : i32 to index
          %parallel_loop3A_458 = arith.index_cast %parallel_loop3A_359 : i32 to index
          %parallel_loop3A_459 = tpu.vector_load %arg9[%parallel_loop3A_457, %parallel_loop3A_458] {strides = array<i32>} : memref<16x448xf32, #tpu.memory_space<vmem>>, vector<16xf32>,
          tpu.vector_store %arg9[%parallel_loop3A_457, %parallel_loop3A_458], %parallel_loop3A_455 {strides = array<i32>} : memref<16x448xf32, #tpu.memory_space<vmem>>, vector<16xf32>,
          %parallel_loop3A_460 = arith.constant 14 : i32
          %parallel_loop3A_461 = vector.broadcast %parallel_loop3A_460 : i32 to vector<16xi32>
          %parallel_loop3A_462 = tpu.vector_load_idx %arg7[%parallel_loop3A_361, %parallel_loop3A_461] : memref<448x16xf32, #tpu.memory_space<vmem>>[vector<16xi32>, vector<16xi32>], vector<16xf32>,
          %parallel_loop3A_463 = arith.constant 14 : i32
          %parallel_loop3A_464 = arith.index_cast %parallel_loop3A_463 : i32 to index
          %parallel_loop3A_465 = arith.index_cast %parallel_loop3A_359 : i32 to index
          %parallel_loop3A_466 = tpu.vector_load %arg9[%parallel_loop3A_464, %parallel_loop3A_465] {strides = array<i32>} : memref<16x448xf32, #tpu.memory_space<vmem>>, vector<16xf32>,
          tpu.vector_store %arg9[%parallel_loop3A_464, %parallel_loop3A_465], %parallel_loop3A_462 {strides = array<i32>} : memref<16x448xf32, #tpu.memory_space<vmem>>, vector<16xf32>,
          %parallel_loop3A_467 = arith.constant 15 : i32
          %parallel_loop3A_468 = vector.broadcast %parallel_loop3A_467 : i32 to vector<16xi32>
          %parallel_loop3A_469 = tpu.vector_load_idx %arg7[%parallel_loop3A_361, %parallel_loop3A_468] : memref<448x16xf32, #tpu.memory_space<vmem>>[vector<16xi32>, vector<16xi32>], vector<16xf32>,
          %parallel_loop3A_470 = arith.constant 15 : i32
          %parallel_loop3A_471 = arith.index_cast %parallel_loop3A_470 : i32 to index
          %parallel_loop3A_472 = arith.index_cast %parallel_loop3A_359 : i32 to index
          %parallel_loop3A_473 = tpu.vector_load %arg9[%parallel_loop3A_471, %parallel_loop3A_472] {strides = array<i32>} : memref<16x448xf32, #tpu.memory_space<vmem>>, vector<16xf32>,
          tpu.vector_store %arg9[%parallel_loop3A_471, %parallel_loop3A_472], %parallel_loop3A_469 {strides = array<i32>} : memref<16x448xf32, #tpu.memory_space<vmem>>, vector<16xf32>,
        } {sc.loop_unroll_factor = 4 : i64, sc.parallel_access}
        %mul3A_303 = arith.constant 32 : i32
        %mul3A_304 = arith.muli %sub3A_300, %mul3A_303 : i32
        %add3A_305 = arith.addi %add3A, %mul3A_304 : i32
        %jit3A_306 = arith.constant 224 : i32
        %div3A_307 = arith.divsi %add3A_305, %jit3A_306 : i32
        %sign3A_308 = arith.constant 0 : i32
        %sign3A_309 = arith.cmpi sgt, %add3A_305, %sign3A_308 : i32
        %sign3A_310 = arith.extui %sign3A_309 : i1 to i32
        %sign3A_311 = arith.constant 0 : i32
        %sign3A_312 = arith.cmpi slt, %add3A_305, %sign3A_311 : i32
        %sign3A_313 = arith.extui %sign3A_312 : i1 to i32
        %sign3A_314 = arith.subi %sign3A_310, %sign3A_313 : i32
        %sign3A_315 = arith.constant 0 : i32
        %sign3A_316 = arith.cmpi sgt, %jit3A_306, %sign3A_315 : i32
        %sign3A_317 = arith.extui %sign3A_316 : i1 to i32
        %sign3A_318 = arith.constant 0 : i32
        %sign3A_319 = arith.cmpi slt, %jit3A_306, %sign3A_318 : i32
        %sign3A_320 = arith.extui %sign3A_319 : i1 to i32
        %sign3A_321 = arith.subi %sign3A_317, %sign3A_320 : i32
        %ne3A_322 = arith.cmpi ne, %sign3A_314, %sign3A_321 : i32
        %rem3A_323 = arith.remsi %add3A_305, %jit3A_306 : i32
        %ne3A_324 = arith.constant 0 : i32
        %ne3A_325 = arith.cmpi ne, %rem3A_323, %ne3A_324 : i32
        %and3A_326 = arith.andi %ne3A_322, %ne3A_325 : i1
        %sub3A_327 = arith.constant 1 : i32
        %sub3A_328 = arith.subi %div3A_307, %sub3A_327 : i32
        %select_n3A_329 = arith.select %and3A_326, %sub3A_328, %div3A_307 : i32
        %jit3A_330 = arith.constant 224 : i32
        %eq3A_331 = arith.constant 0 : i32
        %eq3A_332 = arith.cmpi eq, %jit3A_330, %eq3A_331 : i32
        %jit3A_333 = arith.constant 1 : i32
        %select_n3A_334 = arith.select %eq3A_332, %jit3A_333, %jit3A_330 : i32
        %rem3A_335 = arith.remsi %add3A_305, %select_n3A_334 : i32
        %ne3A_336 = arith.constant 0 : i32
        %ne3A_337 = arith.cmpi ne, %rem3A_335, %ne3A_336 : i32
        %lt3A_338 = arith.constant 0 : i32
        %lt3A_339 = arith.cmpi slt, %rem3A_335, %lt3A_338 : i32
        %lt3A_340 = arith.constant 0 : i32
        %lt3A_341 = arith.cmpi slt, %select_n3A_334, %lt3A_340 : i32
        %ne3A_342 = arith.xori %lt3A_339, %lt3A_341 : i1
        %and3A_343 = arith.andi %ne3A_342, %ne3A_337 : i1
        %add3A_344 = arith.addi %rem3A_335, %select_n3A_334 : i32
        %select_n3A_345 = arith.select %and3A_343, %add3A_344, %rem3A_335 : i32
        %mul3A_346 = arith.constant 448 : i32
        %mul3A_347 = arith.muli %select_n3A_345, %mul3A_346 : i32
        %min3A_348 = arith.constant 99552 : i32
        %min3A_349 = arith.minsi %mul3A_347, %min3A_348 : i32
        %multiple_of3A_350 = tpu.assume_multiple %min3A_349, 8 : i32
        %dma_start3A_351 = arith.constant 0 : i32
        %dma_start3A_352 = tpu.memref_slice %arg4[%select_n3A_329, %dma_start3A_351, %multiple_of3A_350] : memref<27x16x100000xf32, #tpu.memory_space<hbm>> -> memref<1x16x448xf32, #tpu.memory_space<hbm>>
        %dma_start3A_353 = tpu.memref_squeeze %dma_start3A_352 : memref<1x16x448xf32, #tpu.memory_space<hbm>> -> memref<16x448xf32, #tpu.memory_space<hbm>>
        %dma_start3A_354 = arith.constant 0 : i32
        %dma_start3A_355 = tpu.memref_slice %arg4[%select_n3A_329, %dma_start3A_354, %multiple_of3A_350] : memref<27x16x100000xf32, #tpu.memory_space<hbm>> -> memref<1x16x448xf32, #tpu.memory_space<hbm>>
        %dma_start3A_356 = tpu.memref_squeeze %dma_start3A_355 : memref<1x16x448xf32, #tpu.memory_space<hbm>> -> memref<16x448xf32, #tpu.memory_space<hbm>>
        tpu.enqueue_dma source(%arg9 : memref<16x448xf32, #tpu.memory_space<vmem>>) target(%dma_start3A_356 : memref<16x448xf32, #tpu.memory_space<hbm>>) target_semaphore(%arg14 : memref<!tpu.dma_semaphore, #tpu.memory_space<semaphore_mem>>)
      } else {
      }
    }
    %sub3A_103 = arith.constant 1 : i32
    %sub3A_104 = arith.subi %select_n3A, %sub3A_103 : i32
    %sub3A_105 = arith.constant 1 : i32
    %sub3A_106 = arith.subi %select_n3A, %sub3A_105 : i32
    %add3A_107 = arith.constant 0 : i32
    %add3A_108 = arith.addi %sub3A_106, %add3A_107 : i32
    %jit3A_109 = arith.constant 2 : i32
    %eq3A_110 = arith.constant 0 : i32
    %eq3A_111 = arith.cmpi eq, %jit3A_109, %eq3A_110 : i32
    %jit3A_112 = arith.constant 1 : i32
    %select_n3A_113 = arith.select %eq3A_111, %jit3A_112, %jit3A_109 : i32
    %rem3A_114 = arith.remsi %add3A_108, %select_n3A_113 : i32
    %ne3A_115 = arith.constant 0 : i32
    %ne3A_116 = arith.cmpi ne, %rem3A_114, %ne3A_115 : i32
    %lt3A_117 = arith.constant 0 : i32
    %lt3A_118 = arith.cmpi slt, %rem3A_114, %lt3A_117 : i32
    %lt3A_119 = arith.constant 0 : i32
    %lt3A_120 = arith.cmpi slt, %select_n3A_113, %lt3A_119 : i32
    %ne3A_121 = arith.xori %lt3A_118, %lt3A_120 : i1
    %and3A_122 = arith.andi %ne3A_121, %ne3A_116 : i1
    %add3A_123 = arith.addi %rem3A_114, %select_n3A_113 : i32
    %select_n3A_124 = arith.select %and3A_122, %add3A_123, %rem3A_114 : i32
    %sub3A_125 = arith.subi %sub3A_104, %select_n3A_124 : i32
    %mul3A_126 = arith.constant 32 : i32
    %mul3A_127 = arith.muli %sub3A_125, %mul3A_126 : i32
    %add3A_128 = arith.addi %add3A, %mul3A_127 : i32
    %jit3A_129 = arith.constant 224 : i32
    %div3A_130 = arith.divsi %add3A_128, %jit3A_129 : i32
    %sign3A_131 = arith.constant 0 : i32
    %sign3A_132 = arith.cmpi sgt, %add3A_128, %sign3A_131 : i32
    %sign3A_133 = arith.extui %sign3A_132 : i1 to i32
    %sign3A_134 = arith.constant 0 : i32
    %sign3A_135 = arith.cmpi slt, %add3A_128, %sign3A_134 : i32
    %sign3A_136 = arith.extui %sign3A_135 : i1 to i32
    %sign3A_137 = arith.subi %sign3A_133, %sign3A_136 : i32
    %sign3A_138 = arith.constant 0 : i32
    %sign3A_139 = arith.cmpi sgt, %jit3A_129, %sign3A_138 : i32
    %sign3A_140 = arith.extui %sign3A_139 : i1 to i32
    %sign3A_141 = arith.constant 0 : i32
    %sign3A_142 = arith.cmpi slt, %jit3A_129, %sign3A_141 : i32
    %sign3A_143 = arith.extui %sign3A_142 : i1 to i32
    %sign3A_144 = arith.subi %sign3A_140, %sign3A_143 : i32
    %ne3A_145 = arith.cmpi ne, %sign3A_137, %sign3A_144 : i32
    %rem3A_146 = arith.remsi %add3A_128, %jit3A_129 : i32
    %ne3A_147 = arith.constant 0 : i32
    %ne3A_148 = arith.cmpi ne, %rem3A_146, %ne3A_147 : i32
    %and3A_149 = arith.andi %ne3A_145, %ne3A_148 : i1
    %sub3A_150 = arith.constant 1 : i32
    %sub3A_151 = arith.subi %div3A_130, %sub3A_150 : i32
    %select_n3A_152 = arith.select %and3A_149, %sub3A_151, %div3A_130 : i32
    %jit3A_153 = arith.constant 224 : i32
    %eq3A_154 = arith.constant 0 : i32
    %eq3A_155 = arith.cmpi eq, %jit3A_153, %eq3A_154 : i32
    %jit3A_156 = arith.constant 1 : i32
    %select_n3A_157 = arith.select %eq3A_155, %jit3A_156, %jit3A_153 : i32
    %rem3A_158 = arith.remsi %add3A_128, %select_n3A_157 : i32
    %ne3A_159 = arith.constant 0 : i32
    %ne3A_160 = arith.cmpi ne, %rem3A_158, %ne3A_159 : i32
    %lt3A_161 = arith.constant 0 : i32
    %lt3A_162 = arith.cmpi slt, %rem3A_158, %lt3A_161 : i32
    %lt3A_163 = arith.constant 0 : i32
    %lt3A_164 = arith.cmpi slt, %select_n3A_157, %lt3A_163 : i32
    %ne3A_165 = arith.xori %lt3A_162, %lt3A_164 : i1
    %and3A_166 = arith.andi %ne3A_165, %ne3A_160 : i1
    %add3A_167 = arith.addi %rem3A_158, %select_n3A_157 : i32
    %select_n3A_168 = arith.select %and3A_166, %add3A_167, %rem3A_158 : i32
    %mul3A_169 = arith.constant 448 : i32
    %mul3A_170 = arith.muli %select_n3A_168, %mul3A_169 : i32
    %min3A_171 = arith.constant 99552 : i32
    %min3A_172 = arith.minsi %mul3A_170, %min3A_171 : i32
    %multiple_of3A_173 = tpu.assume_multiple %min3A_172, 8 : i32
    %dma_wait3A = arith.constant 0 : i32
    %dma_wait3A_174 = tpu.memref_slice %arg4[%select_n3A_152, %dma_wait3A, %multiple_of3A_173] : memref<27x16x100000xf32, #tpu.memory_space<hbm>> -> memref<1x16x448xf32, #tpu.memory_space<hbm>>
    %dma_wait3A_175 = tpu.memref_squeeze %dma_wait3A_174 : memref<1x16x448xf32, #tpu.memory_space<hbm>> -> memref<16x448xf32, #tpu.memory_space<hbm>>
    %dma_wait3A_176 = arith.constant 0 : i32
    %dma_wait3A_177 = tpu.memref_slice %arg4[%select_n3A_152, %dma_wait3A_176, %multiple_of3A_173] : memref<27x16x100000xf32, #tpu.memory_space<hbm>> -> memref<1x16x448xf32, #tpu.memory_space<hbm>>
    %dma_wait3A_178 = tpu.memref_squeeze %dma_wait3A_177 : memref<1x16x448xf32, #tpu.memory_space<hbm>> -> memref<16x448xf32, #tpu.memory_space<hbm>>
    tpu.wait_dma2 semaphore(%arg14 : memref<!tpu.dma_semaphore, #tpu.memory_space<semaphore_mem>>) src(%arg9 : memref<16x448xf32, #tpu.memory_space<vmem>>) dst(%dma_wait3A_178 : memref<16x448xf32, #tpu.memory_space<hbm>>)
    %sub3A_179 = arith.constant 1 : i32
    %sub3A_180 = arith.subi %select_n3A, %sub3A_179 : i32
    %sub3A_181 = arith.constant 1 : i32
    %sub3A_182 = arith.subi %select_n3A, %sub3A_181 : i32
    %add3A_183 = arith.constant 1 : i32
    %add3A_184 = arith.addi %sub3A_182, %add3A_183 : i32
    %jit3A_185 = arith.constant 2 : i32
    %eq3A_186 = arith.constant 0 : i32
    %eq3A_187 = arith.cmpi eq, %jit3A_185, %eq3A_186 : i32
    %jit3A_188 = arith.constant 1 : i32
    %select_n3A_189 = arith.select %eq3A_187, %jit3A_188, %jit3A_185 : i32
    %rem3A_190 = arith.remsi %add3A_184, %select_n3A_189 : i32
    %ne3A_191 = arith.constant 0 : i32
    %ne3A_192 = arith.cmpi ne, %rem3A_190, %ne3A_191 : i32
    %lt3A_193 = arith.constant 0 : i32
    %lt3A_194 = arith.cmpi slt, %rem3A_190, %lt3A_193 : i32
    %lt3A_195 = arith.constant 0 : i32
    %lt3A_196 = arith.cmpi slt, %select_n3A_189, %lt3A_195 : i32
    %ne3A_197 = arith.xori %lt3A_194, %lt3A_196 : i1
    %and3A_198 = arith.andi %ne3A_197, %ne3A_192 : i1
    %add3A_199 = arith.addi %rem3A_190, %select_n3A_189 : i32
    %select_n3A_200 = arith.select %and3A_198, %add3A_199, %rem3A_190 : i32
    %sub3A_201 = arith.subi %sub3A_180, %select_n3A_200 : i32
    %mul3A_202 = arith.constant 32 : i32
    %mul3A_203 = arith.muli %sub3A_201, %mul3A_202 : i32
    %add3A_204 = arith.addi %add3A, %mul3A_203 : i32
    %jit3A_205 = arith.constant 224 : i32
    %div3A_206 = arith.divsi %add3A_204, %jit3A_205 : i32
    %sign3A_207 = arith.constant 0 : i32
    %sign3A_208 = arith.cmpi sgt, %add3A_204, %sign3A_207 : i32
    %sign3A_209 = arith.extui %sign3A_208 : i1 to i32
    %sign3A_210 = arith.constant 0 : i32
    %sign3A_211 = arith.cmpi slt, %add3A_204, %sign3A_210 : i32
    %sign3A_212 = arith.extui %sign3A_211 : i1 to i32
    %sign3A_213 = arith.subi %sign3A_209, %sign3A_212 : i32
    %sign3A_214 = arith.constant 0 : i32
    %sign3A_215 = arith.cmpi sgt, %jit3A_205, %sign3A_214 : i32
    %sign3A_216 = arith.extui %sign3A_215 : i1 to i32
    %sign3A_217 = arith.constant 0 : i32
    %sign3A_218 = arith.cmpi slt, %jit3A_205, %sign3A_217 : i32
    %sign3A_219 = arith.extui %sign3A_218 : i1 to i32
    %sign3A_220 = arith.subi %sign3A_216, %sign3A_219 : i32
    %ne3A_221 = arith.cmpi ne, %sign3A_213, %sign3A_220 : i32
    %rem3A_222 = arith.remsi %add3A_204, %jit3A_205 : i32
    %ne3A_223 = arith.constant 0 : i32
    %ne3A_224 = arith.cmpi ne, %rem3A_222, %ne3A_223 : i32
    %and3A_225 = arith.andi %ne3A_221, %ne3A_224 : i1
    %sub3A_226 = arith.constant 1 : i32
    %sub3A_227 = arith.subi %div3A_206, %sub3A_226 : i32
    %select_n3A_228 = arith.select %and3A_225, %sub3A_227, %div3A_206 : i32
    %jit3A_229 = arith.constant 224 : i32
    %eq3A_230 = arith.constant 0 : i32
    %eq3A_231 = arith.cmpi eq, %jit3A_229, %eq3A_230 : i32
    %jit3A_232 = arith.constant 1 : i32
    %select_n3A_233 = arith.select %eq3A_231, %jit3A_232, %jit3A_229 : i32
    %rem3A_234 = arith.remsi %add3A_204, %select_n3A_233 : i32
    %ne3A_235 = arith.constant 0 : i32
    %ne3A_236 = arith.cmpi ne, %rem3A_234, %ne3A_235 : i32
    %lt3A_237 = arith.constant 0 : i32
    %lt3A_238 = arith.cmpi slt, %rem3A_234, %lt3A_237 : i32
    %lt3A_239 = arith.constant 0 : i32
    %lt3A_240 = arith.cmpi slt, %select_n3A_233, %lt3A_239 : i32
    %ne3A_241 = arith.xori %lt3A_238, %lt3A_240 : i1
    %and3A_242 = arith.andi %ne3A_241, %ne3A_236 : i1
    %add3A_243 = arith.addi %rem3A_234, %select_n3A_233 : i32
    %select_n3A_244 = arith.select %and3A_242, %add3A_243, %rem3A_234 : i32
    %mul3A_245 = arith.constant 448 : i32
    %mul3A_246 = arith.muli %select_n3A_244, %mul3A_245 : i32
    %min3A_247 = arith.constant 99552 : i32
    %min3A_248 = arith.minsi %mul3A_246, %min3A_247 : i32
    %multiple_of3A_249 = tpu.assume_multiple %min3A_248, 8 : i32
    %dma_wait3A_250 = arith.constant 0 : i32
    %dma_wait3A_251 = tpu.memref_slice %arg4[%select_n3A_228, %dma_wait3A_250, %multiple_of3A_249] : memref<27x16x100000xf32, #tpu.memory_space<hbm>> -> memref<1x16x448xf32, #tpu.memory_space<hbm>>
    %dma_wait3A_252 = tpu.memref_squeeze %dma_wait3A_251 : memref<1x16x448xf32, #tpu.memory_space<hbm>> -> memref<16x448xf32, #tpu.memory_space<hbm>>
    %dma_wait3A_253 = arith.constant 0 : i32
    %dma_wait3A_254 = tpu.memref_slice %arg4[%select_n3A_228, %dma_wait3A_253, %multiple_of3A_249] : memref<27x16x100000xf32, #tpu.memory_space<hbm>> -> memref<1x16x448xf32, #tpu.memory_space<hbm>>
    %dma_wait3A_255 = tpu.memref_squeeze %dma_wait3A_254 : memref<1x16x448xf32, #tpu.memory_space<hbm>> -> memref<16x448xf32, #tpu.memory_space<hbm>>
    tpu.wait_dma2 semaphore(%arg15 : memref<!tpu.dma_semaphore, #tpu.memory_space<semaphore_mem>>) src(%arg10 : memref<16x448xf32, #tpu.memory_space<vmem>>) dst(%dma_wait3A_255 : memref<16x448xf32, #tpu.memory_space<hbm>>)
    return
  }
}

</mosaic_0001>

<sc_bundles>
// kernel: kernel.3.cloned.1.call-start
scs
__scs_entry_jumppad:
0x0: {  	(pc) =	sbr.rel $0x88, $3  }
0x1: {  	(tag) =	ssettag $0x0;
	lr =	simm.s32 $0x1  }
0x2: {  	[smem:$0x3F9F] =	sst lr;
	_ =	strace $0xD0000000  }
0x3: {  	_ = 	snop  }
0x4: {  	_ = 	snop  }
0x5: {  	_ = 	snop  }
0x6: {  	_ = 	snop  }
0x7: {  	_ = 	snop  }
__scs_overlays_trampoline_lowered:
0x8: {  	[smem:$0x3FAE] =	sst s0  }
0x9: {  	[smem:$0x3FAF] =	sst s1  }
0xa: {  	[smem:$0x3FB0] =	sst s2  }
0xb: {  	[smem:$0x3FB1] =	sst s3  }
0xc: {  	[smem:$0x3FB2] =	sst s4  }
0xd: {  	[smem:$0x3FB3] =	sst s5  }
0xe: {  	[smem:$0x3FB4] =	sst s6  }
0xf: {  	[smem:$0x3FB5] =	sst s7  }
0x10: {  	[smem:$0x3FB6] =	sst s8  }
0x11: {  	[smem:$0x3FB7] =	sst s9;
	s0 =	simm.s32 @!p0 $0x0  }
0x12: {  	s1 =	sld [smem:$0x3F9D];
	s0 =	simm.s32 @p0 $0x1  }
0x13: {  	[smem:$0x3FB8] =	sst s0;
	s0 =	simm.s32 @!p1 $0x0  }
0x14: {  	s2 =	sld [smem:$0x3F9C];
	s0 =	simm.s32 @p1 $0x1  }
0x15: {  	[smem:$0x3FB9] =	sst s0;
	s0 =	simm.s32 @!p2 $0x0  }
0x16: {  	s3 =	sld [smem:$0x3FDB];
	s0 =	simm.s32 @p2 $0x1  }
0x17: {  	s4 =	simm.s32 $0x1BF5;
	[smem:$0x3FBB] =	sst s0  }
0x18: {  	s0 =	sld [smem:$0x3F9E];
	_ =	swait.ge [sflag:s4], $0x0  }
0x19: {  	s7 =	sld [smem:$0x3F9F]  }
0x1a: {  	s8 =	sadd.s32 $0xFFFFE003, lr  }
0x1b: {  	s9 =	sadd.s32 $0xFFFFFEF7, lr;
	s5 =	simm.s32 $0xFFFFFFFF;
	p2 =	slt.u32 s8, $0xFFFFF086  }
0x1c: {  	p1 =	slt.u32 s9, $0xF7A;
	s5 =	simm.s32 @!p2 $0x0  }
0x1d: {  	s5 =	simm.s32 @p1 $0x1;
	p0 =	seq.s32 s7, s2  }
0x1e: {  	s7 =	smul.u32 @!p0 $0xF7A, s2;
	p2 =	seq.s32 @!p0 s5, $0x0  }
0x1f: {  	s9 =	smul.u32 $0xF7A, s1;
	s8 =	simm.s32 @!p0 $0x1BF5;
	p2 =	por !p2, p0  }
0x20: {  	[sflag:s8] =	ssyncset.s32 @!p0 $0xFFFFF086;
	s6 =	sadd.s32 @!p0 s3, s7;
	s7 =	simm.s32 @!p0 $0x108  }
0x21: {  	s3 =	sadd.s32 s3, s9;
	s6 =	sadd.s32 @!p0 $0x88, s6;
	s7 =	simm.s32 @p2 $0x1082  }
0x22: {  	[simem:s7], [sflag:s8] =	dma.local @!p0 [hbm:s6], $0xF7A  }
0x23: {  	s9 =	sor.u32 $0xD0000000, s2;
	s6 =	simm.s32 $0x108;
	_ =	swait.ge @!p0 [sflag:s8], $0x0  }
0x24: {  	s3 =	sadd.s32 $0x88, s3;
	s6 =	simm.s32 @!p1 $0x1082;
	[sflag:s4] =	ssyncset.s32 $0xFFFFF086  }
0x25: {  	[simem:s6], [sflag:s4] =	dma.local [hbm:s3], $0xF7A  }
0x26: {  	[smem:$0x3F9F] =	sst s1;
	(tag) =	ssettag s2;
	_ =	strace s9  }
0x27: {  	s1 =	sld [smem:$0x3FAF]  }
0x28: {  	s2 =	sld [smem:$0x3FB0]  }
0x29: {  	s4 =	sld [smem:$0x3FB2]  }
0x2a: {  	p0 =	seq.s32 s5, $0x0;
	s5 =	sld [smem:$0x3FB3]  }
0x2b: {  	s6 =	sld [smem:$0x3FB4]  }
0x2c: {  	s7 =	sld [smem:$0x3FB5]  }
0x2d: {  	s3 =	simm.s32 $0x108;
	s8 =	sld [smem:$0x3FB6]  }
0x2e: {  	s3 =	simm.s32 @!p0 $0x1082;
	s9 =	sld [smem:$0x3FB7]  }
0x2f: {  	lr =	sadd.s32 s0, s3;
	s0 =	sld [smem:$0x3FAE]  }
0x30: {  	s3 =	sld [smem:$0x3FB1]  }
0x31: {  	[smem:$0x3FBA] =	sst s10  }
0x32: {  	s10 =	sld [smem:$0x3FB8];
	_ =	sdelay $0x3  }
0x33: {  	p0 =	seq.s32 s10, $0x1;
	s10 =	sld [smem:$0x3FBA];
	_ =	sdelay $0x3  }
0x34: {  	[smem:$0x3FBA] =	sst s10  }
0x35: {  	s10 =	sld [smem:$0x3FB9];
	_ =	sdelay $0x3  }
0x36: {  	p1 =	seq.s32 s10, $0x1;
	s10 =	sld [smem:$0x3FBA];
	_ =	sdelay $0x3  }
0x37: {  	[smem:$0x3FBA] =	sst s10  }
0x38: {  	s10 =	sld [smem:$0x3FBB]  }
0x39: {  	_ = 	snop;
	(pc) =	sbr.ind lr, $3  }
0x3a: {  	_ = 	snop  }
0x3b: {  	_ = 	snop  }
0x3c: {  	p2 =	seq.s32 s10, $0x1;
	s10 =	sld [smem:$0x3FBA]  }
0x3d: {  	_ =	shalt  }
0x3e: {  	_ =	shalt  }
0x3f: {  	_ =	shalt  }
0x40: {  	_ =	shalt  }
0x41: {  	_ =	shalt  }
0x42: {  	_ =	shalt  }
0x43: {  	_ =	shalt  }
0x44: {  	_ =	shalt  }
0x45: {  	_ =	shalt  }
0x46: {  	_ =	shalt  }
0x47: {  	_ =	shalt  }
0x48: {  	_ =	shalt  }
0x49: {  	_ =	shalt  }
0x4a: {  	_ =	shalt  }
0x4b: {  	_ =	shalt  }
0x4c: {  	_ =	shalt  }
0x4d: {  	_ =	shalt  }
0x4e: {  	_ =	shalt  }
0x4f: {  	_ =	shalt  }
0x50: {  	_ =	shalt  }
0x51: {  	_ =	shalt  }
0x52: {  	_ =	shalt  }
0x53: {  	_ =	shalt  }
0x54: {  	_ =	shalt  }
0x55: {  	_ =	shalt  }
0x56: {  	_ =	shalt  }
0x57: {  	_ =	shalt  }
0x58: {  	_ =	shalt  }
0x59: {  	_ =	shalt  }
0x5a: {  	_ =	shalt  }
0x5b: {  	_ =	shalt  }
0x5c: {  	_ =	shalt  }
0x5d: {  	_ =	shalt  }
0x5e: {  	_ =	shalt  }
0x5f: {  	_ =	shalt  }
0x60: {  	_ =	shalt  }
0x61: {  	_ =	shalt  }
0x62: {  	_ =	shalt  }
0x63: {  	_ =	shalt  }
0x64: {  	_ =	shalt  }
0x65: {  	_ =	shalt  }
0x66: {  	_ =	shalt  }
0x67: {  	_ =	shalt  }
0x68: {  	_ =	shalt  }
0x69: {  	_ =	shalt  }
0x6a: {  	_ =	shalt  }
0x6b: {  	_ =	shalt  }
0x6c: {  	_ =	shalt  }
0x6d: {  	_ =	shalt  }
0x6e: {  	_ =	shalt  }
0x6f: {  	_ =	shalt  }
0x70: {  	_ =	shalt  }
0x71: {  	_ =	shalt  }
0x72: {  	_ =	shalt  }
0x73: {  	_ =	shalt  }
0x74: {  	_ =	shalt  }
0x75: {  	_ =	shalt  }
0x76: {  	_ =	shalt  }
0x77: {  	_ =	shalt  }
0x78: {  	_ =	shalt  }
0x79: {  	_ =	shalt  }
0x7a: {  	_ =	shalt  }
0x7b: {  	_ =	shalt  }
0x7c: {  	_ =	shalt  }
0x7d: {  	_ =	shalt  }
0x7e: {  	_ =	shalt  }
0x7f: {  	_ =	shalt  }
0x80: {  	_ =	shalt  }
0x81: {  	_ =	shalt  }
0x82: {  	_ =	shalt  }
0x83: {  	_ =	shalt  }
0x84: {  	_ =	shalt  }
0x85: {  	_ =	shalt  }
0x86: {  	_ =	shalt  }
0x87: {  	_ =	shalt  }
.Lfunc_end0:
.L_simem_size_0:
called_computation_lowered:
.L_overlay_start_0:
0x88: {  	s2 =	sld [smem:$0x3FD9]  }
0x89: {  	s3 =	sld [smem:$0x3FFE];
	_ =	sdelay $0x1  }
0x8a: {  	s1 =	srdreg.scid  }
0x8b: {  	s0 =	sand.u32 $0x1, s1  }
0x8c: {  	s16 =	sshll.u32 s0, $0xA;
	s2 =	sadd.s32 s3, s2  }
0x8d: {  	s2 =	sadd.s32 s2, s16  }
0x8e: {  	[smem:$0x3FC6] =	sst s2  }
0x8f: {  	_ = 	snop  }
0x90: {  	(tm) =	ssettm $0x1  }
0x91: {  	s17 =	sld [smem:$0x3FFB];
	_ =	sdelay $0x3  }
0x92: {  	_ =	strace s17  }
0x93: {  	s2 =	sld [smem:$0x3FFC];
	_ =	sdelay $0x3  }
0x94: {  	_ =	strace s2  }
0x95: {  	s2 =	sld [smem:$0x3FFD];
	_ =	sdelay $0x3  }
0x96: {  	_ =	strace s2  }
0x97: {  	_ =	strace $0x8FFFFFFF  }
0x98: {  	s18 =	sld [smem:$0x3FDB];
	_ =	sdelay $0x1  }
0x99: {  	s19 =	simm.s32 $_scs_section_size  }
0x9a: {  	s4 =	simm.s32 $_size__tile_overlayer_lowered;
	s5 =	simm.s32 $_tile_overlayer_lowered  }
0x9b: {  	s22 =	simm.s32 $0x1BFF;
	s21 =	sshll.u32 s5, $0x1;
	s2 =	sadd.s32 s19, s18  }
0x9c: {  	s6 =	simm.s32 $0x0;
	s20 =	sshll.u32 s4, $0x1;
	s4 =	sadd.s32 s21, s2  }
0x9d: {  	[timem:s6], [sflag:s22] =	dma.local [hbm:s4], s20  }
0x9e: {  	_ =	swait.ge [sflag:s22], s20  }
0x9f: {  	s3 =	ssub.s32 $0x0, s20;
	[sflag:s22] =	ssyncset.done $0x0  }
0xa0: {  	[sflag:s22] =	ssyncadd.s32 s3;
	_ =	sdelay $0x1  }
0xa1: {  	s23 =	simm.s32 $0x1B8B  }
0xa2: {  	_ =	swait.ge [sflag:s23], $0x1  }
0xa3: {  	[sflag:s23] =	ssyncset.done $0x0  }
0xa4: {  	s25 =	simm.s32 $0x1B8E;
	s24 =	sld [smem:$0x3FFE];
	[sflag:s23] =	ssyncadd.s32 $0xFFFFFFFF  }
0xa5: {  	s26 =	simm.s32 $execute0_lowered;
	[smem:$0x3FD2] =	sst s25  }
0xa6: {  	s4 =	sshll.u32 s26, $0x1;
	_ =	strace $0x80000046;
	[dreg:$0x1] =	wrdreg $0xFFFFFFFF  }
0xa7: {  	s28 =	simm.s32 $_size_execute0_lowered;
	s2 =	sadd.s32 s2, s4;
	[dreg:$0x0] =	wrdreg $0x0  }
0xa8: {  	s4 =	sshll.u32 s28, $0x1;
	[dreg:$0x2] =	wrdreg s2  }
0xa9: {  	[dreg:$0x3] =	wrdreg s4  }
0xaa: {  	[dreg:$0x4] =	wrdreg $0xC0  }
0xab: {  	_ =	task [dreg:s6], $0x5FFFF  }
0xac: {  	[dreg:$0x1] =	wrdreg $0xFFFFFFFF  }
0xad: {  	[dreg:$0x0] =	wrdreg $0x60  }
0xae: {  	[dreg:$0x2] =	wrdreg s24  }
0xaf: {  	[dreg:$0x3] =	wrdreg $0x73800  }
0xb0: {  	[dreg:$0x4] =	wrdreg $0x9  }
0xb1: {  	_ =	task.clear_ibuf [dreg:s6], $0x5FFFF;
	_ =	strace $0x90000046  }
0xb2: {  	s29 =	simm.s32 $0x9;
	_ =	strace $0x80000048  }
0xb3: {  	_ =	swait.ge [sflag:s29], $0x1  }
0xb4: {  	[sflag:s29] =	ssyncadd.s32 $0xFFFFFFFF  }
0xb5: {  	_ =	strace $0x90000048  }
0xb6: {  	_ =	sfence  }
0xb7: {  	s30 =	sld [smem:$0x0];
	_ =	sdelay $0x2  }
0xb8: {  	s31 =	sshll.u32 s1, $0xD;
	s1 =	sshrl.u32 s1, $0x2  }
0xb9: {  	s3 =	sand.u32 $0x4000, s31;
	s1 =	sadd.s32 s1, s30  }
0xba: {  	s0 =	sor.u32 s3, s0;
	s1 =	sshll.u32 s1, $0x11  }
0xbb: {  	s0 =	sor.u32 s1, s0  }
0xbc: {  	s0 =	sadd.s32 $0x8F2B, s0  }
0xbd: {  	[sflag:s0] =	ssyncadd.remote.s32 $0x1  }
0xbe: {  	_ =	sfence.sel $0xFFFF  }
0xbf: {  	[dreg:$0x0] =	wrdreg $0xFFFFFFFF;
	(pc) =	sbr.abs _section_cstart, $3  }
0xc0: {  	[dreg:$0x1] =	wrdreg $0xFFFFFFFF  }
0xc1: {  	_ =	task.clear_ibuf [dreg:s6], $0x2FFFF;
	_ =	strace $0x9FFFFFFF  }
0xc2: {  	(tm) =	ssettm $0x7FFFFFFF  }
0xc3: {  	_ =	shalt  }
tec
execute0_lowered:
.L_overlay_start_1:
0x0: {  	(tag) =	ssettag $0x1  }
0x1: {  	s6 =	rddreg [dreg:$0x0]  }
0x2: {  	s1 =	rddreg [dreg:$0x1]  }
0x3: {  	s0 =	rddreg [dreg:$0x2]  }
0x4: {  	s2 =	simm.s32 $0x0;
	s3 =	srdreg.scid;
	s9 =	stileid.u32  }
0x5: {  	s12 =	simm.s32 $0x5;
	s13 =	simm.s32 $0x1C0;
	s14 =	simm.s32 $0x380  }
0x6: {  	s15 =	simm.s32 $0x1;
	s16 =	simm.s32 $0x6;
	s17 =	simm.s32 $0x1F80  }
0x7: {  	s18 =	simm.s32 $0x186A0;
	s19 =	simm.s32 $0x3B80;
	s20 =	simm.s32 $0x3  }
0x8: {  	s21 =	simm.s32 $0x4;
	s22 =	simm.s32 $0x5780;
	s23 =	simm.s32 $0x0  }
0x9: {  	[smem:$0x7FF] =	sst s2;
	s3 =	sand.u32 $0x1, s3;
	s4 =	sshll.u32 s9, $0x1  }
0xa: {  	s5 =	sadd.s32 $0xC00, s6;
	p0 =	sne.s32 s9, $0x0;
	_ =	strace $0x80000047  }
0xb: {  	v0 =	vlaneseq.u32;
	s7 =	ssub.s32 $0x2, s3;
	s3 =	sor.u32 s3, s4;
	s4 =	sadd.s32 $0x53400, s6  }
0xc: {  	v37 =	vmul.u32 $0x10, v0;
	s6 =	sadd.s32 $0x84200, s6;
	s8 =	sshrl.u32 s7, $0x1;
	s10 =	smul.u32 $0x38, s3  }
0xd: {  	s9 =	sor.u32 $0xFFFFFFE0, s3;
	s11 =	ssub.s32 s7, s8;
	s7 =	sadd.s32 $0x186A00, s1  }
0xe: {  	[tilespmem:$0x1FFF0] =	vst v37;
	s8 =	sadd.s32 s5, s10;
	s10 =	smax.u32 s11, $0x1;
	s11 =	sshrl.u32 @!p0 s1, $0x3  }
.LBB2_1:
0xf: {  	v1 =	vimm.f32 @!p0 $0.0e+00  }
0x10: {  	[tilespmem:$0x380] =	vst @!p0 v1  }
0x11: {  	[tilespmem:$0x390] =	vst @!p0 v1  }
0x12: {  	[tilespmem:$0x3A0] =	vst @!p0 v1  }
0x13: {  	[tilespmem:$0x3B0] =	vst @!p0 v1  }
0x14: {  	[tilespmem:$0x3C0] =	vst @!p0 v1  }
0x15: {  	[tilespmem:$0x3D0] =	vst @!p0 v1  }
0x16: {  	[tilespmem:$0x3E0] =	vst @!p0 v1  }
0x17: {  	s24 =	simm.s32 @!p0 $0x380;
	[tilespmem:$0x3F0] =	vst @!p0 v1  }
0x18: {  	[spmem:s7] =	stream.linear.scatter @!p0 [tilespmem:s24], [sflag:$0x7], $0x80, $0x38;
	[tilespmem:$0x1FA28] =	vst v63  }
0x19: {  	s24 =	simm.s32 @!p0 $0x7  }
0x1a: {  	_ =	swait.ge @!p0 [sflag:s24], $0x80  }
0x1b: {  	[sflag:s24] =	ssyncset.done @!p0 $0x0  }
0x1c: {  	s25 =	simm.s32 @!p0 $0x1C07;
	[sflag:s24] =	ssyncadd.s32 @!p0 $0xFFFFFF80  }
0x1d: {  	[spmem:s11], [sflag:s25] =	dma.local @!p0 [hbm:s4], $0x30D40  }
0x1e: {  	_ =	swait.ge @!p0 [sflag:s24], $0x30D40  }
0x1f: {  	[sflag:s24] =	ssyncset.done @!p0 $0x0  }
0x20: {  	[sflag:s24] =	ssyncadd.s32 @!p0 $0xFFFCF2C0  }
0x21: {  	s24 =	simm.s32 $0x0;
	[bflag:$0x0] =	sbarrier.arrive $0xFFFF  }
0x22: {  	[tilespmem:s2], [sflag:$0x5] =	stream.linear.gather [hbm4b:s8+s2], $0x1C0, $0x38;
	[tilespmem:$0x1FA28] =	vst v63  }
.LBB2_2:
0x23: {  	p2 =	seq.s32 s24, $0x0  }
0x24: {  	p1 =	seq.s32 @!p2 s24, $0x1  }
0x25: {  	p1 =	por p1, p2  }
0x26: {  	s25 =	simm.s32 @!p1 $0x4  }
0x27: {  	_ =	swait.ge @!p1 [sflag:s25], $0x1C00  }
0x28: {  	[sflag:s25] =	ssyncset.done @!p1 $0x0  }
0x29: {  	[sflag:s25] =	ssyncadd.s32 @!p1 $0xFFFFE400;
	s25 =	simm.s32 @!p2 $0x2  }
0x2a: {  	_ =	swait.ge @!p2 [sflag:s25], $0x1C00  }
0x2b: {  	[sflag:s25] =	ssyncset.done @!p2 $0x0  }
0x2c: {  	[sflag:s25] =	ssyncadd.s32 @!p2 $0xFFFFE400  }
0x2d: {  	_ =	swait.ge [sflag:s12], $0x1C0  }
0x2e: {  	[sflag:s12] =	ssyncset.done $0x0  }
0x2f: {  	[sflag:s12] =	ssyncadd.s32 $0xFFFFFE40  }
0x30: {  	v1 =	vld [tilespmem:$0x0]  }
0x31: {  	v2 =	vld [tilespmem:$0x10]  }
0x32: {  	v3 =	vld [tilespmem:$0x20]  }
0x33: {  	v4 =	vld [tilespmem:$0x30]  }
0x34: {  	v5 =	vld [tilespmem:$0x40]  }
0x35: {  	v6 =	vld [tilespmem:$0x50];
	vm0 =	vlt.s32 v1, $0x0  }
0x36: {  	v7 =	vld [tilespmem:$0x60];
	vm13 =	vlt.s32 v2, $0x0;
	v1 =	vsel vm0, $0x186A0, v1  }
0x37: {  	v16 =	vld [tilespmem:$0x70];
	vm14 =	vlt.s32 v3, $0x0;
	v15 =	vsel vm13, $0x186A0, v2;
	[tilespmem:$0x0] =	vst v1  }
0x38: {  	v18 =	vld [tilespmem:$0x80];
	vm15 =	vlt.s32 v4, $0x0;
	v17 =	vsel vm14, $0x186A0, v3;
	[tilespmem:$0x10] =	vst v15  }
0x39: {  	v20 =	vld [tilespmem:$0x90];
	vm4 =	vlt.s32 v5, $0x0;
	v19 =	vsel vm15, $0x186A0, v4;
	[tilespmem:$0x20] =	vst v17  }
0x3a: {  	v22 =	vld [tilespmem:$0xA0];
	vm5 =	vlt.s32 v6, $0x0;
	v21 =	vsel vm4, $0x186A0, v5;
	[tilespmem:$0x30] =	vst v19  }
0x3b: {  	v24 =	vld [tilespmem:$0xB0];
	vm6 =	vlt.s32 v7, $0x0;
	v23 =	vsel vm5, $0x186A0, v6;
	[tilespmem:$0x40] =	vst v21  }
0x3c: {  	v26 =	vld [tilespmem:$0xC0];
	vm7 =	vlt.s32 v16, $0x0;
	v25 =	vsel vm6, $0x186A0, v7;
	[tilespmem:$0x50] =	vst v23  }
0x3d: {  	v28 =	vld [tilespmem:$0xD0];
	vm8 =	vlt.s32 v18, $0x0;
	v27 =	vsel vm7, $0x186A0, v16;
	[tilespmem:$0x60] =	vst v25  }
0x3e: {  	v30 =	vld [tilespmem:$0xE0];
	vm9 =	vlt.s32 v20, $0x0;
	v29 =	vsel vm8, $0x186A0, v18;
	[tilespmem:$0x70] =	vst v27  }
0x3f: {  	v32 =	vld [tilespmem:$0xF0];
	vm10 =	vlt.s32 v22, $0x0;
	v31 =	vsel vm9, $0x186A0, v20;
	[tilespmem:$0x80] =	vst v29  }
0x40: {  	v34 =	vld [tilespmem:$0x100];
	vm11 =	vlt.s32 v24, $0x0;
	v33 =	vsel vm10, $0x186A0, v22;
	[tilespmem:$0x90] =	vst v31  }
0x41: {  	v36 =	vld [tilespmem:$0x110];
	vm12 =	vlt.s32 v26, $0x0;
	v35 =	vsel vm11, $0x186A0, v24;
	[tilespmem:$0xA0] =	vst v33  }
0x42: {  	v39 =	vld [tilespmem:$0x120];
	v38 =	vsel vm12, $0x186A0, v26;
	vm13 =	vlt.s32 v28, $0x0;
	[tilespmem:$0xB0] =	vst v35  }
0x43: {  	v41 =	vld [tilespmem:$0x130];
	vm14 =	vlt.s32 v30, $0x0;
	[tilespmem:$0xC0] =	vst v38;
	v40 =	vsel vm13, $0x186A0, v28  }
0x44: {  	v43 =	vld [tilespmem:$0x140];
	vm15 =	vlt.s32 v32, $0x0;
	v42 =	vsel vm14, $0x186A0, v30;
	[tilespmem:$0xD0] =	vst v40  }
0x45: {  	s31 =	sshll.u32 s24, $0x1;
	v45 =	vld [tilespmem:$0x150];
	vm4 =	vlt.s32 v34, $0x0;
	v44 =	vsel vm15, $0x186A0, v32;
	[tilespmem:$0xE0] =	vst v42  }
0x46: {  	s25 =	sor.u32 $0x1, s31;
	v47 =	vld [tilespmem:$0x160];
	vm5 =	vlt.s32 v36, $0x0;
	v46 =	vsel vm4, $0x186A0, v34;
	[tilespmem:$0xF0] =	vst v44  }
0x47: {  	p1 =	sgt.u32 s25, $0xBC;
	v49 =	vld [tilespmem:$0x170];
	vm6 =	vlt.s32 v39, $0x0;
	v48 =	vsel vm5, $0x186A0, v36;
	[tilespmem:$0x100] =	vst v46  }
0x48: {  	s26 =	smul.u32 @!p1 $0x25, s25;
	v51 =	vld [tilespmem:$0x180];
	vm7 =	vlt.s32 v41, $0x0;
	v50 =	vsel vm6, $0x186A0, v39;
	[tilespmem:$0x110] =	vst v48  }
0x49: {  	s28 =	sshll.u32 @!p1 s25, $0x5;
	v53 =	vld [tilespmem:$0x190];
	vm8 =	vlt.s32 v43, $0x0;
	v52 =	vsel vm7, $0x186A0, v41;
	[tilespmem:$0x120] =	vst v50  }
0x4a: {  	s28 =	sor.u32 @!p1 s3, s28;
	v55 =	vld [tilespmem:$0x1A0];
	s26 =	sshrl.u32 @!p1 s26, $0x8;
	vm9 =	vlt.s32 v45, $0x0;
	v54 =	vsel vm8, $0x186A0, v43;
	[tilespmem:$0x130] =	vst v52  }
0x4b: {  	v57 =	vld [tilespmem:$0x1B0];
	s29 =	smulhi.u32 @!p1 $0x92492493, s28;
	s25 =	ssub.s32 @!p1 s25, s26;
	vm10 =	vlt.s32 v47, $0x0;
	v56 =	vsel vm9, $0x186A0, v45;
	[tilespmem:$0x140] =	vst v54  }
0x4c: {  	s25 =	sand.u32 @!p1 $0xFE, s25;
	vm11 =	vlt.s32 v49, $0x0;
	v58 =	vsel vm10, $0x186A0, v47;
	[tilespmem:$0x150] =	vst v56  }
0x4d: {  	s29 =	sshrl.u32 @!p1 s29, $0x7;
	s25 =	sshrl.u32 @!p1 s25, $0x1;
	vm12 =	vlt.s32 v51, $0x0;
	v59 =	vsel vm11, $0x186A0, v49;
	[tilespmem:$0x160] =	vst v58  }
0x4e: {  	s25 =	sadd.s32 @!p1 s26, s25;
	s26 =	smul.u32 @!p1 $0xE0, s29;
	v60 =	vsel vm12, $0x186A0, v51;
	vm13 =	vlt.s32 v53, $0x0;
	[tilespmem:$0x170] =	vst v59  }
0x4f: {  	vm14 =	vlt.s32 v55, $0x0;
	[tilespmem:$0x180] =	vst v60;
	v61 =	vsel vm13, $0x186A0, v53  }
0x50: {  	s25 =	sand.u32 @!p1 $0xFC, s25;
	s26 =	ssub.s32 @!p1 s28, s26;
	vm15 =	vlt.s32 v57, $0x0;
	v62 =	vsel vm14, $0x186A0, v55;
	[tilespmem:$0x190] =	vst v61  }
0x51: {  	s25 =	sshrl.u32 @!p1 s25, $0x2;
	s26 =	smul.u32 @!p1 $0x1C0, s26;
	v63 =	vsel vm15, $0x186A0, v57;
	[tilespmem:$0x1A0] =	vst v62  }
0x52: {  	s25 =	smul.u32 @!p1 $0x186A0, s25;
	[tilespmem:$0x1B0] =	vst v63  }
0x53: {  	[tilespmem:s14], [sflag:$0x1] =	stream.indirect.gather [spmem:s1], $0x10, s2, s13, $0xb8;
	[tilespmem:$0x1FA28] =	vst v63  }
.Ltmp0:
0x54: {  	s26 =	smin.u32 @!p1 s26, $0x184E0;
	(pc) =	sbr.rel @p2 .LBB2_6-.Ltmp0, $4  }
0x55: {  	s25 =	sadd.s32 @!p1 s25, s26  }
0x56: {  	s25 =	sshrl.u32 @!p1 s25, $0x3  }
0x57: {  	s28 =	simm.s32 @!p1 $0x1C0;
	s26 =	simm.s32 @!p1 $0x0;
	s25 =	sadd.s32 @!p1 s5, s25  }
0x58: {  	[tilespmem:s28], [sflag:$0x6] =	stream.linear.gather @!p1 [hbm4b:s25+s26], $0x1C0, $0x38;
	[tilespmem:$0x1FA28] =	vst v63  }
0x59: {  	s25 =	simm.s32 $0x30  }
0x5a: {  	s26 =	simm.s32 $0x10;
	v1 =	vmov s25  }
0x5b: {  	v2 =	vmov s26;
	v1 =	vshll.u32 v1, $0x4  }
0x5c: {  	s30 =	simm.s32 $0x20;
	v2 =	vshll.u32 v2, $0x4;
	v5 =	vor.u32 v37, v1  }
0x5d: {  	s31 =	simm.s32 $0x0;
	v2 =	vor.u32 v37, v2;
	v1 =	vmov s30  }
0x5e: {  	v3 =	vmov s31;
	v1 =	vshll.u32 v1, $0x4  }
0x5f: {  	v3 =	vshll.u32 v3, $0x4;
	v4 =	vor.u32 v37, v1  }
0x60: {  	v3 =	vor.u32 v37, v3  }
0x61: {  	v1 =	vld.idx.msk [tilespmem:v5+s17+$0x0], $0xffff  }
0x62: {  	v7 =	vor.u32 $0x1, v5;
	v6 =	vld.idx.msk [tilespmem:v2+s17+$0x0], $0xffff  }
0x63: {  	v8 =	vor.u32 $0x1, v2  }
0x64: {  	v9 =	vld.idx.msk [tilespmem:v4+s17+$0x0], $0xffff  }
0x65: {  	s25 =	simm.s32 $0x6580;
	v10 =	vor.u32 $0x1, v4;
	v11 =	vld.idx.msk [tilespmem:v3+s17+$0x0], $0xffff  }
0x66: {  	[tilespmem:s25+$0xFFFFF230] =	vst v1;
	v1 =	vor.u32 $0x1, v3  }
0x67: {  	[tilespmem:s25+$0xFFFFF210] =	vst v6;
	v6 =	vld.idx.msk [tilespmem:v7+s17+$0x0], $0xffff  }
0x68: {  	v7 =	vld.idx.msk [tilespmem:v8+s17+$0x0], $0xffff;
	v8 =	vor.u32 $0x2, v5  }
0x69: {  	v12 =	vor.u32 $0x2, v2;
	[tilespmem:s25+$0xFFFFF220] =	vst v9  }
0x6a: {  	[tilespmem:s25+$0xFFFFF200] =	vst v11;
	v9 =	vld.idx.msk [tilespmem:v10+s17+$0x0], $0xffff  }
0x6b: {  	v10 =	vor.u32 $0x2, v4;
	v1 =	vld.idx.msk [tilespmem:v1+s17+$0x0], $0xffff  }
0x6c: {  	[tilespmem:s25+$0xFFFFF3F0] =	vst v6;
	v6 =	vor.u32 $0x2, v3  }
0x6d: {  	[tilespmem:s25+$0xFFFFF3D0] =	vst v7;
	v7 =	vld.idx.msk [tilespmem:v8+s17+$0x0], $0xffff  }
0x6e: {  	v11 =	vor.u32 $0x3, v5;
	v8 =	vld.idx.msk [tilespmem:v12+s17+$0x0], $0xffff  }
0x6f: {  	v12 =	vor.u32 $0x3, v2;
	[tilespmem:s25+$0xFFFFF3E0] =	vst v9  }
0x70: {  	[tilespmem:s25+$0xFFFFF3C0] =	vst v1;
	v1 =	vld.idx.msk [tilespmem:v10+s17+$0x0], $0xffff  }
0x71: {  	v9 =	vor.u32 $0x3, v4;
	v6 =	vld.idx.msk [tilespmem:v6+s17+$0x0], $0xffff  }
0x72: {  	[tilespmem:s25+$0xFFFFF5B0] =	vst v7;
	v7 =	vor.u32 $0x3, v3  }
0x73: {  	[tilespmem:s25+$0xFFFFF590] =	vst v8;
	v8 =	vld.idx.msk [tilespmem:v11+s17+$0x0], $0xffff  }
0x74: {  	v10 =	vld.idx.msk [tilespmem:v12+s17+$0x0], $0xffff;
	v11 =	vor.u32 $0x4, v5  }
0x75: {  	v12 =	vor.u32 $0x4, v2;
	[tilespmem:s25+$0xFFFFF5A0] =	vst v1  }
0x76: {  	[tilespmem:s25+$0xFFFFF580] =	vst v6;
	v1 =	vld.idx.msk [tilespmem:v9+s17+$0x0], $0xffff  }
0x77: {  	v6 =	vor.u32 $0x4, v4;
	v7 =	vld.idx.msk [tilespmem:v7+s17+$0x0], $0xffff  }
0x78: {  	[tilespmem:s25+$0xFFFFF770] =	vst v8;
	v8 =	vor.u32 $0x4, v3  }
0x79: {  	[tilespmem:s25+$0xFFFFF750] =	vst v10;
	v9 =	vld.idx.msk [tilespmem:v11+s17+$0x0], $0xffff  }
0x7a: {  	v10 =	vld.idx.msk [tilespmem:v12+s17+$0x0], $0xffff;
	v11 =	vor.u32 $0x5, v5  }
0x7b: {  	v12 =	vor.u32 $0x5, v2;
	[tilespmem:s25+$0xFFFFF760] =	vst v1  }
0x7c: {  	[tilespmem:s25+$0xFFFFF740] =	vst v7;
	v1 =	vld.idx.msk [tilespmem:v6+s17+$0x0], $0xffff  }
0x7d: {  	v6 =	vor.u32 $0x5, v4;
	v7 =	vld.idx.msk [tilespmem:v8+s17+$0x0], $0xffff  }
0x7e: {  	v8 =	vor.u32 $0x5, v3;
	[tilespmem:s25+$0xFFFFF930] =	vst v9  }
0x7f: {  	[tilespmem:s25+$0xFFFFF910] =	vst v10;
	v9 =	vld.idx.msk [tilespmem:v11+s17+$0x0], $0xffff  }
0x80: {  	v10 =	vld.idx.msk [tilespmem:v12+s17+$0x0], $0xffff;
	v11 =	vor.u32 $0x6, v5  }
0x81: {  	v12 =	vor.u32 $0x6, v2;
	[tilespmem:s25+$0xFFFFF920] =	vst v1  }
0x82: {  	[tilespmem:s25+$0xFFFFF900] =	vst v7;
	v1 =	vld.idx.msk [tilespmem:v6+s17+$0x0], $0xffff  }
0x83: {  	v6 =	vor.u32 $0x6, v4;
	v7 =	vld.idx.msk [tilespmem:v8+s17+$0x0], $0xffff  }
0x84: {  	v8 =	vor.u32 $0x6, v3;
	[tilespmem:s25+$0xFFFFFAF0] =	vst v9  }
0x85: {  	s28 =	simm.s32 $0x50;
	[tilespmem:s25+$0xFFFFFAD0] =	vst v10;
	v9 =	vld.idx.msk [tilespmem:v11+s17+$0x0], $0xffff  }
0x86: {  	v14 =	vmov s28;
	v10 =	vld.idx.msk [tilespmem:v12+s17+$0x0], $0xffff;
	v11 =	vor.u32 $0x7, v5  }
0x87: {  	v14 =	vshll.u32 v14, $0x4;
	v12 =	vor.u32 $0x7, v2;
	[tilespmem:s25+$0xFFFFFAE0] =	vst v1  }
0x88: {  	v23 =	vor.u32 v37, v14;
	[tilespmem:s25+$0xFFFFFAC0] =	vst v7;
	v1 =	vld.idx.msk [tilespmem:v6+s17+$0x0], $0xffff  }
0x89: {  	v6 =	vor.u32 $0x7, v4;
	v7 =	vld.idx.msk [tilespmem:v8+s17+$0x0], $0xffff  }
0x8a: {  	v8 =	vor.u32 $0x7, v3;
	[tilespmem:s25+$0xFFFFFCB0] =	vst v9  }
0x8b: {  	[tilespmem:s25+$0xFFFFFC90] =	vst v10;
	v9 =	vld.idx.msk [tilespmem:v11+s17+$0x0], $0xffff  }
0x8c: {  	v10 =	vld.idx.msk [tilespmem:v12+s17+$0x0], $0xffff;
	v11 =	vor.u32 $0x8, v5  }
0x8d: {  	v14 =	vld.idx.msk [tilespmem:v23+s17+$0x0], $0xffff;
	v12 =	vor.u32 $0x8, v2;
	[tilespmem:s25+$0xFFFFFCA0] =	vst v1  }
0x8e: {  	[tilespmem:s25+$0xFFFFFC80] =	vst v7;
	v1 =	vld.idx.msk [tilespmem:v6+s17+$0x0], $0xffff  }
0x8f: {  	v16 =	vor.u32 $0x1, v23;
	v7 =	vld.idx.msk [tilespmem:v8+s17+$0x0], $0xffff  }
0x90: {  	v6 =	vor.u32 $0x8, v4;
	[tilespmem:s25+$0xFFFFFE70] =	vst v9  }
0x91: {  	s26 =	simm.s32 $0x65C0;
	s30 =	simm.s32 $0x70;
	v8 =	vor.u32 $0x8, v3;
	[tilespmem:s25+$0xFFFFFE50] =	vst v10;
	v9 =	vld.idx.msk [tilespmem:v11+s17+$0x0], $0xffff  }
0x92: {  	s31 =	simm.s32 $0x60;
	[tilespmem:s26+$0xFFFFF210] =	vst v14;
	v10 =	vld.idx.msk [tilespmem:v12+s17+$0x0], $0xffff;
	v11 =	vmov s30;
	v12 =	vor.u32 $0x9, v5  }
0x93: {  	s28 =	simm.s32 $0x40;
	v15 =	vmov s31;
	v13 =	vor.u32 $0x9, v2;
	v11 =	vshll.u32 v11, $0x4;
	[tilespmem:s25+$0xFFFFFE60] =	vst v1  }
0x94: {  	v16 =	vld.idx.msk [tilespmem:v16+s17+$0x0], $0xffff;
	v1 =	vor.u32 v37, v11;
	v11 =	vmov s28;
	[tilespmem:s25+$0xFFFFFE40] =	vst v7;
	v7 =	vshll.u32 v15, $0x4  }
0x95: {  	v6 =	vld.idx.msk [tilespmem:v6+s17+$0x0], $0xffff;
	v11 =	vshll.u32 v11, $0x4;
	v24 =	vor.u32 v37, v7  }
0x96: {  	v8 =	vld.idx.msk [tilespmem:v8+s17+$0x0], $0xffff;
	v28 =	vor.u32 v37, v11;
	[tilespmem:s25+$0x30] =	vst v9  }
0x97: {  	[tilespmem:s25+$0x10] =	vst v10;
	v9 =	vor.u32 $0x9, v4;
	v7 =	vld.idx.msk [tilespmem:v12+s17+$0x0], $0xffff  }
0x98: {  	v10 =	vld.idx.msk [tilespmem:v13+s17+$0x0], $0xffff;
	v12 =	vor.u32 $0xA, v5  }
0x99: {  	v13 =	vor.u32 $0x9, v3;
	v11 =	vld.idx.msk [tilespmem:v1+s17+$0x0], $0xffff  }
0x9a: {  	v15 =	vor.u32 $0x1, v1;
	[tilespmem:s25+$0x20] =	vst v6;
	v6 =	vld.idx.msk [tilespmem:v24+s17+$0x0], $0xffff  }
0x9b: {  	v17 =	vor.u32 $0x1, v24;
	[tilespmem:s25+$0x0] =	vst v8;
	v8 =	vld.idx.msk [tilespmem:v28+s17+$0x0], $0xffff  }
0x9c: {  	v9 =	vld.idx.msk [tilespmem:v9+s17+$0x0], $0xffff;
	[tilespmem:s25+$0x1F0] =	vst v7;
	v7 =	vor.u32 $0x1, v28  }
0x9d: {  	[tilespmem:s25+$0x1D0] =	vst v10;
	v10 =	vld.idx.msk [tilespmem:v12+s17+$0x0], $0xffff;
	v12 =	vor.u32 $0xA, v2  }
0x9e: {  	v14 =	vor.u32 $0xB, v5;
	[tilespmem:s26+$0xFFFFF230] =	vst v11;
	v11 =	vld.idx.msk [tilespmem:v13+s17+$0x0], $0xffff  }
0x9f: {  	v13 =	vld.idx.msk [tilespmem:v15+s17+$0x0], $0xffff;
	v15 =	vor.u32 $0xA, v4;
	[tilespmem:s26+$0xFFFFF220] =	vst v6  }
0xa0: {  	[tilespmem:s26+$0xFFFFF200] =	vst v8;
	v8 =	vor.u32 $0x2, v1;
	v6 =	vld.idx.msk [tilespmem:v17+s17+$0x0], $0xffff  }
0xa1: {  	v17 =	vor.u32 $0x2, v23;
	[tilespmem:s25+$0x1E0] =	vst v9;
	v7 =	vld.idx.msk [tilespmem:v7+s17+$0x0], $0xffff  }
0xa2: {  	v9 =	vor.u32 $0x2, v24;
	v12 =	vld.idx.msk [tilespmem:v12+s17+$0x0], $0xffff;
	[tilespmem:s25+$0x3B0] =	vst v10  }
0xa3: {  	v10 =	vor.u32 $0x2, v28;
	[tilespmem:s25+$0x1C0] =	vst v11;
	v11 =	vld.idx.msk [tilespmem:v14+s17+$0x0], $0xffff  }
0xa4: {  	v14 =	vor.u32 $0xA, v3;
	[tilespmem:s26+$0xFFFFF3F0] =	vst v13;
	v13 =	vld.idx.msk [tilespmem:v15+s17+$0x0], $0xffff  }
0xa5: {  	[tilespmem:s26+$0xFFFFF3D0] =	vst v16;
	v15 =	vor.u32 $0xC, v5;
	v8 =	vld.idx.msk [tilespmem:v8+s17+$0x0], $0xffff  }
0xa6: {  	v16 =	vor.u32 $0xB, v2;
	v17 =	vld.idx.msk [tilespmem:v17+s17+$0x0], $0xffff;
	[tilespmem:s26+$0xFFFFF3E0] =	vst v6  }
0xa7: {  	[tilespmem:s26+$0xFFFFF3C0] =	vst v7;
	v6 =	vld.idx.msk [tilespmem:v9+s17+$0x0], $0xffff;
	v7 =	vor.u32 $0x3, v1  }
0xa8: {  	v9 =	vor.u32 $0x3, v23;
	v10 =	vld.idx.msk [tilespmem:v10+s17+$0x0], $0xffff;
	[tilespmem:s25+$0x390] =	vst v12  }
0xa9: {  	v12 =	vor.u32 $0x3, v24;
	v14 =	vld.idx.msk [tilespmem:v14+s17+$0x0], $0xffff;
	[tilespmem:s25+$0x570] =	vst v11  }
0xaa: {  	v11 =	vor.u32 $0x3, v28;
	[tilespmem:s25+$0x3A0] =	vst v13;
	v13 =	vld.idx.msk [tilespmem:v15+s17+$0x0], $0xffff  }
0xab: {  	v15 =	vor.u32 $0xB, v4;
	[tilespmem:s26+$0xFFFFF5B0] =	vst v8;
	v8 =	vld.idx.msk [tilespmem:v16+s17+$0x0], $0xffff  }
0xac: {  	v16 =	vor.u32 $0xD, v5;
	[tilespmem:s26+$0xFFFFF590] =	vst v17;
	v7 =	vld.idx.msk [tilespmem:v7+s17+$0x0], $0xffff  }
0xad: {  	v17 =	vor.u32 $0xB, v3;
	v9 =	vld.idx.msk [tilespmem:v9+s17+$0x0], $0xffff;
	[tilespmem:s26+$0xFFFFF5A0] =	vst v6  }
0xae: {  	[tilespmem:s26+$0xFFFFF580] =	vst v10;
	v6 =	vld.idx.msk [tilespmem:v12+s17+$0x0], $0xffff;
	v10 =	vor.u32 $0x4, v1  }
0xaf: {  	v12 =	vor.u32 $0x4, v23;
	v11 =	vld.idx.msk [tilespmem:v11+s17+$0x0], $0xffff;
	[tilespmem:s25+$0x380] =	vst v14  }
0xb0: {  	v14 =	vor.u32 $0x4, v24;
	v15 =	vld.idx.msk [tilespmem:v15+s17+$0x0], $0xffff;
	[tilespmem:s25+$0x730] =	vst v13  }
0xb1: {  	v13 =	vor.u32 $0x4, v28;
	[tilespmem:s25+$0x550] =	vst v8;
	v8 =	vld.idx.msk [tilespmem:v16+s17+$0x0], $0xffff  }
0xb2: {  	v16 =	vor.u32 $0xC, v2;
	[tilespmem:s26+$0xFFFFF770] =	vst v7;
	v7 =	vld.idx.msk [tilespmem:v17+s17+$0x0], $0xffff  }
0xb3: {  	[tilespmem:s26+$0xFFFFF750] =	vst v9;
	v9 =	vld.idx.msk [tilespmem:v10+s17+$0x0], $0xffff;
	v10 =	vor.u32 $0xE, v5  }
0xb4: {  	v17 =	vor.u32 $0xC, v4;
	v12 =	vld.idx.msk [tilespmem:v12+s17+$0x0], $0xffff;
	[tilespmem:s26+$0xFFFFF760] =	vst v6  }
0xb5: {  	[tilespmem:s26+$0xFFFFF740] =	vst v11;
	v6 =	vld.idx.msk [tilespmem:v14+s17+$0x0], $0xffff;
	v11 =	vor.u32 $0x5, v1  }
0xb6: {  	v14 =	vor.u32 $0x5, v23;
	v13 =	vld.idx.msk [tilespmem:v13+s17+$0x0], $0xffff;
	[tilespmem:s25+$0x560] =	vst v15  }
0xb7: {  	v15 =	vor.u32 $0x5, v24;
	v16 =	vld.idx.msk [tilespmem:v16+s17+$0x0], $0xffff;
	[tilespmem:s25+$0x8F0] =	vst v8  }
0xb8: {  	v8 =	vor.u32 $0x5, v28;
	[tilespmem:s25+$0x540] =	vst v7;
	v7 =	vld.idx.msk [tilespmem:v10+s17+$0x0], $0xffff  }
0xb9: {  	v10 =	vor.u32 $0xC, v3;
	[tilespmem:s26+$0xFFFFF930] =	vst v9;
	v9 =	vld.idx.msk [tilespmem:v17+s17+$0x0], $0xffff  }
0xba: {  	v5 =	vor.u32 $0xF, v5;
	[tilespmem:s26+$0xFFFFF910] =	vst v12;
	v11 =	vld.idx.msk [tilespmem:v11+s17+$0x0], $0xffff  }
0xbb: {  	v12 =	vor.u32 $0xD, v2;
	v14 =	vld.idx.msk [tilespmem:v14+s17+$0x0], $0xffff;
	[tilespmem:s26+$0xFFFFF920] =	vst v6  }
0xbc: {  	[tilespmem:s26+$0xFFFFF900] =	vst v13;
	v6 =	vld.idx.msk [tilespmem:v15+s17+$0x0], $0xffff;
	v13 =	vor.u32 $0x6, v1  }
0xbd: {  	v15 =	vor.u32 $0x6, v23;
	v8 =	vld.idx.msk [tilespmem:v8+s17+$0x0], $0xffff;
	[tilespmem:s25+$0x710] =	vst v16  }
0xbe: {  	v16 =	vor.u32 $0x6, v24;
	v10 =	vld.idx.msk [tilespmem:v10+s17+$0x0], $0xffff;
	[tilespmem:s25+$0xAB0] =	vst v7  }
0xbf: {  	v7 =	vor.u32 $0x6, v28;
	[tilespmem:s25+$0x720] =	vst v9;
	v5 =	vld.idx.msk [tilespmem:v5+s17+$0x0], $0xffff  }
0xc0: {  	v9 =	vor.u32 $0xD, v4;
	[tilespmem:s26+$0xFFFFFAF0] =	vst v11;
	v11 =	vld.idx.msk [tilespmem:v12+s17+$0x0], $0xffff  }
0xc1: {  	v12 =	vor.u32 $0xD, v3;
	[tilespmem:s26+$0xFFFFFAD0] =	vst v14;
	v13 =	vld.idx.msk [tilespmem:v13+s17+$0x0], $0xffff  }
0xc2: {  	v14 =	vor.u32 $0xE, v2;
	v15 =	vld.idx.msk [tilespmem:v15+s17+$0x0], $0xffff;
	[tilespmem:s26+$0xFFFFFAE0] =	vst v6  }
0xc3: {  	[tilespmem:s26+$0xFFFFFAC0] =	vst v8;
	v6 =	vld.idx.msk [tilespmem:v16+s17+$0x0], $0xffff;
	v8 =	vor.u32 $0x7, v1  }
0xc4: {  	v16 =	vor.u32 $0x7, v23;
	v7 =	vld.idx.msk [tilespmem:v7+s17+$0x0], $0xffff;
	[tilespmem:s25+$0x700] =	vst v10  }
0xc5: {  	v29 =	vor.u32 $0xF, v2;
	v17 =	vor.u32 $0x7, v24;
	v9 =	vld.idx.msk [tilespmem:v9+s17+$0x0], $0xffff;
	[tilespmem:s25+$0xC70] =	vst v5  }
0xc6: {  	v39 =	vor.u32 $0xF, v3;
	v26 =	vor.u32 $0x8, v23;
	v30 =	vor.u32 $0x7, v28;
	v31 =	vld.idx.msk [tilespmem:v12+s17+$0x0], $0xffff;
	[tilespmem:s25+$0x8D0] =	vst v11  }
0xc7: {  	v22 =	vor.u32 $0x9, v23;
	v38 =	vor.u32 $0xF, v4;
	v10 =	vor.u32 $0xE, v4;
	[tilespmem:s26+$0xFFFFFCB0] =	vst v13;
	v4 =	vld.idx.msk [tilespmem:v14+s17+$0x0], $0xffff  }
0xc8: {  	v44 =	vor.u32 $0xD, v23;
	v36 =	vor.u32 $0x8, v1;
	v5 =	vor.u32 $0xE, v3;
	[tilespmem:s26+$0xFFFFFC90] =	vst v15;
	v34 =	vld.idx.msk [tilespmem:v8+s17+$0x0], $0xffff  }
0xc9: {  	v25 =	vor.u32 $0x8, v28;
	v27 =	vor.u32 $0x8, v24;
	v20 =	vor.u32 $0x9, v28;
	v35 =	vld.idx.msk [tilespmem:v16+s17+$0x0], $0xffff;
	[tilespmem:s26+$0xFFFFFCA0] =	vst v6  }
0xca: {  	v21 =	vor.u32 $0x9, v24;
	v18 =	vor.u32 $0xA, v28;
	v19 =	vor.u32 $0xA, v24;
	v32 =	vld.idx.msk [tilespmem:v17+s17+$0x0], $0xffff;
	[tilespmem:s26+$0xFFFFFC80] =	vst v7  }
0xcb: {  	v47 =	vor.u32 $0xC, v24;
	v48 =	vor.u32 $0xC, v28;
	v42 =	vor.u32 $0xD, v24;
	[tilespmem:s25+$0x8E0] =	vst v9;
	v33 =	vld.idx.msk [tilespmem:v30+s17+$0x0], $0xffff  }
0xcc: {  	v41 =	vor.u32 $0xD, v28;
	v12 =	vor.u32 $0xE, v23;
	v11 =	vor.u32 $0xE, v28;
	[tilespmem:s25+$0x8C0] =	vst v31;
	v31 =	vld.idx.msk [tilespmem:v10+s17+$0x0], $0xffff  }
0xcd: {  	v15 =	vor.u32 $0xA, v23;
	v13 =	vor.u32 $0xB, v28;
	v14 =	vor.u32 $0xC, v23;
	v30 =	vld.idx.msk [tilespmem:v5+s17+$0x0], $0xffff;
	[tilespmem:s25+$0xA90] =	vst v4  }
0xce: {  	v16 =	vor.u32 $0xB, v23;
	v17 =	vor.u32 $0xB, v24;
	v7 =	vor.u32 $0xF, v23;
	[tilespmem:s26+$0xFFFFFE70] =	vst v34;
	v29 =	vld.idx.msk [tilespmem:v29+s17+$0x0], $0xffff  }
0xcf: {  	s29 =	simm.s32 $0x80;
	s28 =	simm.s32 $0x4;
	v23 =	vor.u32 $0xF, v28;
	v10 =	vor.u32 $0xE, v24;
	v24 =	vor.u32 $0xF, v24;
	[tilespmem:s26+$0xFFFFFE50] =	vst v35;
	v28 =	vld.idx.msk [tilespmem:v36+s17+$0x0], $0xffff  }
.LBB2_4:
0xd0: {  	[tilespmem:$0x1FF70] =	vst v47  }
0xd1: {  	[tilespmem:$0x1FFB0] =	vst v42  }
0xd2: {  	[tilespmem:$0x1FF90] =	vst v48;
	v2 =	vmov v24  }
0xd3: {  	v0 =	vmov v23;
	[tilespmem:$0x1FF80] =	vst v2  }
0xd4: {  	[tilespmem:$0x1FFE0] =	vst v0  }
0xd5: {  	s31 =	sadd.s32 $0x30, s29;
	v26 =	vld.idx.msk [tilespmem:v26+s17+$0x0], $0xffff;
	[tilespmem:s26+$0xFFFFFE60] =	vst v32  }
0xd6: {  	v34 =	vmov s29;
	s30 =	sadd.s32 $0x10, s29;
	v62 =	vor.u32 $0x9, v1;
	v35 =	vmov s31;
	[tilespmem:s26+$0xFFFFFE40] =	vst v33  }
0xd7: {  	v61 =	vmov s30;
	s30 =	sadd.s32 $0x20, s29;
	v34 =	vshll.u32 v34, $0x4;
	v35 =	vshll.u32 v35, $0x4;
	v27 =	vld.idx.msk [tilespmem:v27+s17+$0x0], $0xffff;
	[tilespmem:s25+$0xAA0] =	vst v31  }
0xd8: {  	v36 =	vmov s30;
	v32 =	vshll.u32 v61, $0x4;
	v25 =	vld.idx.msk [tilespmem:v25+s17+$0x0], $0xffff;
	v31 =	vor.u32 v37, v35;
	[tilespmem:s25+$0xA80] =	vst v30  }
0xd9: {  	v36 =	vshll.u32 v36, $0x4;
	v47 =	vor.u32 v37, v34;
	v24 =	vor.u32 v37, v32;
	[tilespmem:s26+$0x30] =	vst v28;
	v30 =	vld.idx.msk [tilespmem:v38+s17+$0x0], $0xffff  }
0xda: {  	v48 =	vor.u32 v37, v36;
	v63 =	vld.idx.msk [tilespmem:v39+s17+$0x0], $0xffff;
	[tilespmem:s26+$0x10] =	vst v26;
	v0 =	vor.u32 $0x7, v47  }
0xdb: {  	v23 =	vld.idx.msk [tilespmem:v62+s17+$0x0], $0xffff;
	[tilespmem:$0x1FFD0] =	vst v0  }
0xdc: {  	v45 =	vld.idx.msk [tilespmem:v22+s17+$0x0], $0xffff;
	[tilespmem:s26+$0x20] =	vst v27  }
0xdd: {  	v55 =	vor.u32 $0xA, v1;
	v46 =	vld.idx.msk [tilespmem:v31+s17+$0x0], $0xffff;
	[tilespmem:s26+$0x0] =	vst v25  }
0xde: {  	v56 =	vld.idx.msk [tilespmem:v24+s17+$0x0], $0xffff;
	[tilespmem:s25+$0xC50] =	vst v29  }
0xdf: {  	v58 =	vor.u32 $0x1, v31;
	v57 =	vld.idx.msk [tilespmem:v48+s17+$0x0], $0xffff;
	[tilespmem:s25+$0xC60] =	vst v30  }
0xe0: {  	v40 =	vor.u32 $0x1, v24;
	v59 =	vld.idx.msk [tilespmem:v47+s17+$0x0], $0xffff;
	[tilespmem:s25+$0xC40] =	vst v63  }
0xe1: {  	s25 =	smov.u32 s26;
	[tilespmem:s26+$0x1F0] =	vst v23;
	v37 =	vld.idx.msk [tilespmem:v21+s17+$0x0], $0xffff  }
0xe2: {  	v43 =	vor.u32 $0x1, v48;
	s26 =	sadd.s32 $0x40, s26;
	[tilespmem:s25+$0x1D0] =	vst v45;
	v23 =	vld.idx.msk [tilespmem:v55+s17+$0x0], $0xffff  }
0xe3: {  	v39 =	vor.u32 $0x1, v47;
	v60 =	vld.idx.msk [tilespmem:v20+s17+$0x0], $0xffff;
	[tilespmem:s26+$0xFFFFF230] =	vst v46  }
0xe4: {  	v62 =	vor.u32 $0xB, v1;
	[tilespmem:s26+$0xFFFFF210] =	vst v56;
	v58 =	vld.idx.msk [tilespmem:v58+s17+$0x0], $0xffff  }
0xe5: {  	v0 =	vld.idx.msk [tilespmem:v40+s17+$0x0], $0xffff;
	[tilespmem:s26+$0xFFFFF220] =	vst v57  }
0xe6: {  	v5 =	vor.u32 $0x2, v31;
	[tilespmem:s26+$0xFFFFF200] =	vst v59;
	v9 =	vld.idx.msk [tilespmem:v15+s17+$0x0], $0xffff  }
0xe7: {  	v50 =	vor.u32 $0x2, v24;
	v3 =	vld.idx.msk [tilespmem:v43+s17+$0x0], $0xffff;
	[tilespmem:s25+$0x1E0] =	vst v37  }
0xe8: {  	v51 =	vor.u32 $0x2, v48;
	v55 =	vor.u32 $0xA, v24;
	v6 =	vld.idx.msk [tilespmem:v39+s17+$0x0], $0xffff;
	[tilespmem:s25+$0x3B0] =	vst v23  }
0xe9: {  	v49 =	vor.u32 $0x2, v47;
	v15 =	vmov v55;
	[tilespmem:s25+$0x1C0] =	vst v60;
	v55 =	vld.idx.msk [tilespmem:v62+s17+$0x0], $0xffff  }
0xea: {  	v60 =	vld.idx.msk [tilespmem:v19+s17+$0x0], $0xffff;
	[tilespmem:s26+$0xFFFFF3F0] =	vst v58  }
0xeb: {  	[tilespmem:s26+$0xFFFFF3D0] =	vst v0;
	v0 =	vld.idx.msk [tilespmem:v5+s17+$0x0], $0xffff;
	v5 =	vor.u32 $0xC, v1  }
0xec: {  	v50 =	vld.idx.msk [tilespmem:v50+s17+$0x0], $0xffff;
	[tilespmem:s26+$0xFFFFF3E0] =	vst v3  }
0xed: {  	[tilespmem:s26+$0xFFFFF3C0] =	vst v6;
	v6 =	vor.u32 $0x3, v31;
	v3 =	vld.idx.msk [tilespmem:v51+s17+$0x0], $0xffff  }
0xee: {  	[tilespmem:s25+$0x390] =	vst v9;
	v49 =	vld.idx.msk [tilespmem:v49+s17+$0x0], $0xffff  }
0xef: {  	v9 =	vld.idx.msk [tilespmem:v18+s17+$0x0], $0xffff;
	[tilespmem:s25+$0x570] =	vst v55  }
0xf0: {  	v52 =	vor.u32 $0x3, v47;
	[tilespmem:s25+$0x3A0] =	vst v60;
	v5 =	vld.idx.msk [tilespmem:v5+s17+$0x0], $0xffff  }
0xf1: {  	v53 =	vor.u32 $0x3, v24;
	v2 =	vor.u32 $0xB, v24;
	[tilespmem:s26+$0xFFFFF5B0] =	vst v0;
	v0 =	vld.idx.msk [tilespmem:v16+s17+$0x0], $0xffff  }
0xf2: {  	v16 =	vmov v2;
	[tilespmem:s26+$0xFFFFF590] =	vst v50;
	v2 =	vld.idx.msk [tilespmem:v6+s17+$0x0], $0xffff;
	v6 =	vor.u32 $0xD, v1  }
0xf3: {  	[tilespmem:s26+$0xFFFFF5A0] =	vst v3  }
0xf4: {  	v54 =	vor.u32 $0x3, v48;
	[tilespmem:s26+$0xFFFFF580] =	vst v49  }
0xf5: {  	v61 =	vor.u32 $0xA, v47;
	v49 =	vld.idx.msk [tilespmem:v52+s17+$0x0], $0xffff;
	[tilespmem:s25+$0x380] =	vst v9  }
0xf6: {  	v62 =	vor.u32 $0x4, v31;
	v18 =	vmov v61;
	v61 =	vld.idx.msk [tilespmem:v53+s17+$0x0], $0xffff;
	[tilespmem:s25+$0x730] =	vst v5  }
0xf7: {  	v42 =	vor.u32 $0x4, v47;
	[tilespmem:s25+$0x550] =	vst v0;
	v0 =	vld.idx.msk [tilespmem:v6+s17+$0x0], $0xffff  }
0xf8: {  	[tilespmem:s26+$0xFFFFF770] =	vst v2;
	v2 =	vld.idx.msk [tilespmem:v13+s17+$0x0], $0xffff  }
0xf9: {  	[tilespmem:$0x1FFA0] =	vst v44;
	v44 =	vor.u32 $0x4, v24;
	v3 =	vld.idx.msk [tilespmem:v54+s17+$0x0], $0xffff  }
0xfa: {  	[tilespmem:$0x1FFC0] =	vst v41;
	v9 =	vld.idx.msk [tilespmem:v17+s17+$0x0], $0xffff  }
0xfb: {  	v41 =	vor.u32 $0x4, v48;
	v5 =	vld.idx.msk [tilespmem:v62+s17+$0x0], $0xffff;
	[tilespmem:s26+$0xFFFFF740] =	vst v49  }
0xfc: {  	[tilespmem:s26+$0xFFFFF750] =	vst v61;
	v42 =	vld.idx.msk [tilespmem:v42+s17+$0x0], $0xffff  }
0xfd: {  	v6 =	vor.u32 $0xE, v1;
	[tilespmem:s25+$0x540] =	vst v2;
	v2 =	vld [tilespmem:$0x1FF70]  }
0xfe: {  	v63 =	vor.u32 $0xB, v47;
	v44 =	vld.idx.msk [tilespmem:v44+s17+$0x0], $0xffff  }
0xff: {  	v13 =	vmov v63;
	v63 =	vor.u32 $0x5, v31;
	[tilespmem:s26+$0xFFFFF760] =	vst v3  }
0x100: {  	v38 =	vor.u32 $0x5, v24;
	v3 =	vld.idx.msk [tilespmem:v41+s17+$0x0], $0xffff;
	[tilespmem:s25+$0x560] =	vst v9  }
0x101: {  	v36 =	vor.u32 $0x5, v48;
	v35 =	vor.u32 $0x5, v47;
	v32 =	vor.u32 $0x6, v47;
	v9 =	vld.idx.msk [tilespmem:v14+s17+$0x0], $0xffff;
	[tilespmem:s25+$0x8F0] =	vst v0  }
0x102: {  	v28 =	vmovc v7;
	v4 =	vor.u32 $0xC, v48;
	v7 =	vor.u32 $0xC, v47;
	v8 =	vor.u32 $0xD, v24;
	v0 =	vld.idx.msk [tilespmem:v6+s17+$0x0], $0xffff;
	[tilespmem:s26+$0xFFFFF930] =	vst v5  }
0x103: {  	v25 =	vor.u32 $0x8, v47;
	v20 =	vor.u32 $0x9, v47;
	[tilespmem:s26+$0xFFFFF910] =	vst v44;
	v5 =	vor.u32 $0xF, v1;
	v44 =	vmovc v8;
	v8 =	vld [tilespmem:$0x1FFB0]  }
0x104: {  	v45 =	vor.u32 $0xD, v47;
	v40 =	vor.u32 $0xE, v47;
	v23 =	vor.u32 $0xF, v47;
	v47 =	vmovc v4;
	v4 =	vld.idx.msk [tilespmem:v63+s17+$0x0], $0xffff  }
0x105: {  	v2 =	vld.idx.msk [tilespmem:v2+s17+$0x0], $0xffff  }
0x106: {  	v1 =	vmov v31;
	v6 =	vld.idx.msk [tilespmem:v38+s17+$0x0], $0xffff;
	[tilespmem:s25+$0x710] =	vst v9  }
0x107: {  	v31 =	vor.u32 $0x6, v1;
	v9 =	vld [tilespmem:$0x1FF90];
	[tilespmem:s25+$0xAB0] =	vst v0  }
0x108: {  	v0 =	vld.idx.msk [tilespmem:v5+s17+$0x0], $0xffff;
	[tilespmem:s26+$0xFFFFF920] =	vst v3  }
0x109: {  	[tilespmem:s26+$0xFFFFF900] =	vst v42;
	v3 =	vld.idx.msk [tilespmem:v36+s17+$0x0], $0xffff  }
0x10a: {  	[tilespmem:s25+$0x720] =	vst v2;
	v2 =	vld [tilespmem:$0x1FFA0]  }
0x10b: {  	v35 =	vld.idx.msk [tilespmem:v35+s17+$0x0], $0xffff;
	[tilespmem:s26+$0xFFFFFAF0] =	vst v4  }
0x10c: {  	v33 =	vor.u32 $0x6, v24;
	v4 =	vld.idx.msk [tilespmem:v31+s17+$0x0], $0xffff  }
0x10d: {  	v34 =	vor.u32 $0x6, v48;
	v26 =	vor.u32 $0x8, v24;
	v22 =	vor.u32 $0x9, v24;
	[tilespmem:s25+$0xC70] =	vst v0;
	v0 =	vld [tilespmem:$0x1FFC0]  }
0x10e: {  	v29 =	vor.u32 $0x7, v24;
	v27 =	vor.u32 $0x8, v48;
	v30 =	vor.u32 $0x7, v48  }
0x10f: {  	v21 =	vor.u32 $0x9, v48;
	v56 =	vor.u32 $0xA, v48;
	v46 =	vor.u32 $0xD, v48;
	v9 =	vld.idx.msk [tilespmem:v9+s17+$0x0], $0xffff  }
0x110: {  	v57 =	vor.u32 $0xB, v48;
	v59 =	vor.u32 $0xC, v24;
	v43 =	vor.u32 $0xE, v24;
	v38 =	vld [tilespmem:$0x1FF80];
	[tilespmem:s26+$0xFFFFFAC0] =	vst v35  }
0x111: {  	v39 =	vor.u32 $0xE, v48;
	v37 =	vor.u32 $0xF, v24;
	v24 =	vor.u32 $0xF, v48;
	v48 =	vmovc v7;
	v7 =	vld.idx.msk [tilespmem:v32+s17+$0x0], $0xffff;
	[tilespmem:s26+$0xFFFFFAE0] =	vst v3  }
0x112: {  	v2 =	vld.idx.msk [tilespmem:v2+s17+$0x0], $0xffff;
	[tilespmem:s26+$0xFFFFFAD0] =	vst v6;
	v6 =	vor.u32 $0x7, v1  }
0x113: {  	v3 =	vld.idx.msk [tilespmem:v34+s17+$0x0], $0xffff  }
0x114: {  	[tilespmem:s25+$0x700] =	vst v9;
	v8 =	vld.idx.msk [tilespmem:v8+s17+$0x0], $0xffff  }
0x115: {  	v0 =	vld.idx.msk [tilespmem:v0+s17+$0x0], $0xffff  }
0x116: {  	[tilespmem:s26+$0xFFFFFCB0] =	vst v4;
	v5 =	vld.idx.msk [tilespmem:v33+s17+$0x0], $0xffff  }
0x117: {  	v4 =	vld.idx.msk [tilespmem:v6+s17+$0x0], $0xffff  }
0x118: {  	[tilespmem:s25+$0x8D0] =	vst v2;
	v6 =	vld [tilespmem:$0x1FFD0]  }
0x119: {  	[tilespmem:s26+$0xFFFFFCA0] =	vst v3;
	v2 =	vld.idx.msk [tilespmem:v12+s17+$0x0], $0xffff  }
0x11a: {  	[tilespmem:s26+$0xFFFFFC80] =	vst v7;
	v7 =	vmov v37;
	v37 =	vld [tilespmem:$0x1FFF0]  }
0x11b: {  	v3 =	vor.u32 $0x8, v1;
	v32 =	vld.idx.msk [tilespmem:v30+s17+$0x0], $0xffff;
	[tilespmem:s25+$0x8E0] =	vst v8  }
0x11c: {  	s28 =	sadd.s32 $0x4, s28;
	v31 =	vld.idx.msk [tilespmem:v10+s17+$0x0], $0xffff;
	[tilespmem:s26+$0xFFFFFC90] =	vst v5  }
0x11d: {  	p2 =	slt.u32 s28, $0x18;
	v5 =	vld.idx.msk [tilespmem:v29+s17+$0x0], $0xffff  }
.Ltmp1:
0x11e: {  	v10 =	vmov v39;
	v39 =	vld [tilespmem:$0x1FFE0];
	[tilespmem:s25+$0xA90] =	vst v2;
	(pc) =	sbr.rel @p2 .LBB2_4-.Ltmp1, $4  }
0x11f: {  	[tilespmem:s26+$0xFFFFFE70] =	vst v4;
	v29 =	vld.idx.msk [tilespmem:v28+s17+$0x0], $0xffff  }
0x120: {  	v28 =	vld.idx.msk [tilespmem:v3+s17+$0x0], $0xffff  }
0x121: {  	v19 =	vmov v56;
	v17 =	vmov v57;
	v33 =	vld.idx.msk [tilespmem:v6+s17+$0x0], $0xffff;
	[tilespmem:s25+$0x8C0] =	vst v0  }
0x122: {  	s29 =	sadd.s32 $0x40, s29;
	v14 =	vmovc v59;
	v41 =	vmovc v45;
	v42 =	vmov v46;
	v12 =	vmov v43;
	[tilespmem:s26+$0xFFFFFE50] =	vst v5;
	v30 =	vld.idx.msk [tilespmem:v11+s17+$0x0], $0xffff;
	v11 =	vmov v40  }
0x123: {  	_ =	sdelay $0x3  }
0x124: {  	v0 =	vld.idx.msk [tilespmem:v26+s17+$0x0], $0xffff;
	[tilespmem:s26+$0xFFFFFE60] =	vst v32;
	v2 =	vor.u32 $0x9, v1  }
0x125: {  	v3 =	vld.idx.msk [tilespmem:v27+s17+$0x0], $0xffff;
	[tilespmem:s26+$0xFFFFFE40] =	vst v33  }
0x126: {  	v4 =	vld.idx.msk [tilespmem:v25+s17+$0x0], $0xffff;
	_ =	sdelay $0x1  }
0x127: {  	[tilespmem:s26+$0x30] =	vst v28  }
0x128: {  	[tilespmem:s26+$0x10] =	vst v0;
	v45 =	vld.idx.msk [tilespmem:v2+s17+$0x0], $0xffff  }
0x129: {  	v49 =	vor.u32 $0xA, v1;
	v46 =	vld.idx.msk [tilespmem:v22+s17+$0x0], $0xffff;
	[tilespmem:s26+$0x20] =	vst v3  }
0x12a: {  	v50 =	vld.idx.msk [tilespmem:v21+s17+$0x0], $0xffff;
	[tilespmem:s26+$0x0] =	vst v4  }
0x12b: {  	v5 =	vld.idx.msk [tilespmem:v20+s17+$0x0], $0xffff;
	_ =	sdelay $0x1  }
0x12c: {  	[tilespmem:s26+$0x1F0] =	vst v45  }
0x12d: {  	[tilespmem:s26+$0x1D0] =	vst v46;
	v0 =	vld.idx.msk [tilespmem:v49+s17+$0x0], $0xffff  }
0x12e: {  	v51 =	vor.u32 $0xB, v1;
	[tilespmem:s26+$0x1E0] =	vst v50;
	v52 =	vld.idx.msk [tilespmem:v15+s17+$0x0], $0xffff  }
0x12f: {  	v4 =	vld.idx.msk [tilespmem:v19+s17+$0x0], $0xffff;
	[tilespmem:s26+$0x1C0] =	vst v5  }
0x130: {  	v5 =	vld.idx.msk [tilespmem:v18+s17+$0x0], $0xffff;
	_ =	sdelay $0x1  }
0x131: {  	[tilespmem:s26+$0x3B0] =	vst v0  }
0x132: {  	v0 =	vld.idx.msk [tilespmem:v51+s17+$0x0], $0xffff;
	[tilespmem:s26+$0x390] =	vst v52  }
0x133: {  	v53 =	vor.u32 $0xC, v1;
	[tilespmem:s26+$0x3A0] =	vst v4;
	v3 =	vld.idx.msk [tilespmem:v16+s17+$0x0], $0xffff  }
0x134: {  	v4 =	vld.idx.msk [tilespmem:v17+s17+$0x0], $0xffff;
	[tilespmem:s26+$0x380] =	vst v5  }
0x135: {  	v5 =	vld.idx.msk [tilespmem:v13+s17+$0x0], $0xffff;
	_ =	sdelay $0x1  }
0x136: {  	[tilespmem:s26+$0x570] =	vst v0  }
0x137: {  	v0 =	vld.idx.msk [tilespmem:v53+s17+$0x0], $0xffff;
	[tilespmem:s26+$0x550] =	vst v3  }
0x138: {  	v54 =	vor.u32 $0xD, v1;
	[tilespmem:s26+$0x560] =	vst v4;
	v3 =	vld.idx.msk [tilespmem:v14+s17+$0x0], $0xffff  }
0x139: {  	v4 =	vld.idx.msk [tilespmem:v47+s17+$0x0], $0xffff;
	[tilespmem:s26+$0x540] =	vst v5  }
0x13a: {  	v5 =	vld.idx.msk [tilespmem:v48+s17+$0x0], $0xffff;
	_ =	sdelay $0x1  }
0x13b: {  	s28 =	sshll.u32 s24, $0x6;
	[tilespmem:s26+$0x730] =	vst v0  }
0x13c: {  	s28 =	sadd.s32 s9, s28;
	v0 =	vld.idx.msk [tilespmem:v54+s17+$0x0], $0xffff;
	[tilespmem:s26+$0x710] =	vst v3  }
0x13d: {  	v55 =	vor.u32 $0xE, v1;
	s29 =	smulhi.u32 $0x92492493, s28;
	s30 =	sshra.s32 s28, $0x1F;
	[tilespmem:s26+$0x720] =	vst v4;
	v3 =	vld.idx.msk [tilespmem:v44+s17+$0x0], $0xffff  }
0x13e: {  	s30 =	smul.u32 $0x92492493, s30;
	v4 =	vld.idx.msk [tilespmem:v42+s17+$0x0], $0xffff;
	[tilespmem:s26+$0x700] =	vst v5  }
0x13f: {  	s29 =	ssub.s32 s29, s28;
	v5 =	vld.idx.msk [tilespmem:v41+s17+$0x0], $0xffff  }
0x140: {  	[tilespmem:s25+$0xAA0] =	vst v31;
	s29 =	sadd.s32 s30, s29  }
0x141: {  	s29 =	sadd.s32 s28, s29;
	[tilespmem:s26+$0x8F0] =	vst v0  }
0x142: {  	s31 =	sshrl.u32 s29, $0x1F;
	s29 =	sshra.s32 s29, $0x7;
	v0 =	vld.idx.msk [tilespmem:v55+s17+$0x0], $0xffff;
	[tilespmem:s26+$0x8D0] =	vst v3  }
0x143: {  	v56 =	vor.u32 $0xF, v1;
	s29 =	sadd.s32 s31, s29;
	v57 =	vld.idx.msk [tilespmem:v12+s17+$0x0], $0xffff;
	[tilespmem:s26+$0x8E0] =	vst v4  }
0x144: {  	s30 =	smul.u32 $0xFFFFFF20, s29;
	v58 =	vld.idx.msk [tilespmem:v10+s17+$0x0], $0xffff;
	[tilespmem:s26+$0x8C0] =	vst v5  }
0x145: {  	[tilespmem:s25+$0xC50] =	vst v29;
	v59 =	vld.idx.msk [tilespmem:v11+s17+$0x0], $0xffff  }
0x146: {  	v60 =	vld.idx.msk [tilespmem:v38+s17+$0x0], $0xffff;
	[tilespmem:s25+$0xA80] =	vst v30;
	s30 =	sadd.s32 s28, s30  }
0x147: {  	p2 =	slt.s32 s28, $0x1;
	v6 =	vld.idx.msk [tilespmem:v39+s17+$0x0], $0xffff;
	p3 =	sne.s32 s30, $0x0;
	[tilespmem:s26+$0xAB0] =	vst v0  }
0x148: {  	s28 =	sadd.s32 $0xE0, s30;
	p2 =	por !p2, !p3;
	p3 =	slt.s32 s30, $0x0;
	v0 =	vld.idx.msk [tilespmem:v56+s17+$0x0], $0xffff;
	[tilespmem:s26+$0xA90] =	vst v57  }
0x149: {  	p2 =	por !p2, !p2;
	s30 =	smov.u32 @p3 s28;
	s28 =	simm.s32 $0x1;
	v61 =	vld.idx.msk [tilespmem:v7+s17+$0x0], $0xffff;
	[tilespmem:s26+$0xAA0] =	vst v58  }
0x14a: {  	s28 =	simm.s32 @!p2 $0x0;
	s30 =	smul.u32 $0x1C0, s30;
	v62 =	vld.idx.msk [tilespmem:v24+s17+$0x0], $0xffff;
	[tilespmem:s26+$0xA80] =	vst v59  }
0x14b: {  	[tilespmem:s25+$0xC60] =	vst v60;
	s28 =	ssub.s32 s29, s28;
	v63 =	vld.idx.msk [tilespmem:v23+s17+$0x0], $0xffff  }
0x14c: {  	[tilespmem:s25+$0xC40] =	vst v6;
	s31 =	smul.u32 $0x186A00, s28;
	p2 =	slt.s32 s30, $0x184E0  }
0x14d: {  	s30 =	simm.s32 @!p2 $0x184E0;
	[tilespmem:s26+$0xC70] =	vst v0  }
0x14e: {  	s25 =	sadd.s32 s30, s31;
	[tilespmem:s26+$0xC50] =	vst v61  }
0x14f: {  	s25 =	sshrl.u32 s25, $0x3;
	[tilespmem:s26+$0xC60] =	vst v62  }
0x150: {  	s25 =	sadd.s32 s6, s25;
	[tilespmem:s26+$0xC40] =	vst v63  }
0x151: {  	[hbm4b:s25+s13] =	stream.strided.scatter [tilespmem:s22], [sflag:$0x4], $0x1C00, s18, s13, $0x38;
	[tilespmem:$0x1FA28] =	vst v63  }
0x152: {  	_ =	swait.ge [sflag:s20], $0x1C00  }
0x153: {  	[sflag:s20] =	ssyncset.done $0x0  }
0x154: {  	[sflag:s20] =	ssyncadd.s32 $0xFFFFE400  }
.LBB2_6:
.Ltmp2:
0x155: {  	(pc) =	sbr.rel @p1 .LBB2_8-.Ltmp2, $4  }
0x156: {  	_ = 	snop  }
0x157: {  	_ =	swait.ge [sflag:s15], $0x1C00  }
0x158: {  	[sflag:s15] =	ssyncset.done $0x0  }
0x159: {  	[sflag:s15] =	ssyncadd.s32 $0xFFFFE400  }
0x15a: {  	_ =	swait.ge [sflag:s16], $0x1C0  }
0x15b: {  	[sflag:s16] =	ssyncset.done $0x0  }
0x15c: {  	[sflag:s16] =	ssyncadd.s32 $0xFFFFFE40  }
0x15d: {  	v0 =	vld [tilespmem:$0x1C0]  }
0x15e: {  	v1 =	vld [tilespmem:$0x1D0]  }
0x15f: {  	v2 =	vld [tilespmem:$0x1E0]  }
0x160: {  	v3 =	vld [tilespmem:$0x1F0]  }
0x161: {  	v4 =	vld [tilespmem:$0x200]  }
0x162: {  	v5 =	vld [tilespmem:$0x210];
	vm0 =	vlt.s32 v0, $0x0  }
0x163: {  	v6 =	vld [tilespmem:$0x220];
	vm13 =	vlt.s32 v1, $0x0;
	v0 =	vsel vm0, $0x186A0, v0  }
0x164: {  	v16 =	vld [tilespmem:$0x230];
	vm14 =	vlt.s32 v2, $0x0;
	v15 =	vsel vm13, $0x186A0, v1;
	[tilespmem:$0x1C0] =	vst v0  }
0x165: {  	v18 =	vld [tilespmem:$0x240];
	vm15 =	vlt.s32 v3, $0x0;
	v17 =	vsel vm14, $0x186A0, v2;
	[tilespmem:$0x1D0] =	vst v15  }
0x166: {  	v20 =	vld [tilespmem:$0x250];
	vm4 =	vlt.s32 v4, $0x0;
	v19 =	vsel vm15, $0x186A0, v3;
	[tilespmem:$0x1E0] =	vst v17  }
0x167: {  	v22 =	vld [tilespmem:$0x260];
	vm5 =	vlt.s32 v5, $0x0;
	v21 =	vsel vm4, $0x186A0, v4;
	[tilespmem:$0x1F0] =	vst v19  }
0x168: {  	v24 =	vld [tilespmem:$0x270];
	vm6 =	vlt.s32 v6, $0x0;
	v23 =	vsel vm5, $0x186A0, v5;
	[tilespmem:$0x200] =	vst v21  }
0x169: {  	v26 =	vld [tilespmem:$0x280];
	vm7 =	vlt.s32 v16, $0x0;
	v25 =	vsel vm6, $0x186A0, v6;
	[tilespmem:$0x210] =	vst v23  }
0x16a: {  	v28 =	vld [tilespmem:$0x290];
	vm8 =	vlt.s32 v18, $0x0;
	v27 =	vsel vm7, $0x186A0, v16;
	[tilespmem:$0x220] =	vst v25  }
0x16b: {  	v30 =	vld [tilespmem:$0x2A0];
	vm9 =	vlt.s32 v20, $0x0;
	v29 =	vsel vm8, $0x186A0, v18;
	[tilespmem:$0x230] =	vst v27  }
0x16c: {  	v32 =	vld [tilespmem:$0x2B0];
	vm10 =	vlt.s32 v22, $0x0;
	v31 =	vsel vm9, $0x186A0, v20;
	[tilespmem:$0x240] =	vst v29  }
0x16d: {  	v34 =	vld [tilespmem:$0x2C0];
	vm11 =	vlt.s32 v24, $0x0;
	v33 =	vsel vm10, $0x186A0, v22;
	[tilespmem:$0x250] =	vst v31  }
0x16e: {  	v36 =	vld [tilespmem:$0x2D0];
	vm12 =	vlt.s32 v26, $0x0;
	v35 =	vsel vm11, $0x186A0, v24;
	[tilespmem:$0x260] =	vst v33  }
0x16f: {  	v39 =	vld [tilespmem:$0x2E0];
	v38 =	vsel vm12, $0x186A0, v26;
	vm13 =	vlt.s32 v28, $0x0;
	[tilespmem:$0x270] =	vst v35  }
0x170: {  	v41 =	vld [tilespmem:$0x2F0];
	vm14 =	vlt.s32 v30, $0x0;
	[tilespmem:$0x280] =	vst v38;
	v40 =	vsel vm13, $0x186A0, v28  }
0x171: {  	v43 =	vld [tilespmem:$0x300];
	vm15 =	vlt.s32 v32, $0x0;
	v42 =	vsel vm14, $0x186A0, v30;
	[tilespmem:$0x290] =	vst v40  }
0x172: {  	v45 =	vld [tilespmem:$0x310];
	vm4 =	vlt.s32 v34, $0x0;
	v44 =	vsel vm15, $0x186A0, v32;
	[tilespmem:$0x2A0] =	vst v42  }
0x173: {  	s25 =	sshll.u32 s24, $0x6;
	v47 =	vld [tilespmem:$0x320];
	vm5 =	vlt.s32 v36, $0x0;
	v46 =	vsel vm4, $0x186A0, v34;
	[tilespmem:$0x2B0] =	vst v44  }
0x174: {  	s25 =	sadd.s32 $0x40, s25;
	v49 =	vld [tilespmem:$0x330];
	vm6 =	vlt.s32 v39, $0x0;
	v48 =	vsel vm5, $0x186A0, v36;
	[tilespmem:$0x2C0] =	vst v46  }
0x175: {  	s26 =	sor.u32 s3, s25;
	v51 =	vld [tilespmem:$0x340];
	vm7 =	vlt.s32 v41, $0x0;
	v50 =	vsel vm6, $0x186A0, v39;
	[tilespmem:$0x2D0] =	vst v48  }
0x176: {  	v53 =	vld [tilespmem:$0x350];
	s28 =	smulhi.u32 $0x92492493, s26;
	vm8 =	vlt.s32 v43, $0x0;
	v52 =	vsel vm7, $0x186A0, v41;
	[tilespmem:$0x2E0] =	vst v50  }
0x177: {  	v55 =	vld [tilespmem:$0x360];
	vm9 =	vlt.s32 v45, $0x0;
	v54 =	vsel vm8, $0x186A0, v43;
	[tilespmem:$0x2F0] =	vst v52  }
0x178: {  	v57 =	vld [tilespmem:$0x370];
	s28 =	sshrl.u32 s28, $0x7;
	vm10 =	vlt.s32 v47, $0x0;
	v56 =	vsel vm9, $0x186A0, v45;
	[tilespmem:$0x300] =	vst v54  }
0x179: {  	s28 =	smul.u32 $0xE0, s28;
	vm11 =	vlt.s32 v49, $0x0;
	v58 =	vsel vm10, $0x186A0, v47;
	[tilespmem:$0x310] =	vst v56  }
0x17a: {  	s25 =	smulhi.u32 $0x92492493, s25;
	vm12 =	vlt.s32 v51, $0x0;
	v59 =	vsel vm11, $0x186A0, v49;
	[tilespmem:$0x320] =	vst v58  }
0x17b: {  	s26 =	ssub.s32 s26, s28;
	v60 =	vsel vm12, $0x186A0, v51;
	vm13 =	vlt.s32 v53, $0x0;
	[tilespmem:$0x330] =	vst v59  }
0x17c: {  	s25 =	sshrl.u32 s25, $0x7;
	s26 =	smul.u32 $0x1C0, s26;
	vm14 =	vlt.s32 v55, $0x0;
	[tilespmem:$0x340] =	vst v60;
	v61 =	vsel vm13, $0x186A0, v53  }
0x17d: {  	s25 =	smul.u32 $0x186A0, s25;
	vm15 =	vlt.s32 v57, $0x0;
	v62 =	vsel vm14, $0x186A0, v55;
	[tilespmem:$0x350] =	vst v61  }
0x17e: {  	v63 =	vsel vm15, $0x186A0, v57;
	s26 =	smin.u32 s26, $0x184E0;
	[tilespmem:$0x360] =	vst v62  }
0x17f: {  	[tilespmem:$0x370] =	vst v63;
	s25 =	sadd.s32 s25, s26  }
0x180: {  	[tilespmem:s17], [sflag:$0x2] =	stream.indirect.gather [spmem:s1], $0x10, s13, s13, $0xb8;
	[tilespmem:$0x1FA28] =	vst v63  }
0x181: {  	s25 =	sshrl.u32 s25, $0x3  }
0x182: {  	s25 =	sadd.s32 s5, s25  }
0x183: {  	[tilespmem:s2], [sflag:$0x5] =	stream.linear.gather [hbm4b:s25+s2], $0x1C0, $0x38;
	[tilespmem:$0x1FA28] =	vst v63  }
.LBB2_8:
0x184: {  	s25 =	simm.s32 $0x30  }
0x185: {  	s26 =	simm.s32 $0x10;
	v0 =	vmov s25  }
0x186: {  	v1 =	vmov s26;
	v0 =	vshll.u32 v0, $0x4  }
0x187: {  	v1 =	vshll.u32 v1, $0x4;
	v5 =	vor.u32 v37, v0  }
0x188: {  	s30 =	simm.s32 $0x20;
	v2 =	vor.u32 v37, v1  }
0x189: {  	s31 =	simm.s32 $0x0;
	v0 =	vmov s30  }
0x18a: {  	v1 =	vmov s31;
	v0 =	vshll.u32 v0, $0x4  }
0x18b: {  	v1 =	vshll.u32 v1, $0x4;
	v4 =	vor.u32 v37, v0  }
0x18c: {  	v3 =	vor.u32 v37, v1;
	v0 =	vld.idx.msk [tilespmem:v5+s14+$0x0], $0xffff  }
0x18d: {  	v6 =	vor.u32 $0x1, v5;
	v1 =	vld.idx.msk [tilespmem:v2+s14+$0x0], $0xffff  }
0x18e: {  	v7 =	vor.u32 $0x1, v2;
	_ =	sdelay $0x1  }
0x18f: {  	s25 =	simm.s32 $0x4980;
	v8 =	vld.idx.msk [tilespmem:v4+s14+$0x0], $0xffff  }
0x190: {  	v9 =	vor.u32 $0x1, v4;
	v10 =	vld.idx.msk [tilespmem:v3+s14+$0x0], $0xffff;
	[tilespmem:s25+$0xFFFFF230] =	vst v0  }
0x191: {  	v0 =	vor.u32 $0x1, v3;
	[tilespmem:s25+$0xFFFFF210] =	vst v1;
	v1 =	vld.idx.msk [tilespmem:v6+s14+$0x0], $0xffff  }
0x192: {  	v6 =	vld.idx.msk [tilespmem:v7+s14+$0x0], $0xffff;
	v7 =	vor.u32 $0x2, v5  }
0x193: {  	v11 =	vor.u32 $0x2, v2  }
0x194: {  	[tilespmem:s25+$0xFFFFF220] =	vst v8  }
0x195: {  	[tilespmem:s25+$0xFFFFF200] =	vst v10;
	v8 =	vld.idx.msk [tilespmem:v9+s14+$0x0], $0xffff  }
0x196: {  	v9 =	vor.u32 $0x2, v4;
	v0 =	vld.idx.msk [tilespmem:v0+s14+$0x0], $0xffff;
	[tilespmem:s25+$0xFFFFF3F0] =	vst v1  }
0x197: {  	v1 =	vor.u32 $0x2, v3;
	[tilespmem:s25+$0xFFFFF3D0] =	vst v6;
	v6 =	vld.idx.msk [tilespmem:v7+s14+$0x0], $0xffff  }
0x198: {  	v10 =	vor.u32 $0x3, v5;
	v7 =	vld.idx.msk [tilespmem:v11+s14+$0x0], $0xffff  }
0x199: {  	v11 =	vor.u32 $0x3, v2  }
0x19a: {  	[tilespmem:s25+$0xFFFFF3E0] =	vst v8  }
0x19b: {  	[tilespmem:s25+$0xFFFFF3C0] =	vst v0;
	v0 =	vld.idx.msk [tilespmem:v9+s14+$0x0], $0xffff  }
0x19c: {  	v8 =	vor.u32 $0x3, v4;
	v1 =	vld.idx.msk [tilespmem:v1+s14+$0x0], $0xffff;
	[tilespmem:s25+$0xFFFFF5B0] =	vst v6  }
0x19d: {  	v6 =	vor.u32 $0x3, v3;
	[tilespmem:s25+$0xFFFFF590] =	vst v7;
	v7 =	vld.idx.msk [tilespmem:v10+s14+$0x0], $0xffff  }
0x19e: {  	v9 =	vld.idx.msk [tilespmem:v11+s14+$0x0], $0xffff;
	v10 =	vor.u32 $0x4, v5  }
0x19f: {  	v11 =	vor.u32 $0x4, v2  }
0x1a0: {  	[tilespmem:s25+$0xFFFFF5A0] =	vst v0  }
0x1a1: {  	[tilespmem:s25+$0xFFFFF580] =	vst v1;
	v0 =	vld.idx.msk [tilespmem:v8+s14+$0x0], $0xffff  }
0x1a2: {  	v1 =	vor.u32 $0x4, v4;
	v6 =	vld.idx.msk [tilespmem:v6+s14+$0x0], $0xffff;
	[tilespmem:s25+$0xFFFFF770] =	vst v7  }
0x1a3: {  	v7 =	vor.u32 $0x4, v3;
	[tilespmem:s25+$0xFFFFF750] =	vst v9;
	v8 =	vld.idx.msk [tilespmem:v10+s14+$0x0], $0xffff  }
0x1a4: {  	v9 =	vld.idx.msk [tilespmem:v11+s14+$0x0], $0xffff;
	v10 =	vor.u32 $0x5, v5  }
0x1a5: {  	v11 =	vor.u32 $0x5, v2  }
0x1a6: {  	[tilespmem:s25+$0xFFFFF760] =	vst v0  }
0x1a7: {  	[tilespmem:s25+$0xFFFFF740] =	vst v6;
	v0 =	vld.idx.msk [tilespmem:v1+s14+$0x0], $0xffff  }
0x1a8: {  	v1 =	vor.u32 $0x5, v4;
	v6 =	vld.idx.msk [tilespmem:v7+s14+$0x0], $0xffff;
	[tilespmem:s25+$0xFFFFF930] =	vst v8  }
0x1a9: {  	v7 =	vor.u32 $0x5, v3;
	[tilespmem:s25+$0xFFFFF910] =	vst v9;
	v8 =	vld.idx.msk [tilespmem:v10+s14+$0x0], $0xffff  }
0x1aa: {  	v9 =	vld.idx.msk [tilespmem:v11+s14+$0x0], $0xffff;
	v10 =	vor.u32 $0x6, v5  }
0x1ab: {  	v11 =	vor.u32 $0x6, v2  }
0x1ac: {  	[tilespmem:s25+$0xFFFFF920] =	vst v0  }
0x1ad: {  	[tilespmem:s25+$0xFFFFF900] =	vst v6;
	v0 =	vld.idx.msk [tilespmem:v1+s14+$0x0], $0xffff  }
0x1ae: {  	v1 =	vor.u32 $0x6, v4;
	v6 =	vld.idx.msk [tilespmem:v7+s14+$0x0], $0xffff;
	[tilespmem:s25+$0xFFFFFAF0] =	vst v8  }
0x1af: {  	v7 =	vor.u32 $0x6, v3;
	[tilespmem:s25+$0xFFFFFAD0] =	vst v9;
	v8 =	vld.idx.msk [tilespmem:v10+s14+$0x0], $0xffff  }
0x1b0: {  	v9 =	vld.idx.msk [tilespmem:v11+s14+$0x0], $0xffff;
	v10 =	vor.u32 $0x7, v5  }
0x1b1: {  	v11 =	vor.u32 $0x7, v2  }
0x1b2: {  	[tilespmem:s25+$0xFFFFFAE0] =	vst v0  }
0x1b3: {  	[tilespmem:s25+$0xFFFFFAC0] =	vst v6;
	v0 =	vld.idx.msk [tilespmem:v1+s14+$0x0], $0xffff  }
0x1b4: {  	v1 =	vor.u32 $0x7, v4;
	v6 =	vld.idx.msk [tilespmem:v7+s14+$0x0], $0xffff;
	[tilespmem:s25+$0xFFFFFCB0] =	vst v8  }
0x1b5: {  	v7 =	vor.u32 $0x7, v3;
	[tilespmem:s25+$0xFFFFFC90] =	vst v9;
	v8 =	vld.idx.msk [tilespmem:v10+s14+$0x0], $0xffff  }
0x1b6: {  	v9 =	vld.idx.msk [tilespmem:v11+s14+$0x0], $0xffff;
	v10 =	vor.u32 $0x8, v5  }
0x1b7: {  	v11 =	vor.u32 $0x8, v2  }
0x1b8: {  	[tilespmem:s25+$0xFFFFFCA0] =	vst v0  }
0x1b9: {  	s30 =	simm.s32 $0x70;
	[tilespmem:s25+$0xFFFFFC80] =	vst v6;
	v0 =	vld.idx.msk [tilespmem:v1+s14+$0x0], $0xffff  }
0x1ba: {  	v6 =	vor.u32 $0x8, v4;
	v1 =	vmov s30;
	v7 =	vld.idx.msk [tilespmem:v7+s14+$0x0], $0xffff;
	[tilespmem:s25+$0xFFFFFE70] =	vst v8  }
0x1bb: {  	v1 =	vshll.u32 v1, $0x4;
	v8 =	vor.u32 $0x8, v3;
	[tilespmem:s25+$0xFFFFFE50] =	vst v9;
	v9 =	vld.idx.msk [tilespmem:v10+s14+$0x0], $0xffff  }
0x1bc: {  	s28 =	simm.s32 $0x50;
	v1 =	vor.u32 v37, v1;
	v10 =	vld.idx.msk [tilespmem:v11+s14+$0x0], $0xffff  }
0x1bd: {  	v13 =	vmov s28;
	s31 =	simm.s32 $0x60;
	v11 =	vor.u32 $0x9, v5  }
0x1be: {  	s28 =	simm.s32 $0x40;
	v12 =	vor.u32 $0x9, v2;
	[tilespmem:s25+$0xFFFFFE60] =	vst v0;
	v0 =	vshll.u32 v13, $0x4;
	v13 =	vmov s31  }
0x1bf: {  	v14 =	vmov s28;
	[tilespmem:s25+$0xFFFFFE40] =	vst v7;
	v6 =	vld.idx.msk [tilespmem:v6+s14+$0x0], $0xffff;
	v7 =	vshll.u32 v13, $0x4;
	v23 =	vor.u32 v37, v0  }
0x1c0: {  	v0 =	vld.idx.msk [tilespmem:v8+s14+$0x0], $0xffff;
	v8 =	vshll.u32 v14, $0x4;
	v25 =	vor.u32 v37, v7;
	[tilespmem:s25+$0x30] =	vst v9  }
0x1c1: {  	v28 =	vor.u32 v37, v8;
	[tilespmem:s25+$0x10] =	vst v10;
	v10 =	vld.idx.msk [tilespmem:v1+s14+$0x0], $0xffff  }
0x1c2: {  	v8 =	vor.u32 $0x9, v4;
	v7 =	vld.idx.msk [tilespmem:v11+s14+$0x0], $0xffff  }
0x1c3: {  	v9 =	vld.idx.msk [tilespmem:v12+s14+$0x0], $0xffff;
	v12 =	vor.u32 $0x9, v3  }
0x1c4: {  	v14 =	vor.u32 $0x1, v1;
	v13 =	vld.idx.msk [tilespmem:v23+s14+$0x0], $0xffff  }
0x1c5: {  	v11 =	vor.u32 $0xA, v5;
	[tilespmem:s25+$0x20] =	vst v6;
	v6 =	vld.idx.msk [tilespmem:v25+s14+$0x0], $0xffff  }
0x1c6: {  	s26 =	simm.s32 $0x49C0;
	v15 =	vor.u32 $0x1, v23;
	[tilespmem:s25+$0x0] =	vst v0;
	v0 =	vld.idx.msk [tilespmem:v28+s14+$0x0], $0xffff  }
0x1c7: {  	v16 =	vor.u32 $0x1, v25;
	v8 =	vld.idx.msk [tilespmem:v8+s14+$0x0], $0xffff;
	[tilespmem:s26+$0xFFFFF230] =	vst v10  }
0x1c8: {  	[tilespmem:s25+$0x1F0] =	vst v7;
	v7 =	vor.u32 $0x1, v28;
	v10 =	vld.idx.msk [tilespmem:v12+s14+$0x0], $0xffff  }
0x1c9: {  	[tilespmem:s25+$0x1D0] =	vst v9;
	v12 =	vld.idx.msk [tilespmem:v14+s14+$0x0], $0xffff;
	v14 =	vor.u32 $0xA, v4  }
0x1ca: {  	v9 =	vld.idx.msk [tilespmem:v11+s14+$0x0], $0xffff;
	v11 =	vor.u32 $0xA, v2;
	[tilespmem:s26+$0xFFFFF210] =	vst v13  }
0x1cb: {  	v13 =	vor.u32 $0xB, v5;
	v15 =	vld.idx.msk [tilespmem:v15+s14+$0x0], $0xffff;
	[tilespmem:s26+$0xFFFFF220] =	vst v6  }
0x1cc: {  	v6 =	vor.u32 $0x2, v1;
	[tilespmem:s26+$0xFFFFF200] =	vst v0;
	v0 =	vld.idx.msk [tilespmem:v16+s14+$0x0], $0xffff  }
0x1cd: {  	v16 =	vor.u32 $0x2, v23;
	[tilespmem:s25+$0x1E0] =	vst v8;
	v7 =	vld.idx.msk [tilespmem:v7+s14+$0x0], $0xffff  }
0x1ce: {  	v8 =	vor.u32 $0x2, v25;
	[tilespmem:s26+$0xFFFFF3F0] =	vst v12;
	v12 =	vld.idx.msk [tilespmem:v14+s14+$0x0], $0xffff  }
0x1cf: {  	v11 =	vld.idx.msk [tilespmem:v11+s14+$0x0], $0xffff;
	[tilespmem:s25+$0x3B0] =	vst v9;
	v9 =	vor.u32 $0x2, v28  }
0x1d0: {  	[tilespmem:s25+$0x1C0] =	vst v10;
	v10 =	vld.idx.msk [tilespmem:v13+s14+$0x0], $0xffff;
	v13 =	vor.u32 $0xA, v3  }
0x1d1: {  	v14 =	vor.u32 $0xC, v5;
	[tilespmem:s26+$0xFFFFF3D0] =	vst v15;
	v6 =	vld.idx.msk [tilespmem:v6+s14+$0x0], $0xffff  }
0x1d2: {  	v15 =	vor.u32 $0xB, v2;
	v16 =	vld.idx.msk [tilespmem:v16+s14+$0x0], $0xffff;
	[tilespmem:s26+$0xFFFFF3E0] =	vst v0  }
0x1d3: {  	[tilespmem:s26+$0xFFFFF3C0] =	vst v7;
	v0 =	vld.idx.msk [tilespmem:v8+s14+$0x0], $0xffff;
	v7 =	vor.u32 $0x3, v1  }
0x1d4: {  	v8 =	vor.u32 $0x3, v23;
	v9 =	vld.idx.msk [tilespmem:v9+s14+$0x0], $0xffff;
	[tilespmem:s25+$0x390] =	vst v11  }
0x1d5: {  	v11 =	vor.u32 $0x3, v25;
	v13 =	vld.idx.msk [tilespmem:v13+s14+$0x0], $0xffff;
	[tilespmem:s25+$0x570] =	vst v10  }
0x1d6: {  	[tilespmem:s25+$0x3A0] =	vst v12;
	v10 =	vor.u32 $0x3, v28;
	v12 =	vld.idx.msk [tilespmem:v14+s14+$0x0], $0xffff  }
0x1d7: {  	v14 =	vor.u32 $0xB, v4;
	[tilespmem:s26+$0xFFFFF5B0] =	vst v6;
	v6 =	vld.idx.msk [tilespmem:v15+s14+$0x0], $0xffff  }
0x1d8: {  	v15 =	vor.u32 $0xD, v5;
	[tilespmem:s26+$0xFFFFF590] =	vst v16;
	v7 =	vld.idx.msk [tilespmem:v7+s14+$0x0], $0xffff  }
0x1d9: {  	v16 =	vor.u32 $0xB, v3;
	v8 =	vld.idx.msk [tilespmem:v8+s14+$0x0], $0xffff;
	[tilespmem:s26+$0xFFFFF5A0] =	vst v0  }
0x1da: {  	[tilespmem:s26+$0xFFFFF580] =	vst v9;
	v0 =	vld.idx.msk [tilespmem:v11+s14+$0x0], $0xffff;
	v9 =	vor.u32 $0x4, v1  }
0x1db: {  	v11 =	vor.u32 $0x4, v23;
	v10 =	vld.idx.msk [tilespmem:v10+s14+$0x0], $0xffff;
	[tilespmem:s25+$0x380] =	vst v13  }
0x1dc: {  	v13 =	vor.u32 $0x4, v25;
	v14 =	vld.idx.msk [tilespmem:v14+s14+$0x0], $0xffff;
	[tilespmem:s25+$0x730] =	vst v12  }
0x1dd: {  	v12 =	vor.u32 $0x4, v28;
	[tilespmem:s25+$0x550] =	vst v6;
	v6 =	vld.idx.msk [tilespmem:v15+s14+$0x0], $0xffff  }
0x1de: {  	v15 =	vor.u32 $0xC, v2;
	[tilespmem:s26+$0xFFFFF770] =	vst v7;
	v7 =	vld.idx.msk [tilespmem:v16+s14+$0x0], $0xffff  }
0x1df: {  	[tilespmem:s26+$0xFFFFF750] =	vst v8;
	v8 =	vld.idx.msk [tilespmem:v9+s14+$0x0], $0xffff;
	v9 =	vor.u32 $0xE, v5  }
0x1e0: {  	v16 =	vor.u32 $0xC, v4;
	v11 =	vld.idx.msk [tilespmem:v11+s14+$0x0], $0xffff;
	[tilespmem:s26+$0xFFFFF760] =	vst v0  }
0x1e1: {  	[tilespmem:s26+$0xFFFFF740] =	vst v10;
	v0 =	vld.idx.msk [tilespmem:v13+s14+$0x0], $0xffff;
	v10 =	vor.u32 $0x5, v1  }
0x1e2: {  	v13 =	vor.u32 $0x5, v23;
	v12 =	vld.idx.msk [tilespmem:v12+s14+$0x0], $0xffff;
	[tilespmem:s25+$0x560] =	vst v14  }
0x1e3: {  	v14 =	vor.u32 $0x5, v25;
	v15 =	vld.idx.msk [tilespmem:v15+s14+$0x0], $0xffff;
	[tilespmem:s25+$0x8F0] =	vst v6  }
0x1e4: {  	v6 =	vor.u32 $0x5, v28;
	[tilespmem:s25+$0x540] =	vst v7;
	v7 =	vld.idx.msk [tilespmem:v9+s14+$0x0], $0xffff  }
0x1e5: {  	v9 =	vor.u32 $0xC, v3;
	[tilespmem:s26+$0xFFFFF930] =	vst v8;
	v8 =	vld.idx.msk [tilespmem:v16+s14+$0x0], $0xffff  }
0x1e6: {  	v5 =	vor.u32 $0xF, v5;
	[tilespmem:s26+$0xFFFFF910] =	vst v11;
	v10 =	vld.idx.msk [tilespmem:v10+s14+$0x0], $0xffff  }
0x1e7: {  	v11 =	vor.u32 $0xD, v2;
	v13 =	vld.idx.msk [tilespmem:v13+s14+$0x0], $0xffff;
	[tilespmem:s26+$0xFFFFF920] =	vst v0  }
0x1e8: {  	[tilespmem:s26+$0xFFFFF900] =	vst v12;
	v0 =	vld.idx.msk [tilespmem:v14+s14+$0x0], $0xffff;
	v12 =	vor.u32 $0x6, v1  }
0x1e9: {  	v14 =	vor.u32 $0x6, v23;
	v6 =	vld.idx.msk [tilespmem:v6+s14+$0x0], $0xffff;
	[tilespmem:s25+$0x710] =	vst v15  }
0x1ea: {  	v15 =	vor.u32 $0x6, v25;
	v9 =	vld.idx.msk [tilespmem:v9+s14+$0x0], $0xffff;
	[tilespmem:s25+$0xAB0] =	vst v7  }
0x1eb: {  	v7 =	vor.u32 $0x6, v28;
	[tilespmem:s25+$0x720] =	vst v8;
	v5 =	vld.idx.msk [tilespmem:v5+s14+$0x0], $0xffff  }
0x1ec: {  	v8 =	vor.u32 $0xD, v4;
	[tilespmem:s26+$0xFFFFFAF0] =	vst v10;
	v10 =	vld.idx.msk [tilespmem:v11+s14+$0x0], $0xffff  }
0x1ed: {  	v11 =	vor.u32 $0xD, v3;
	[tilespmem:s26+$0xFFFFFAD0] =	vst v13;
	v12 =	vld.idx.msk [tilespmem:v12+s14+$0x0], $0xffff  }
0x1ee: {  	v13 =	vor.u32 $0xE, v2;
	v14 =	vld.idx.msk [tilespmem:v14+s14+$0x0], $0xffff;
	[tilespmem:s26+$0xFFFFFAE0] =	vst v0  }
0x1ef: {  	[tilespmem:s26+$0xFFFFFAC0] =	vst v6;
	v0 =	vld.idx.msk [tilespmem:v15+s14+$0x0], $0xffff;
	v6 =	vor.u32 $0x7, v1  }
0x1f0: {  	v16 =	vor.u32 $0x7, v23;
	v7 =	vld.idx.msk [tilespmem:v7+s14+$0x0], $0xffff;
	[tilespmem:s25+$0x700] =	vst v9  }
0x1f1: {  	v29 =	vor.u32 $0xF, v2;
	v17 =	vor.u32 $0x7, v25;
	v8 =	vld.idx.msk [tilespmem:v8+s14+$0x0], $0xffff;
	[tilespmem:s25+$0xC70] =	vst v5  }
0x1f2: {  	v36 =	vor.u32 $0xF, v4;
	v38 =	vor.u32 $0xF, v3;
	v30 =	vor.u32 $0x7, v28;
	v31 =	vld.idx.msk [tilespmem:v11+s14+$0x0], $0xffff;
	[tilespmem:s25+$0x8D0] =	vst v10  }
0x1f3: {  	v26 =	vor.u32 $0x8, v23;
	v22 =	vor.u32 $0x9, v23;
	v9 =	vor.u32 $0xE, v4;
	[tilespmem:s26+$0xFFFFFCB0] =	vst v12;
	v4 =	vld.idx.msk [tilespmem:v13+s14+$0x0], $0xffff  }
0x1f4: {  	v41 =	vor.u32 $0xD, v23;
	v27 =	vor.u32 $0x8, v25;
	v5 =	vor.u32 $0xE, v3;
	[tilespmem:s26+$0xFFFFFC90] =	vst v14;
	v6 =	vld.idx.msk [tilespmem:v6+s14+$0x0], $0xffff  }
0x1f5: {  	v21 =	vor.u32 $0x9, v25;
	v19 =	vor.u32 $0xA, v25;
	v47 =	vor.u32 $0xC, v25;
	v34 =	vld.idx.msk [tilespmem:v16+s14+$0x0], $0xffff;
	[tilespmem:s26+$0xFFFFFCA0] =	vst v0  }
0x1f6: {  	v35 =	vor.u32 $0xD, v25;
	v24 =	vor.u32 $0x8, v28;
	v0 =	vor.u32 $0x8, v1;
	v32 =	vld.idx.msk [tilespmem:v17+s14+$0x0], $0xffff;
	[tilespmem:s26+$0xFFFFFC80] =	vst v7  }
0x1f7: {  	v20 =	vor.u32 $0x9, v28;
	v18 =	vor.u32 $0xA, v28;
	v42 =	vor.u32 $0xD, v28;
	[tilespmem:s25+$0x8E0] =	vst v8;
	v33 =	vld.idx.msk [tilespmem:v30+s14+$0x0], $0xffff  }
0x1f8: {  	v15 =	vor.u32 $0xA, v23;
	v11 =	vor.u32 $0xE, v23;
	v10 =	vor.u32 $0xE, v25;
	[tilespmem:s25+$0x8C0] =	vst v31;
	v31 =	vld.idx.msk [tilespmem:v9+s14+$0x0], $0xffff  }
0x1f9: {  	v13 =	vor.u32 $0xB, v28;
	v14 =	vor.u32 $0xC, v23;
	v12 =	vor.u32 $0xC, v28;
	v30 =	vld.idx.msk [tilespmem:v5+s14+$0x0], $0xffff;
	[tilespmem:s25+$0xA90] =	vst v4  }
0x1fa: {  	v16 =	vor.u32 $0xB, v23;
	v17 =	vor.u32 $0xB, v25;
	v25 =	vor.u32 $0xF, v25;
	[tilespmem:s26+$0xFFFFFE70] =	vst v6;
	v29 =	vld.idx.msk [tilespmem:v29+s14+$0x0], $0xffff  }
0x1fb: {  	s29 =	simm.s32 $0x80;
	s28 =	simm.s32 $0x4;
	v7 =	vor.u32 $0xF, v23;
	v23 =	vor.u32 $0xF, v28;
	v6 =	vor.u32 $0xE, v28;
	[tilespmem:s26+$0xFFFFFE50] =	vst v34;
	v28 =	vld.idx.msk [tilespmem:v0+s14+$0x0], $0xffff  }
.LBB2_9:
0x1fc: {  	[tilespmem:$0x1FF10] =	vst v41  }
0x1fd: {  	[tilespmem:$0x1FF30] =	vst v42  }
0x1fe: {  	[tilespmem:$0x1FF20] =	vst v35  }
0x1ff: {  	[tilespmem:s26+$0xFFFFFE60] =	vst v32;
	v4 =	vmov v25  }
0x200: {  	v2 =	vmov v23;
	[tilespmem:$0x1FF00] =	vst v4  }
0x201: {  	v26 =	vld.idx.msk [tilespmem:v26+s14+$0x0], $0xffff;
	[tilespmem:$0x1FEF0] =	vst v2  }
0x202: {  	v27 =	vld.idx.msk [tilespmem:v27+s14+$0x0], $0xffff;
	[tilespmem:s26+$0xFFFFFE40] =	vst v33  }
0x203: {  	v0 =	vmov s29;
	s30 =	sadd.s32 $0x10, s29;
	s31 =	sadd.s32 $0x30, s29;
	[tilespmem:s25+$0xAA0] =	vst v31  }
0x204: {  	v58 =	vor.u32 $0x9, v1;
	v57 =	vmov s30;
	v34 =	vmov s31;
	v24 =	vld.idx.msk [tilespmem:v24+s14+$0x0], $0xffff;
	[tilespmem:s25+$0xA80] =	vst v30  }
0x205: {  	s30 =	sadd.s32 $0x20, s29;
	v0 =	vshll.u32 v0, $0x4;
	v3 =	vshll.u32 v57, $0x4;
	v34 =	vshll.u32 v34, $0x4;
	[tilespmem:s26+$0x30] =	vst v28  }
0x206: {  	v59 =	vmov s30;
	v31 =	vor.u32 v37, v34;
	v25 =	vor.u32 v37, v3;
	[tilespmem:s26+$0x10] =	vst v26  }
0x207: {  	v35 =	vshll.u32 v59, $0x4;
	v0 =	vor.u32 v37, v0;
	v30 =	vld.idx.msk [tilespmem:v36+s14+$0x0], $0xffff;
	v2 =	vor.u32 $0x7, v25;
	[tilespmem:s26+$0x20] =	vst v27  }
0x208: {  	v32 =	vmov v47;
	v47 =	vor.u32 v37, v35;
	v60 =	vld.idx.msk [tilespmem:v38+s14+$0x0], $0xffff;
	[tilespmem:$0x1FF40] =	vst v2;
	v2 =	vor.u32 $0x7, v0  }
0x209: {  	v23 =	vld.idx.msk [tilespmem:v58+s14+$0x0], $0xffff;
	[tilespmem:$0x1FF60] =	vst v2;
	v2 =	vor.u32 $0x7, v47  }
0x20a: {  	v45 =	vld.idx.msk [tilespmem:v22+s14+$0x0], $0xffff;
	[tilespmem:$0x1FF50] =	vst v2  }
0x20b: {  	v54 =	vor.u32 $0xA, v1;
	v46 =	vld.idx.msk [tilespmem:v31+s14+$0x0], $0xffff;
	[tilespmem:s26+$0x0] =	vst v24  }
0x20c: {  	v55 =	vld.idx.msk [tilespmem:v25+s14+$0x0], $0xffff;
	[tilespmem:s25+$0xC50] =	vst v29  }
0x20d: {  	v57 =	vor.u32 $0x1, v31;
	v56 =	vld.idx.msk [tilespmem:v47+s14+$0x0], $0xffff;
	[tilespmem:s25+$0xC60] =	vst v30  }
0x20e: {  	v40 =	vor.u32 $0x1, v25;
	v58 =	vld.idx.msk [tilespmem:v0+s14+$0x0], $0xffff;
	[tilespmem:s25+$0xC40] =	vst v60  }
0x20f: {  	v43 =	vor.u32 $0x1, v47;
	s25 =	smov.u32 s26;
	[tilespmem:s26+$0x1F0] =	vst v23;
	v37 =	vld.idx.msk [tilespmem:v21+s14+$0x0], $0xffff  }
0x210: {  	s26 =	sadd.s32 $0x40, s26;
	[tilespmem:s25+$0x1D0] =	vst v45;
	v23 =	vld.idx.msk [tilespmem:v54+s14+$0x0], $0xffff  }
0x211: {  	v39 =	vor.u32 $0x1, v0;
	v59 =	vld.idx.msk [tilespmem:v20+s14+$0x0], $0xffff;
	[tilespmem:s26+$0xFFFFF230] =	vst v46  }
0x212: {  	v61 =	vor.u32 $0xB, v1;
	[tilespmem:s26+$0xFFFFF210] =	vst v55;
	v57 =	vld.idx.msk [tilespmem:v57+s14+$0x0], $0xffff  }
0x213: {  	v48 =	vor.u32 $0x2, v0;
	[tilespmem:s26+$0xFFFFF220] =	vst v56;
	v63 =	vld.idx.msk [tilespmem:v40+s14+$0x0], $0xffff  }
0x214: {  	v49 =	vor.u32 $0x2, v25;
	v50 =	vor.u32 $0x2, v47;
	v5 =	vor.u32 $0x2, v31;
	[tilespmem:s26+$0xFFFFF200] =	vst v58;
	v3 =	vld.idx.msk [tilespmem:v43+s14+$0x0], $0xffff  }
0x215: {  	v51 =	vor.u32 $0x3, v0;
	v42 =	vor.u32 $0x4, v0;
	v35 =	vor.u32 $0x5, v0;
	v9 =	vld.idx.msk [tilespmem:v15+s14+$0x0], $0xffff;
	[tilespmem:s25+$0x1E0] =	vst v37  }
0x216: {  	v28 =	vmovc v6;
	v62 =	vor.u32 $0xB, v0;
	v24 =	vor.u32 $0x8, v0;
	v29 =	vmovc v7;
	v7 =	vor.u32 $0xC, v0;
	v6 =	vld.idx.msk [tilespmem:v39+s14+$0x0], $0xffff;
	[tilespmem:s25+$0x3B0] =	vst v23  }
0x217: {  	v30 =	vor.u32 $0x6, v0;
	v60 =	vor.u32 $0xA, v0;
	v20 =	vor.u32 $0x9, v0;
	[tilespmem:s25+$0x1C0] =	vst v59;
	v61 =	vld.idx.msk [tilespmem:v61+s14+$0x0], $0xffff  }
0x218: {  	v45 =	vor.u32 $0xD, v0;
	v40 =	vor.u32 $0xE, v0;
	v23 =	vor.u32 $0xF, v0;
	v0 =	vld.idx.msk [tilespmem:v19+s14+$0x0], $0xffff;
	[tilespmem:s26+$0xFFFFF3F0] =	vst v57  }
0x219: {  	[tilespmem:s26+$0xFFFFF3D0] =	vst v63;
	v57 =	vor.u32 $0xC, v1;
	v5 =	vld.idx.msk [tilespmem:v5+s14+$0x0], $0xffff  }
0x21a: {  	[tilespmem:s26+$0xFFFFF3E0] =	vst v3;
	v49 =	vld.idx.msk [tilespmem:v49+s14+$0x0], $0xffff  }
0x21b: {  	[tilespmem:s26+$0xFFFFF3C0] =	vst v6;
	v3 =	vld.idx.msk [tilespmem:v50+s14+$0x0], $0xffff;
	v6 =	vor.u32 $0x3, v31  }
0x21c: {  	v52 =	vor.u32 $0x3, v25;
	[tilespmem:s25+$0x390] =	vst v9;
	v48 =	vld.idx.msk [tilespmem:v48+s14+$0x0], $0xffff  }
0x21d: {  	v53 =	vor.u32 $0x3, v47;
	v9 =	vld.idx.msk [tilespmem:v18+s14+$0x0], $0xffff;
	[tilespmem:s25+$0x570] =	vst v61  }
0x21e: {  	[tilespmem:s25+$0x3A0] =	vst v0;
	v0 =	vld.idx.msk [tilespmem:v57+s14+$0x0], $0xffff  }
0x21f: {  	v2 =	vor.u32 $0xB, v25;
	[tilespmem:s26+$0xFFFFF5B0] =	vst v5;
	v5 =	vld.idx.msk [tilespmem:v16+s14+$0x0], $0xffff  }
0x220: {  	v16 =	vmov v2;
	[tilespmem:s26+$0xFFFFF590] =	vst v49;
	v2 =	vld.idx.msk [tilespmem:v6+s14+$0x0], $0xffff;
	v6 =	vor.u32 $0xD, v1  }
0x221: {  	[tilespmem:s26+$0xFFFFF5A0] =	vst v3;
	v59 =	vld.idx.msk [tilespmem:v52+s14+$0x0], $0xffff  }
0x222: {  	v18 =	vmov v60;
	v60 =	vor.u32 $0x4, v31;
	[tilespmem:s26+$0xFFFFF580] =	vst v48;
	v3 =	vld.idx.msk [tilespmem:v53+s14+$0x0], $0xffff  }
0x223: {  	v44 =	vor.u32 $0x4, v25;
	v61 =	vld.idx.msk [tilespmem:v51+s14+$0x0], $0xffff;
	[tilespmem:s25+$0x380] =	vst v9  }
0x224: {  	v41 =	vor.u32 $0x4, v47;
	v9 =	vld.idx.msk [tilespmem:v17+s14+$0x0], $0xffff;
	[tilespmem:s25+$0x730] =	vst v0  }
0x225: {  	[tilespmem:s25+$0x550] =	vst v5;
	v0 =	vld.idx.msk [tilespmem:v6+s14+$0x0], $0xffff  }
0x226: {  	[tilespmem:s26+$0xFFFFF770] =	vst v2;
	v2 =	vld.idx.msk [tilespmem:v13+s14+$0x0], $0xffff  }
0x227: {  	[tilespmem:s26+$0xFFFFF750] =	vst v59;
	v5 =	vld.idx.msk [tilespmem:v60+s14+$0x0], $0xffff  }
0x228: {  	v38 =	vor.u32 $0x5, v25;
	v36 =	vor.u32 $0x5, v47;
	v6 =	vor.u32 $0xE, v1;
	[tilespmem:s26+$0xFFFFF760] =	vst v3;
	v44 =	vld.idx.msk [tilespmem:v44+s14+$0x0], $0xffff  }
0x229: {  	v33 =	vor.u32 $0x6, v25;
	v34 =	vor.u32 $0x6, v47;
	v63 =	vor.u32 $0x5, v31;
	[tilespmem:s26+$0xFFFFF740] =	vst v61;
	v3 =	vld.idx.msk [tilespmem:v41+s14+$0x0], $0xffff  }
0x22a: {  	v26 =	vor.u32 $0x8, v25;
	v4 =	vor.u32 $0xC, v47;
	v8 =	vor.u32 $0xD, v25;
	[tilespmem:s25+$0x560] =	vst v9;
	v42 =	vld.idx.msk [tilespmem:v42+s14+$0x0], $0xffff  }
0x22b: {  	v22 =	vor.u32 $0x9, v25;
	v27 =	vor.u32 $0x8, v47;
	v54 =	vor.u32 $0xA, v25;
	[tilespmem:s25+$0x540] =	vst v2;
	v2 =	vld.idx.msk [tilespmem:v32+s14+$0x0], $0xffff  }
0x22c: {  	v21 =	vor.u32 $0x9, v47;
	v55 =	vor.u32 $0xA, v47;
	v56 =	vor.u32 $0xB, v47;
	v9 =	vld.idx.msk [tilespmem:v14+s14+$0x0], $0xffff;
	[tilespmem:s25+$0x8F0] =	vst v0  }
0x22d: {  	v46 =	vor.u32 $0xD, v47;
	v58 =	vor.u32 $0xC, v25;
	v43 =	vor.u32 $0xE, v25;
	v0 =	vld.idx.msk [tilespmem:v6+s14+$0x0], $0xffff;
	[tilespmem:s26+$0xFFFFF930] =	vst v5  }
0x22e: {  	v39 =	vor.u32 $0xE, v47;
	v37 =	vor.u32 $0xF, v25;
	v25 =	vor.u32 $0xF, v47;
	v47 =	vmovc v4;
	[tilespmem:s26+$0xFFFFF920] =	vst v3;
	v4 =	vld.idx.msk [tilespmem:v63+s14+$0x0], $0xffff  }
0x22f: {  	v3 =	vld.idx.msk [tilespmem:v36+s14+$0x0], $0xffff  }
0x230: {  	v5 =	vor.u32 $0xF, v1;
	v1 =	vmov v31;
	[tilespmem:s25+$0x720] =	vst v2;
	v2 =	vld [tilespmem:$0x1FF10]  }
0x231: {  	v41 =	vmov v8;
	v8 =	vld [tilespmem:$0x1FF20];
	[tilespmem:s26+$0xFFFFF910] =	vst v44;
	v31 =	vor.u32 $0x6, v1  }
0x232: {  	v6 =	vld.idx.msk [tilespmem:v38+s14+$0x0], $0xffff;
	[tilespmem:s26+$0xFFFFF900] =	vst v42  }
0x233: {  	[tilespmem:s25+$0x710] =	vst v9;
	v35 =	vld.idx.msk [tilespmem:v35+s14+$0x0], $0xffff  }
0x234: {  	v9 =	vld.idx.msk [tilespmem:v12+s14+$0x0], $0xffff;
	[tilespmem:s25+$0xAB0] =	vst v0  }
0x235: {  	v0 =	vld.idx.msk [tilespmem:v5+s14+$0x0], $0xffff;
	[tilespmem:s26+$0xFFFFFAF0] =	vst v4  }
0x236: {  	[tilespmem:s26+$0xFFFFFAE0] =	vst v3;
	v4 =	vld.idx.msk [tilespmem:v31+s14+$0x0], $0xffff  }
0x237: {  	v3 =	vld.idx.msk [tilespmem:v34+s14+$0x0], $0xffff  }
0x238: {  	v2 =	vld.idx.msk [tilespmem:v2+s14+$0x0], $0xffff  }
0x239: {  	v8 =	vld.idx.msk [tilespmem:v8+s14+$0x0], $0xffff;
	[tilespmem:s26+$0xFFFFFAD0] =	vst v6  }
0x23a: {  	[tilespmem:s26+$0xFFFFFAC0] =	vst v35;
	v5 =	vld.idx.msk [tilespmem:v33+s14+$0x0], $0xffff  }
0x23b: {  	v12 =	vmov v7;
	v7 =	vld.idx.msk [tilespmem:v30+s14+$0x0], $0xffff;
	[tilespmem:s25+$0xC70] =	vst v0;
	v6 =	vor.u32 $0x7, v1  }
0x23c: {  	v0 =	vld [tilespmem:$0x1FF30];
	[tilespmem:s26+$0xFFFFFCA0] =	vst v3  }
0x23d: {  	v3 =	vld [tilespmem:$0x1FF50];
	[tilespmem:s25+$0x8D0] =	vst v2  }
0x23e: {  	[tilespmem:s26+$0xFFFFFCB0] =	vst v4;
	v2 =	vld.idx.msk [tilespmem:v11+s14+$0x0], $0xffff  }
0x23f: {  	[tilespmem:s26+$0xFFFFFC90] =	vst v5;
	v5 =	vld [tilespmem:$0x1FF40]  }
0x240: {  	v4 =	vld.idx.msk [tilespmem:v6+s14+$0x0], $0xffff  }
0x241: {  	v6 =	vld [tilespmem:$0x1FF60]  }
0x242: {  	v38 =	vld [tilespmem:$0x1FEF0]  }
0x243: {  	v36 =	vld [tilespmem:$0x1FF00];
	[tilespmem:s25+$0x700] =	vst v9  }
0x244: {  	v0 =	vld.idx.msk [tilespmem:v0+s14+$0x0], $0xffff  }
0x245: {  	[tilespmem:s26+$0xFFFFFC80] =	vst v7;
	v7 =	vmov v37;
	v37 =	vld [tilespmem:$0x1FFF0]  }
0x246: {  	s28 =	sadd.s32 $0x4, s28;
	v32 =	vld.idx.msk [tilespmem:v3+s14+$0x0], $0xffff;
	v3 =	vor.u32 $0x8, v1  }
0x247: {  	p1 =	slt.u32 s28, $0x18;
	[tilespmem:s25+$0x8E0] =	vst v8;
	v5 =	vld.idx.msk [tilespmem:v5+s14+$0x0], $0xffff  }
.Ltmp3:
0x248: {  	v31 =	vld.idx.msk [tilespmem:v10+s14+$0x0], $0xffff;
	(pc) =	sbr.rel @p1 .LBB2_9-.Ltmp3, $4  }
0x249: {  	v33 =	vld.idx.msk [tilespmem:v6+s14+$0x0], $0xffff;
	[tilespmem:s25+$0x8C0] =	vst v0  }
0x24a: {  	[tilespmem:s26+$0xFFFFFE70] =	vst v4;
	v30 =	vld.idx.msk [tilespmem:v28+s14+$0x0], $0xffff  }
0x24b: {  	v15 =	vmovc v54;
	v19 =	vmovc v55;
	v17 =	vmov v56;
	v13 =	vmov v62;
	v14 =	vmov v58;
	[tilespmem:s25+$0xA90] =	vst v2;
	v28 =	vld.idx.msk [tilespmem:v3+s14+$0x0], $0xffff  }
0x24c: {  	s29 =	sadd.s32 $0x40, s29;
	v42 =	vmovc v45;
	v35 =	vmovc v46;
	v11 =	vmov v43;
	v10 =	vmov v39;
	v6 =	vmov v40;
	v29 =	vld.idx.msk [tilespmem:v29+s14+$0x0], $0xffff;
	[tilespmem:s26+$0xFFFFFE50] =	vst v5  }
0x24d: {  	_ =	sdelay $0x3  }
0x24e: {  	v0 =	vld.idx.msk [tilespmem:v26+s14+$0x0], $0xffff;
	[tilespmem:s26+$0xFFFFFE60] =	vst v32;
	v2 =	vor.u32 $0x9, v1  }
0x24f: {  	[tilespmem:s26+$0xFFFFFE40] =	vst v33;
	v3 =	vld.idx.msk [tilespmem:v27+s14+$0x0], $0xffff  }
0x250: {  	v4 =	vld.idx.msk [tilespmem:v24+s14+$0x0], $0xffff;
	_ =	sdelay $0x1  }
0x251: {  	[tilespmem:s26+$0x30] =	vst v28  }
0x252: {  	[tilespmem:s26+$0x10] =	vst v0;
	v45 =	vld.idx.msk [tilespmem:v2+s14+$0x0], $0xffff  }
0x253: {  	v48 =	vor.u32 $0xA, v1;
	v46 =	vld.idx.msk [tilespmem:v22+s14+$0x0], $0xffff;
	[tilespmem:s26+$0x20] =	vst v3  }
0x254: {  	[tilespmem:s26+$0x0] =	vst v4;
	v49 =	vld.idx.msk [tilespmem:v21+s14+$0x0], $0xffff  }
0x255: {  	v5 =	vld.idx.msk [tilespmem:v20+s14+$0x0], $0xffff;
	_ =	sdelay $0x1  }
0x256: {  	[tilespmem:s26+$0x1F0] =	vst v45  }
0x257: {  	[tilespmem:s26+$0x1D0] =	vst v46;
	v0 =	vld.idx.msk [tilespmem:v48+s14+$0x0], $0xffff  }
0x258: {  	v50 =	vor.u32 $0xB, v1;
	[tilespmem:s26+$0x1E0] =	vst v49;
	v51 =	vld.idx.msk [tilespmem:v15+s14+$0x0], $0xffff  }
0x259: {  	[tilespmem:s26+$0x1C0] =	vst v5;
	v4 =	vld.idx.msk [tilespmem:v19+s14+$0x0], $0xffff  }
0x25a: {  	v5 =	vld.idx.msk [tilespmem:v18+s14+$0x0], $0xffff;
	_ =	sdelay $0x1  }
0x25b: {  	[tilespmem:s26+$0x3B0] =	vst v0  }
0x25c: {  	v0 =	vld.idx.msk [tilespmem:v50+s14+$0x0], $0xffff;
	[tilespmem:s26+$0x390] =	vst v51  }
0x25d: {  	v52 =	vor.u32 $0xC, v1;
	[tilespmem:s26+$0x3A0] =	vst v4;
	v3 =	vld.idx.msk [tilespmem:v16+s14+$0x0], $0xffff  }
0x25e: {  	[tilespmem:s26+$0x380] =	vst v5;
	v4 =	vld.idx.msk [tilespmem:v17+s14+$0x0], $0xffff  }
0x25f: {  	v5 =	vld.idx.msk [tilespmem:v13+s14+$0x0], $0xffff;
	_ =	sdelay $0x1  }
0x260: {  	[tilespmem:s26+$0x570] =	vst v0  }
0x261: {  	v0 =	vld.idx.msk [tilespmem:v52+s14+$0x0], $0xffff;
	[tilespmem:s26+$0x550] =	vst v3  }
0x262: {  	v53 =	vor.u32 $0xD, v1;
	[tilespmem:s26+$0x560] =	vst v4;
	v3 =	vld.idx.msk [tilespmem:v14+s14+$0x0], $0xffff  }
0x263: {  	[tilespmem:s26+$0x540] =	vst v5;
	v4 =	vld.idx.msk [tilespmem:v47+s14+$0x0], $0xffff  }
0x264: {  	v5 =	vld.idx.msk [tilespmem:v12+s14+$0x0], $0xffff;
	_ =	sdelay $0x1  }
0x265: {  	[tilespmem:s26+$0x730] =	vst v0  }
0x266: {  	v0 =	vld.idx.msk [tilespmem:v53+s14+$0x0], $0xffff;
	[tilespmem:s26+$0x710] =	vst v3  }
0x267: {  	v54 =	vor.u32 $0xE, v1;
	[tilespmem:s26+$0x720] =	vst v4;
	v3 =	vld.idx.msk [tilespmem:v41+s14+$0x0], $0xffff  }
0x268: {  	[tilespmem:s26+$0x700] =	vst v5;
	v4 =	vld.idx.msk [tilespmem:v35+s14+$0x0], $0xffff  }
0x269: {  	v5 =	vld.idx.msk [tilespmem:v42+s14+$0x0], $0xffff  }
0x26a: {  	[tilespmem:s25+$0xAA0] =	vst v31  }
0x26b: {  	[tilespmem:s26+$0x8F0] =	vst v0  }
0x26c: {  	v0 =	vld.idx.msk [tilespmem:v54+s14+$0x0], $0xffff;
	[tilespmem:s26+$0x8D0] =	vst v3  }
0x26d: {  	v55 =	vor.u32 $0xF, v1;
	s28 =	sshll.u32 s24, $0x6;
	v56 =	vld.idx.msk [tilespmem:v11+s14+$0x0], $0xffff;
	[tilespmem:s26+$0x8E0] =	vst v4  }
0x26e: {  	s29 =	sor.u32 s3, s28;
	[tilespmem:s26+$0x8C0] =	vst v5;
	v57 =	vld.idx.msk [tilespmem:v10+s14+$0x0], $0xffff  }
0x26f: {  	[tilespmem:s25+$0xA80] =	vst v30;
	s30 =	smulhi.u32 $0x92492493, s29;
	v58 =	vld.idx.msk [tilespmem:v6+s14+$0x0], $0xffff  }
0x270: {  	v59 =	vld.idx.msk [tilespmem:v36+s14+$0x0], $0xffff;
	[tilespmem:s25+$0xC50] =	vst v29  }
0x271: {  	v60 =	vld.idx.msk [tilespmem:v38+s14+$0x0], $0xffff;
	s30 =	sshrl.u32 s30, $0x7;
	[tilespmem:s26+$0xAB0] =	vst v0  }
0x272: {  	s30 =	smul.u32 $0xE0, s30;
	v0 =	vld.idx.msk [tilespmem:v55+s14+$0x0], $0xffff;
	[tilespmem:s26+$0xA90] =	vst v56  }
0x273: {  	s28 =	smulhi.u32 $0x92492493, s28;
	v61 =	vld.idx.msk [tilespmem:v7+s14+$0x0], $0xffff;
	[tilespmem:s26+$0xAA0] =	vst v57  }
0x274: {  	s29 =	ssub.s32 s29, s30;
	[tilespmem:s26+$0xA80] =	vst v58;
	v62 =	vld.idx.msk [tilespmem:v25+s14+$0x0], $0xffff  }
0x275: {  	s24 =	sadd.s32 $0x1, s24;
	s28 =	sshrl.u32 s28, $0x7;
	[tilespmem:s25+$0xC60] =	vst v59;
	s29 =	smul.u32 $0x1C0, s29;
	v63 =	vld.idx.msk [tilespmem:v23+s14+$0x0], $0xffff  }
0x276: {  	p1 =	sne.s32 s24, $0x5F;
	s30 =	smul.u32 $0x186A00, s28;
	[tilespmem:s25+$0xC40] =	vst v60  }
.Ltmp4:
0x277: {  	s31 =	smin.u32 s29, $0x184E0;
	[tilespmem:s26+$0xC70] =	vst v0;
	(pc) =	sbr.rel @p1 .LBB2_2-.Ltmp4, $4  }
0x278: {  	s25 =	sadd.s32 s30, s31;
	[tilespmem:s26+$0xC50] =	vst v61  }
0x279: {  	s25 =	sshrl.u32 s25, $0x3;
	[tilespmem:s26+$0xC60] =	vst v62  }
0x27a: {  	s25 =	sadd.s32 s6, s25;
	[tilespmem:s26+$0xC40] =	vst v63  }
0x27b: {  	[hbm4b:s25+s13] =	stream.strided.scatter [tilespmem:s19], [sflag:$0x3], $0x1C00, s18, s13, $0x38;
	[tilespmem:$0x1FA28] =	vst v63  }
0x27c: {  	s23 =	sadd.s32 $0x1, s23  }
0x27d: {  	_ =	swait.ge [sflag:s20], $0x1C00;
	p1 =	sne.s32 s23, s10  }
.Ltmp5:
0x27e: {  	[sflag:s20] =	ssyncset.done $0x0;
	(pc) =	sbr.rel @p1 .LBB2_1-.Ltmp5, $4  }
0x27f: {  	[sflag:s20] =	ssyncadd.s32 $0xFFFFE400  }
0x280: {  	_ =	swait.ge [sflag:s21], $0x1C00  }
0x281: {  	[sflag:s21] =	ssyncset.done $0x0  }
0x282: {  	[sflag:s21] =	ssyncadd.s32 $0xFFFFE400  }
0x283: {  	_ =	sfence.sel $0x180000  }
0x284: {  	[bflag:$0x0] =	sbarrier.arrive $0xFFFF  }
0x285: {  	_ =	strace $0x90000047  }
0x286: {  	s0 =	sadd.s32 @!p0 $0x100000, s0;
	[bflag:$0x2] =	sbarrier.arrive $0xFFFF  }
0x287: {  	[sflag:s0] =	ssyncadd.tile.s32 @!p0 $0x1;
	_ =	shalt  }
.Lfunc_end2:
_tile_overlayer_lowered:
.L_overlay_start_2:
0x288: {  	(tag) =	ssettag $0x2  }
0x289: {  	s0 =	rddreg [dreg:$0x0];
	s2 =	stileid.u32  }
0x28a: {  	s1 =	rddreg [dreg:$0x1];
	p0 =	sne.s32 s2, $0x0  }
0x28b: {  	s3 =	rddreg [dreg:$0x2];
	[bflag:$0x3] =	sbarrier.arrive $0xFFFF;
	s2 =	simm.s32 @!p0 $0x1C07  }
0x28c: {  	[timem:s3], [sflag:s2] =	dma.local @!p0 [hbm:s0], s1  }
0x28d: {  	s0 =	simm.s32 @!p0 $0x7  }
0x28e: {  	_ =	swait.ge @!p0 [sflag:s0], s1  }
0x28f: {  	s1 =	ssub.s32 @!p0 $0x0, s1;
	[sflag:s0] =	ssyncset.done @!p0 $0x0  }
0x290: {  	[sflag:s0] =	ssyncadd.s32 @!p0 s1  }
0x291: {  	[bflag:$0x3] =	sbarrier.arrive $0xFFFF  }
0x292: {  	_ =	shalt  }

</sc_bundles>
